<compile_context>
chip_gen: v7x
topology: tpu7x:2x2x1
jax: 0.10.2.dev20260603
libtpu: 0.0.44.dev20260713+nightly
codegen_flags: <defaults>
</compile_context>

<pallas_src>
import jax
import jax.numpy as jnp
from jax import lax
from jax.experimental import pallas as pl
from jax.experimental.pallas import tpu as pltpu
from jax.experimental.pallas import tpu_sc as plsc

VOCAB = 100000
D = 64
B, V, C = 1024, 50, 20
NW = 32
BW = B // NW
G = C * BW
CV = C * V


def _body(x_hbm, table_hbm, out_hbm, idx_v,
          rows0, rows1, out0, out1, sem0, sem1):
    nc = 2
    wid = lax.axis_index("s") * nc + lax.axis_index("c")
    b0 = wid * BW
    rows_b = (rows0, rows1)
    out_b = (out0, out1)
    sem_b = (sem0, sem1)
    pltpu.sync_copy(x_hbm.at[:, pl.ds(b0, BW)], idx_v)

    def fire(v, buf):
        for c in range(C):
            pltpu.async_copy(
                table_hbm.at[idx_v.at[c * V + v]],
                rows_b[buf].at[pl.ds(c * BW, BW)], sem_b[buf])

    def drain(buf):
        pltpu.make_async_copy(
            table_hbm.at[pl.ds(0, G)], rows_b[buf], sem_b[buf]).wait()

    def step(v, buf):
        rows_v = rows_b[buf]
        out_v = out_b[buf]

        @pl.when(v + 1 < V)
        def _():
            fire(v + 1, 1 - buf)

        drain(buf)

        def acc_body(bl, _):
            for dw in range(D // 16):
                acc = rows_v[bl, pl.ds(dw * 16, 16)]
                for c in range(1, C):
                    acc = acc + rows_v[c * BW + bl, pl.ds(dw * 16, 16)]
                out_v[bl, pl.ds(dw * 16, 16)] = acc
            return 0

        lax.fori_loop(0, BW, acc_body, 0)
        pltpu.sync_copy(out_v, out_hbm.at[v, pl.ds(b0, BW), :])

    fire(0, 0)

    def outer(v0, _):
        for p in range(2):
            step(v0 + p, p)
        return 0

    lax.fori_loop(0, V // 2, lambda i, c: outer(i * 2, c), 0)


@jax.jit
def kernel(x, table):
    xq = (x.astype(jnp.int32) * 2).transpose(2, 1, 0).reshape(CV, B)
    mesh = plsc.VectorSubcoreMesh(core_axis_name="c", subcore_axis_name="s")
    out = pl.kernel(
        _body,
        out_type=jax.ShapeDtypeStruct((V, B, D), jnp.float32),
        mesh=mesh,
        compiler_params=pltpu.CompilerParams(use_tc_tiling_on_sc=False),
        scratch_types=[
            pltpu.VMEM((CV, BW), jnp.int32),
            pltpu.VMEM((G, D), jnp.float32),
            pltpu.VMEM((G, D), jnp.float32),
            pltpu.VMEM((BW, D), jnp.float32),
            pltpu.VMEM((BW, D), jnp.float32),
            pltpu.SemaphoreType.DMA,
            pltpu.SemaphoreType.DMA,
        ],
    )(xq, jnp.pad(table, ((0, 7), (0, D))).reshape(2 * (VOCAB + 8), D))
    return out.transpose(1, 0, 2)

# --- scband reference (transcript-rebuilt; emitter-appended) ---
"""Pipeline reference for scband-code-embedding-55525337203148 (READ-ONLY COPY).

The authoritative reference and input builder live on the scoring server;
editing this copy changes nothing except your own understanding.
"""

import jax, jax.numpy as jnp
import numpy as np

VOCAB = 100000
EMBED_DIM = 64

def setup_inputs(seed: int = 0) -> dict:
    key = jax.random.key(seed)
    k1, k2 = jax.random.split(key)
    x = jax.random.randint(k1, (1024, 50, 20), 0, VOCAB + 1, dtype=jnp.int64)
    table = jax.random.normal(k2, (VOCAB + 1, EMBED_DIM), dtype=jnp.float32)
    # padding_idx=0 -> row 0 is zero
    table = table.at[0].set(0.0)
    return {"x": x, "table": table}

def reference(x, table):
    # nn.Embedding(padding_idx=0): enforce zero row for padding index
    pad_mask = jnp.ones((table.shape[0], 1), dtype=table.dtype).at[0].set(0.0)
    tbl = table * pad_mask
    emb = jnp.take(tbl, x, axis=0)  # [B, V, C, D]
    # dropout is identity in eval mode
    return emb.sum(axis=2)  # [B, V, D]

if __name__ == "__main__":
    import jax
    _d = setup_inputs()
    print(jax.jit(kernel)(*tuple(_d.values())))

</pallas_src>

<mosaic_0001>
#map = affine_map<(d0, d1) -> (0, 0)>
#map1 = affine_map<(d0, d1) -> (0, 0, 0)>
module attributes {stable_mosaic.version = 14 : i64} {
  func.func @_body(%arg0: i32, %arg1: i32, %arg2: memref<1000x1024xi32, #tpu.memory_space<hbm>>, %arg3: memref<200016x64xf32, #tpu.memory_space<hbm>>, %arg4: memref<50x1024x64xf32, #tpu.memory_space<hbm>>, %arg5: memref<1000x32xi32, #tpu.memory_space<vmem>>, %arg6: memref<640x64xf32, #tpu.memory_space<vmem>>, %arg7: memref<640x64xf32, #tpu.memory_space<vmem>>, %arg8: memref<32x64xf32, #tpu.memory_space<vmem>>, %arg9: memref<32x64xf32, #tpu.memory_space<vmem>>, %arg10: memref<!tpu.dma_semaphore, #tpu.memory_space<semaphore_mem>>, %arg11: memref<!tpu.dma_semaphore, #tpu.memory_space<semaphore_mem>>) attributes {dimension_semantics = [#tpu.dimension_semantics<core_parallel>, #tpu.dimension_semantics<subcore_parallel>], iteration_bounds = array<i64: 2, 16>, scalar_prefetch = 0 : i64, scratch_operands = 7 : i64, tpu.core_type = #tpu.core_type<sc_vector_subcore>, window_params = [{transform_indices = #map}, {transform_indices = #map}, {transform_indices = #map1}]} {
    %mul3A = arith.constant 2 : i32
    %mul3A_0 = arith.muli %arg1, %mul3A : i32
    %add3A = arith.addi %mul3A_0, %arg0 : i32
    %mul3A_1 = arith.constant 32 : i32
    %mul3A_2 = arith.muli %add3A, %mul3A_1 : i32
    "tpu.region"() ({
      %run_scoped3A = tpu.sem_alloc : memref<!tpu.dma_semaphore, #tpu.memory_space<semaphore_mem>>
      %dma_start3A_208 = arith.constant 0 : i32
      %dma_start3A_209 = tpu.memref_slice %arg2[%dma_start3A_208, %mul3A_2] : memref<1000x1024xi32, #tpu.memory_space<hbm>> -> memref<1000x32xi32, #tpu.memory_space<hbm>>
      %dma_start3A_210 = arith.constant 0 : i32
      %dma_start3A_211 = tpu.memref_slice %arg2[%dma_start3A_210, %mul3A_2] : memref<1000x1024xi32, #tpu.memory_space<hbm>> -> memref<1000x32xi32, #tpu.memory_space<hbm>>
      tpu.enqueue_dma source(%dma_start3A_211 : memref<1000x32xi32, #tpu.memory_space<hbm>>) target(%arg5 : memref<1000x32xi32, #tpu.memory_space<vmem>>) target_semaphore(%run_scoped3A : memref<!tpu.dma_semaphore, #tpu.memory_space<semaphore_mem>>)
      %dma_wait3A = arith.constant 0 : i32
      %dma_wait3A_212 = tpu.memref_slice %arg2[%dma_wait3A, %mul3A_2] : memref<1000x1024xi32, #tpu.memory_space<hbm>> -> memref<1000x32xi32, #tpu.memory_space<hbm>>
      %dma_wait3A_213 = arith.constant 0 : i32
      %dma_wait3A_214 = tpu.memref_slice %arg2[%dma_wait3A_213, %mul3A_2] : memref<1000x1024xi32, #tpu.memory_space<hbm>> -> memref<1000x32xi32, #tpu.memory_space<hbm>>
      tpu.wait_dma2 semaphore(%run_scoped3A : memref<!tpu.dma_semaphore, #tpu.memory_space<semaphore_mem>>) src(%dma_wait3A_214 : memref<1000x32xi32, #tpu.memory_space<hbm>>) dst(%arg5 : memref<1000x32xi32, #tpu.memory_space<vmem>>)
      tpu.yield
    }) : () -> ()
    %dma_start3A = arith.constant 0 : i32
    %dma_start3A_3 = arith.constant 0 : i32
    %dma_start3A_4 = arith.constant 0 : i32
    %dma_start3A_5 = tpu.memref_slice %arg6[%dma_start3A_3, %dma_start3A_4] : memref<640x64xf32, #tpu.memory_space<vmem>> -> memref<32x64xf32, #tpu.memory_space<vmem>>
    %dma_start3A_6 = arith.constant 0 : i32
    %dma_start3A_7 = tpu.memref_slice %arg5[%dma_start3A, %dma_start3A_6] : memref<1000x32xi32, #tpu.memory_space<vmem>> -> memref<1x32xi32, #tpu.memory_space<vmem>>
    %dma_start3A_8 = tpu.memref_squeeze %dma_start3A_7 : memref<1x32xi32, #tpu.memory_space<vmem>> -> memref<32xi32, #tpu.memory_space<vmem>>
    %dma_start3A_9 = arith.constant 0 : i32
    %dma_start3A_10 = arith.constant 0 : i32
    %dma_start3A_11 = tpu.memref_slice %arg3[%dma_start3A_9, %dma_start3A_10] : memref<200016x64xf32, #tpu.memory_space<hbm>> -> memref<200016x64xf32, #tpu.memory_space<hbm>>
    tpu.enqueue_indirect_dma source(%dma_start3A_11 : memref<200016x64xf32, #tpu.memory_space<hbm>>) target(%dma_start3A_5 : memref<32x64xf32, #tpu.memory_space<vmem>>) offsets(%dma_start3A_8 : memref<32xi32, #tpu.memory_space<vmem>>) semaphore(%arg10 : memref<!tpu.dma_semaphore, #tpu.memory_space<semaphore_mem>>)
    %dma_start3A_12 = arith.constant 50 : i32
    %dma_start3A_13 = arith.constant 32 : i32
    %dma_start3A_14 = arith.constant 0 : i32
    %dma_start3A_15 = tpu.memref_slice %arg6[%dma_start3A_13, %dma_start3A_14] : memref<640x64xf32, #tpu.memory_space<vmem>> -> memref<32x64xf32, #tpu.memory_space<vmem>>
    %dma_start3A_16 = arith.constant 0 : i32
    %dma_start3A_17 = tpu.memref_slice %arg5[%dma_start3A_12, %dma_start3A_16] : memref<1000x32xi32, #tpu.memory_space<vmem>> -> memref<1x32xi32, #tpu.memory_space<vmem>>
    %dma_start3A_18 = tpu.memref_squeeze %dma_start3A_17 : memref<1x32xi32, #tpu.memory_space<vmem>> -> memref<32xi32, #tpu.memory_space<vmem>>
    %dma_start3A_19 = arith.constant 0 : i32
    %dma_start3A_20 = arith.constant 0 : i32
    %dma_start3A_21 = tpu.memref_slice %arg3[%dma_start3A_19, %dma_start3A_20] : memref<200016x64xf32, #tpu.memory_space<hbm>> -> memref<200016x64xf32, #tpu.memory_space<hbm>>
    tpu.enqueue_indirect_dma source(%dma_start3A_21 : memref<200016x64xf32, #tpu.memory_space<hbm>>) target(%dma_start3A_15 : memref<32x64xf32, #tpu.memory_space<vmem>>) offsets(%dma_start3A_18 : memref<32xi32, #tpu.memory_space<vmem>>) semaphore(%arg10 : memref<!tpu.dma_semaphore, #tpu.memory_space<semaphore_mem>>)
    %dma_start3A_22 = arith.constant 100 : i32
    %dma_start3A_23 = arith.constant 64 : i32
    %dma_start3A_24 = arith.constant 0 : i32
    %dma_start3A_25 = tpu.memref_slice %arg6[%dma_start3A_23, %dma_start3A_24] : memref<640x64xf32, #tpu.memory_space<vmem>> -> memref<32x64xf32, #tpu.memory_space<vmem>>
    %dma_start3A_26 = arith.constant 0 : i32
    %dma_start3A_27 = tpu.memref_slice %arg5[%dma_start3A_22, %dma_start3A_26] : memref<1000x32xi32, #tpu.memory_space<vmem>> -> memref<1x32xi32, #tpu.memory_space<vmem>>
    %dma_start3A_28 = tpu.memref_squeeze %dma_start3A_27 : memref<1x32xi32, #tpu.memory_space<vmem>> -> memref<32xi32, #tpu.memory_space<vmem>>
    %dma_start3A_29 = arith.constant 0 : i32
    %dma_start3A_30 = arith.constant 0 : i32
    %dma_start3A_31 = tpu.memref_slice %arg3[%dma_start3A_29, %dma_start3A_30] : memref<200016x64xf32, #tpu.memory_space<hbm>> -> memref<200016x64xf32, #tpu.memory_space<hbm>>
    tpu.enqueue_indirect_dma source(%dma_start3A_31 : memref<200016x64xf32, #tpu.memory_space<hbm>>) target(%dma_start3A_25 : memref<32x64xf32, #tpu.memory_space<vmem>>) offsets(%dma_start3A_28 : memref<32xi32, #tpu.memory_space<vmem>>) semaphore(%arg10 : memref<!tpu.dma_semaphore, #tpu.memory_space<semaphore_mem>>)
    %dma_start3A_32 = arith.constant 150 : i32
    %dma_start3A_33 = arith.constant 96 : i32
    %dma_start3A_34 = arith.constant 0 : i32
    %dma_start3A_35 = tpu.memref_slice %arg6[%dma_start3A_33, %dma_start3A_34] : memref<640x64xf32, #tpu.memory_space<vmem>> -> memref<32x64xf32, #tpu.memory_space<vmem>>
    %dma_start3A_36 = arith.constant 0 : i32
    %dma_start3A_37 = tpu.memref_slice %arg5[%dma_start3A_32, %dma_start3A_36] : memref<1000x32xi32, #tpu.memory_space<vmem>> -> memref<1x32xi32, #tpu.memory_space<vmem>>
    %dma_start3A_38 = tpu.memref_squeeze %dma_start3A_37 : memref<1x32xi32, #tpu.memory_space<vmem>> -> memref<32xi32, #tpu.memory_space<vmem>>
    %dma_start3A_39 = arith.constant 0 : i32
    %dma_start3A_40 = arith.constant 0 : i32
    %dma_start3A_41 = tpu.memref_slice %arg3[%dma_start3A_39, %dma_start3A_40] : memref<200016x64xf32, #tpu.memory_space<hbm>> -> memref<200016x64xf32, #tpu.memory_space<hbm>>
    tpu.enqueue_indirect_dma source(%dma_start3A_41 : memref<200016x64xf32, #tpu.memory_space<hbm>>) target(%dma_start3A_35 : memref<32x64xf32, #tpu.memory_space<vmem>>) offsets(%dma_start3A_38 : memref<32xi32, #tpu.memory_space<vmem>>) semaphore(%arg10 : memref<!tpu.dma_semaphore, #tpu.memory_space<semaphore_mem>>)
    %dma_start3A_42 = arith.constant 200 : i32
    %dma_start3A_43 = arith.constant 128 : i32
    %dma_start3A_44 = arith.constant 0 : i32
    %dma_start3A_45 = tpu.memref_slice %arg6[%dma_start3A_43, %dma_start3A_44] : memref<640x64xf32, #tpu.memory_space<vmem>> -> memref<32x64xf32, #tpu.memory_space<vmem>>
    %dma_start3A_46 = arith.constant 0 : i32
    %dma_start3A_47 = tpu.memref_slice %arg5[%dma_start3A_42, %dma_start3A_46] : memref<1000x32xi32, #tpu.memory_space<vmem>> -> memref<1x32xi32, #tpu.memory_space<vmem>>
    %dma_start3A_48 = tpu.memref_squeeze %dma_start3A_47 : memref<1x32xi32, #tpu.memory_space<vmem>> -> memref<32xi32, #tpu.memory_space<vmem>>
    %dma_start3A_49 = arith.constant 0 : i32
    %dma_start3A_50 = arith.constant 0 : i32
    %dma_start3A_51 = tpu.memref_slice %arg3[%dma_start3A_49, %dma_start3A_50] : memref<200016x64xf32, #tpu.memory_space<hbm>> -> memref<200016x64xf32, #tpu.memory_space<hbm>>
    tpu.enqueue_indirect_dma source(%dma_start3A_51 : memref<200016x64xf32, #tpu.memory_space<hbm>>) target(%dma_start3A_45 : memref<32x64xf32, #tpu.memory_space<vmem>>) offsets(%dma_start3A_48 : memref<32xi32, #tpu.memory_space<vmem>>) semaphore(%arg10 : memref<!tpu.dma_semaphore, #tpu.memory_space<semaphore_mem>>)
    %dma_start3A_52 = arith.constant 250 : i32
    %dma_start3A_53 = arith.constant 160 : i32
    %dma_start3A_54 = arith.constant 0 : i32
    %dma_start3A_55 = tpu.memref_slice %arg6[%dma_start3A_53, %dma_start3A_54] : memref<640x64xf32, #tpu.memory_space<vmem>> -> memref<32x64xf32, #tpu.memory_space<vmem>>
    %dma_start3A_56 = arith.constant 0 : i32
    %dma_start3A_57 = tpu.memref_slice %arg5[%dma_start3A_52, %dma_start3A_56] : memref<1000x32xi32, #tpu.memory_space<vmem>> -> memref<1x32xi32, #tpu.memory_space<vmem>>
    %dma_start3A_58 = tpu.memref_squeeze %dma_start3A_57 : memref<1x32xi32, #tpu.memory_space<vmem>> -> memref<32xi32, #tpu.memory_space<vmem>>
    %dma_start3A_59 = arith.constant 0 : i32
    %dma_start3A_60 = arith.constant 0 : i32
    %dma_start3A_61 = tpu.memref_slice %arg3[%dma_start3A_59, %dma_start3A_60] : memref<200016x64xf32, #tpu.memory_space<hbm>> -> memref<200016x64xf32, #tpu.memory_space<hbm>>
    tpu.enqueue_indirect_dma source(%dma_start3A_61 : memref<200016x64xf32, #tpu.memory_space<hbm>>) target(%dma_start3A_55 : memref<32x64xf32, #tpu.memory_space<vmem>>) offsets(%dma_start3A_58 : memref<32xi32, #tpu.memory_space<vmem>>) semaphore(%arg10 : memref<!tpu.dma_semaphore, #tpu.memory_space<semaphore_mem>>)
    %dma_start3A_62 = arith.constant 300 : i32
    %dma_start3A_63 = arith.constant 192 : i32
    %dma_start3A_64 = arith.constant 0 : i32
    %dma_start3A_65 = tpu.memref_slice %arg6[%dma_start3A_63, %dma_start3A_64] : memref<640x64xf32, #tpu.memory_space<vmem>> -> memref<32x64xf32, #tpu.memory_space<vmem>>
    %dma_start3A_66 = arith.constant 0 : i32
    %dma_start3A_67 = tpu.memref_slice %arg5[%dma_start3A_62, %dma_start3A_66] : memref<1000x32xi32, #tpu.memory_space<vmem>> -> memref<1x32xi32, #tpu.memory_space<vmem>>
    %dma_start3A_68 = tpu.memref_squeeze %dma_start3A_67 : memref<1x32xi32, #tpu.memory_space<vmem>> -> memref<32xi32, #tpu.memory_space<vmem>>
    %dma_start3A_69 = arith.constant 0 : i32
    %dma_start3A_70 = arith.constant 0 : i32
    %dma_start3A_71 = tpu.memref_slice %arg3[%dma_start3A_69, %dma_start3A_70] : memref<200016x64xf32, #tpu.memory_space<hbm>> -> memref<200016x64xf32, #tpu.memory_space<hbm>>
    tpu.enqueue_indirect_dma source(%dma_start3A_71 : memref<200016x64xf32, #tpu.memory_space<hbm>>) target(%dma_start3A_65 : memref<32x64xf32, #tpu.memory_space<vmem>>) offsets(%dma_start3A_68 : memref<32xi32, #tpu.memory_space<vmem>>) semaphore(%arg10 : memref<!tpu.dma_semaphore, #tpu.memory_space<semaphore_mem>>)
    %dma_start3A_72 = arith.constant 350 : i32
    %dma_start3A_73 = arith.constant 224 : i32
    %dma_start3A_74 = arith.constant 0 : i32
    %dma_start3A_75 = tpu.memref_slice %arg6[%dma_start3A_73, %dma_start3A_74] : memref<640x64xf32, #tpu.memory_space<vmem>> -> memref<32x64xf32, #tpu.memory_space<vmem>>
    %dma_start3A_76 = arith.constant 0 : i32
    %dma_start3A_77 = tpu.memref_slice %arg5[%dma_start3A_72, %dma_start3A_76] : memref<1000x32xi32, #tpu.memory_space<vmem>> -> memref<1x32xi32, #tpu.memory_space<vmem>>
    %dma_start3A_78 = tpu.memref_squeeze %dma_start3A_77 : memref<1x32xi32, #tpu.memory_space<vmem>> -> memref<32xi32, #tpu.memory_space<vmem>>
    %dma_start3A_79 = arith.constant 0 : i32
    %dma_start3A_80 = arith.constant 0 : i32
    %dma_start3A_81 = tpu.memref_slice %arg3[%dma_start3A_79, %dma_start3A_80] : memref<200016x64xf32, #tpu.memory_space<hbm>> -> memref<200016x64xf32, #tpu.memory_space<hbm>>
    tpu.enqueue_indirect_dma source(%dma_start3A_81 : memref<200016x64xf32, #tpu.memory_space<hbm>>) target(%dma_start3A_75 : memref<32x64xf32, #tpu.memory_space<vmem>>) offsets(%dma_start3A_78 : memref<32xi32, #tpu.memory_space<vmem>>) semaphore(%arg10 : memref<!tpu.dma_semaphore, #tpu.memory_space<semaphore_mem>>)
    %dma_start3A_82 = arith.constant 400 : i32
    %dma_start3A_83 = arith.constant 256 : i32
    %dma_start3A_84 = arith.constant 0 : i32
    %dma_start3A_85 = tpu.memref_slice %arg6[%dma_start3A_83, %dma_start3A_84] : memref<640x64xf32, #tpu.memory_space<vmem>> -> memref<32x64xf32, #tpu.memory_space<vmem>>
    %dma_start3A_86 = arith.constant 0 : i32
    %dma_start3A_87 = tpu.memref_slice %arg5[%dma_start3A_82, %dma_start3A_86] : memref<1000x32xi32, #tpu.memory_space<vmem>> -> memref<1x32xi32, #tpu.memory_space<vmem>>
    %dma_start3A_88 = tpu.memref_squeeze %dma_start3A_87 : memref<1x32xi32, #tpu.memory_space<vmem>> -> memref<32xi32, #tpu.memory_space<vmem>>
    %dma_start3A_89 = arith.constant 0 : i32
    %dma_start3A_90 = arith.constant 0 : i32
    %dma_start3A_91 = tpu.memref_slice %arg3[%dma_start3A_89, %dma_start3A_90] : memref<200016x64xf32, #tpu.memory_space<hbm>> -> memref<200016x64xf32, #tpu.memory_space<hbm>>
    tpu.enqueue_indirect_dma source(%dma_start3A_91 : memref<200016x64xf32, #tpu.memory_space<hbm>>) target(%dma_start3A_85 : memref<32x64xf32, #tpu.memory_space<vmem>>) offsets(%dma_start3A_88 : memref<32xi32, #tpu.memory_space<vmem>>) semaphore(%arg10 : memref<!tpu.dma_semaphore, #tpu.memory_space<semaphore_mem>>)
    %dma_start3A_92 = arith.constant 450 : i32
    %dma_start3A_93 = arith.constant 288 : i32
    %dma_start3A_94 = arith.constant 0 : i32
    %dma_start3A_95 = tpu.memref_slice %arg6[%dma_start3A_93, %dma_start3A_94] : memref<640x64xf32, #tpu.memory_space<vmem>> -> memref<32x64xf32, #tpu.memory_space<vmem>>
    %dma_start3A_96 = arith.constant 0 : i32
    %dma_start3A_97 = tpu.memref_slice %arg5[%dma_start3A_92, %dma_start3A_96] : memref<1000x32xi32, #tpu.memory_space<vmem>> -> memref<1x32xi32, #tpu.memory_space<vmem>>
    %dma_start3A_98 = tpu.memref_squeeze %dma_start3A_97 : memref<1x32xi32, #tpu.memory_space<vmem>> -> memref<32xi32, #tpu.memory_space<vmem>>
    %dma_start3A_99 = arith.constant 0 : i32
    %dma_start3A_100 = arith.constant 0 : i32
    %dma_start3A_101 = tpu.memref_slice %arg3[%dma_start3A_99, %dma_start3A_100] : memref<200016x64xf32, #tpu.memory_space<hbm>> -> memref<200016x64xf32, #tpu.memory_space<hbm>>
    tpu.enqueue_indirect_dma source(%dma_start3A_101 : memref<200016x64xf32, #tpu.memory_space<hbm>>) target(%dma_start3A_95 : memref<32x64xf32, #tpu.memory_space<vmem>>) offsets(%dma_start3A_98 : memref<32xi32, #tpu.memory_space<vmem>>) semaphore(%arg10 : memref<!tpu.dma_semaphore, #tpu.memory_space<semaphore_mem>>)
    %dma_start3A_102 = arith.constant 500 : i32
    %dma_start3A_103 = arith.constant 320 : i32
    %dma_start3A_104 = arith.constant 0 : i32
    %dma_start3A_105 = tpu.memref_slice %arg6[%dma_start3A_103, %dma_start3A_104] : memref<640x64xf32, #tpu.memory_space<vmem>> -> memref<32x64xf32, #tpu.memory_space<vmem>>
    %dma_start3A_106 = arith.constant 0 : i32
    %dma_start3A_107 = tpu.memref_slice %arg5[%dma_start3A_102, %dma_start3A_106] : memref<1000x32xi32, #tpu.memory_space<vmem>> -> memref<1x32xi32, #tpu.memory_space<vmem>>
    %dma_start3A_108 = tpu.memref_squeeze %dma_start3A_107 : memref<1x32xi32, #tpu.memory_space<vmem>> -> memref<32xi32, #tpu.memory_space<vmem>>
    %dma_start3A_109 = arith.constant 0 : i32
    %dma_start3A_110 = arith.constant 0 : i32
    %dma_start3A_111 = tpu.memref_slice %arg3[%dma_start3A_109, %dma_start3A_110] : memref<200016x64xf32, #tpu.memory_space<hbm>> -> memref<200016x64xf32, #tpu.memory_space<hbm>>
    tpu.enqueue_indirect_dma source(%dma_start3A_111 : memref<200016x64xf32, #tpu.memory_space<hbm>>) target(%dma_start3A_105 : memref<32x64xf32, #tpu.memory_space<vmem>>) offsets(%dma_start3A_108 : memref<32xi32, #tpu.memory_space<vmem>>) semaphore(%arg10 : memref<!tpu.dma_semaphore, #tpu.memory_space<semaphore_mem>>)
    %dma_start3A_112 = arith.constant 550 : i32
    %dma_start3A_113 = arith.constant 352 : i32
    %dma_start3A_114 = arith.constant 0 : i32
    %dma_start3A_115 = tpu.memref_slice %arg6[%dma_start3A_113, %dma_start3A_114] : memref<640x64xf32, #tpu.memory_space<vmem>> -> memref<32x64xf32, #tpu.memory_space<vmem>>
    %dma_start3A_116 = arith.constant 0 : i32
    %dma_start3A_117 = tpu.memref_slice %arg5[%dma_start3A_112, %dma_start3A_116] : memref<1000x32xi32, #tpu.memory_space<vmem>> -> memref<1x32xi32, #tpu.memory_space<vmem>>
    %dma_start3A_118 = tpu.memref_squeeze %dma_start3A_117 : memref<1x32xi32, #tpu.memory_space<vmem>> -> memref<32xi32, #tpu.memory_space<vmem>>
    %dma_start3A_119 = arith.constant 0 : i32
    %dma_start3A_120 = arith.constant 0 : i32
    %dma_start3A_121 = tpu.memref_slice %arg3[%dma_start3A_119, %dma_start3A_120] : memref<200016x64xf32, #tpu.memory_space<hbm>> -> memref<200016x64xf32, #tpu.memory_space<hbm>>
    tpu.enqueue_indirect_dma source(%dma_start3A_121 : memref<200016x64xf32, #tpu.memory_space<hbm>>) target(%dma_start3A_115 : memref<32x64xf32, #tpu.memory_space<vmem>>) offsets(%dma_start3A_118 : memref<32xi32, #tpu.memory_space<vmem>>) semaphore(%arg10 : memref<!tpu.dma_semaphore, #tpu.memory_space<semaphore_mem>>)
    %dma_start3A_122 = arith.constant 600 : i32
    %dma_start3A_123 = arith.constant 384 : i32
    %dma_start3A_124 = arith.constant 0 : i32
    %dma_start3A_125 = tpu.memref_slice %arg6[%dma_start3A_123, %dma_start3A_124] : memref<640x64xf32, #tpu.memory_space<vmem>> -> memref<32x64xf32, #tpu.memory_space<vmem>>
    %dma_start3A_126 = arith.constant 0 : i32
    %dma_start3A_127 = tpu.memref_slice %arg5[%dma_start3A_122, %dma_start3A_126] : memref<1000x32xi32, #tpu.memory_space<vmem>> -> memref<1x32xi32, #tpu.memory_space<vmem>>
    %dma_start3A_128 = tpu.memref_squeeze %dma_start3A_127 : memref<1x32xi32, #tpu.memory_space<vmem>> -> memref<32xi32, #tpu.memory_space<vmem>>
    %dma_start3A_129 = arith.constant 0 : i32
    %dma_start3A_130 = arith.constant 0 : i32
    %dma_start3A_131 = tpu.memref_slice %arg3[%dma_start3A_129, %dma_start3A_130] : memref<200016x64xf32, #tpu.memory_space<hbm>> -> memref<200016x64xf32, #tpu.memory_space<hbm>>
    tpu.enqueue_indirect_dma source(%dma_start3A_131 : memref<200016x64xf32, #tpu.memory_space<hbm>>) target(%dma_start3A_125 : memref<32x64xf32, #tpu.memory_space<vmem>>) offsets(%dma_start3A_128 : memref<32xi32, #tpu.memory_space<vmem>>) semaphore(%arg10 : memref<!tpu.dma_semaphore, #tpu.memory_space<semaphore_mem>>)
    %dma_start3A_132 = arith.constant 650 : i32
    %dma_start3A_133 = arith.constant 416 : i32
    %dma_start3A_134 = arith.constant 0 : i32
    %dma_start3A_135 = tpu.memref_slice %arg6[%dma_start3A_133, %dma_start3A_134] : memref<640x64xf32, #tpu.memory_space<vmem>> -> memref<32x64xf32, #tpu.memory_space<vmem>>
    %dma_start3A_136 = arith.constant 0 : i32
    %dma_start3A_137 = tpu.memref_slice %arg5[%dma_start3A_132, %dma_start3A_136] : memref<1000x32xi32, #tpu.memory_space<vmem>> -> memref<1x32xi32, #tpu.memory_space<vmem>>
    %dma_start3A_138 = tpu.memref_squeeze %dma_start3A_137 : memref<1x32xi32, #tpu.memory_space<vmem>> -> memref<32xi32, #tpu.memory_space<vmem>>
    %dma_start3A_139 = arith.constant 0 : i32
    %dma_start3A_140 = arith.constant 0 : i32
    %dma_start3A_141 = tpu.memref_slice %arg3[%dma_start3A_139, %dma_start3A_140] : memref<200016x64xf32, #tpu.memory_space<hbm>> -> memref<200016x64xf32, #tpu.memory_space<hbm>>
    tpu.enqueue_indirect_dma source(%dma_start3A_141 : memref<200016x64xf32, #tpu.memory_space<hbm>>) target(%dma_start3A_135 : memref<32x64xf32, #tpu.memory_space<vmem>>) offsets(%dma_start3A_138 : memref<32xi32, #tpu.memory_space<vmem>>) semaphore(%arg10 : memref<!tpu.dma_semaphore, #tpu.memory_space<semaphore_mem>>)
    %dma_start3A_142 = arith.constant 700 : i32
    %dma_start3A_143 = arith.constant 448 : i32
    %dma_start3A_144 = arith.constant 0 : i32
    %dma_start3A_145 = tpu.memref_slice %arg6[%dma_start3A_143, %dma_start3A_144] : memref<640x64xf32, #tpu.memory_space<vmem>> -> memref<32x64xf32, #tpu.memory_space<vmem>>
    %dma_start3A_146 = arith.constant 0 : i32
    %dma_start3A_147 = tpu.memref_slice %arg5[%dma_start3A_142, %dma_start3A_146] : memref<1000x32xi32, #tpu.memory_space<vmem>> -> memref<1x32xi32, #tpu.memory_space<vmem>>
    %dma_start3A_148 = tpu.memref_squeeze %dma_start3A_147 : memref<1x32xi32, #tpu.memory_space<vmem>> -> memref<32xi32, #tpu.memory_space<vmem>>
    %dma_start3A_149 = arith.constant 0 : i32
    %dma_start3A_150 = arith.constant 0 : i32
    %dma_start3A_151 = tpu.memref_slice %arg3[%dma_start3A_149, %dma_start3A_150] : memref<200016x64xf32, #tpu.memory_space<hbm>> -> memref<200016x64xf32, #tpu.memory_space<hbm>>
    tpu.enqueue_indirect_dma source(%dma_start3A_151 : memref<200016x64xf32, #tpu.memory_space<hbm>>) target(%dma_start3A_145 : memref<32x64xf32, #tpu.memory_space<vmem>>) offsets(%dma_start3A_148 : memref<32xi32, #tpu.memory_space<vmem>>) semaphore(%arg10 : memref<!tpu.dma_semaphore, #tpu.memory_space<semaphore_mem>>)
    %dma_start3A_152 = arith.constant 750 : i32
    %dma_start3A_153 = arith.constant 480 : i32
    %dma_start3A_154 = arith.constant 0 : i32
    %dma_start3A_155 = tpu.memref_slice %arg6[%dma_start3A_153, %dma_start3A_154] : memref<640x64xf32, #tpu.memory_space<vmem>> -> memref<32x64xf32, #tpu.memory_space<vmem>>
    %dma_start3A_156 = arith.constant 0 : i32
    %dma_start3A_157 = tpu.memref_slice %arg5[%dma_start3A_152, %dma_start3A_156] : memref<1000x32xi32, #tpu.memory_space<vmem>> -> memref<1x32xi32, #tpu.memory_space<vmem>>
    %dma_start3A_158 = tpu.memref_squeeze %dma_start3A_157 : memref<1x32xi32, #tpu.memory_space<vmem>> -> memref<32xi32, #tpu.memory_space<vmem>>
    %dma_start3A_159 = arith.constant 0 : i32
    %dma_start3A_160 = arith.constant 0 : i32
    %dma_start3A_161 = tpu.memref_slice %arg3[%dma_start3A_159, %dma_start3A_160] : memref<200016x64xf32, #tpu.memory_space<hbm>> -> memref<200016x64xf32, #tpu.memory_space<hbm>>
    tpu.enqueue_indirect_dma source(%dma_start3A_161 : memref<200016x64xf32, #tpu.memory_space<hbm>>) target(%dma_start3A_155 : memref<32x64xf32, #tpu.memory_space<vmem>>) offsets(%dma_start3A_158 : memref<32xi32, #tpu.memory_space<vmem>>) semaphore(%arg10 : memref<!tpu.dma_semaphore, #tpu.memory_space<semaphore_mem>>)
    %dma_start3A_162 = arith.constant 800 : i32
    %dma_start3A_163 = arith.constant 512 : i32
    %dma_start3A_164 = arith.constant 0 : i32
    %dma_start3A_165 = tpu.memref_slice %arg6[%dma_start3A_163, %dma_start3A_164] : memref<640x64xf32, #tpu.memory_space<vmem>> -> memref<32x64xf32, #tpu.memory_space<vmem>>
    %dma_start3A_166 = arith.constant 0 : i32
    %dma_start3A_167 = tpu.memref_slice %arg5[%dma_start3A_162, %dma_start3A_166] : memref<1000x32xi32, #tpu.memory_space<vmem>> -> memref<1x32xi32, #tpu.memory_space<vmem>>
    %dma_start3A_168 = tpu.memref_squeeze %dma_start3A_167 : memref<1x32xi32, #tpu.memory_space<vmem>> -> memref<32xi32, #tpu.memory_space<vmem>>
    %dma_start3A_169 = arith.constant 0 : i32
    %dma_start3A_170 = arith.constant 0 : i32
    %dma_start3A_171 = tpu.memref_slice %arg3[%dma_start3A_169, %dma_start3A_170] : memref<200016x64xf32, #tpu.memory_space<hbm>> -> memref<200016x64xf32, #tpu.memory_space<hbm>>
    tpu.enqueue_indirect_dma source(%dma_start3A_171 : memref<200016x64xf32, #tpu.memory_space<hbm>>) target(%dma_start3A_165 : memref<32x64xf32, #tpu.memory_space<vmem>>) offsets(%dma_start3A_168 : memref<32xi32, #tpu.memory_space<vmem>>) semaphore(%arg10 : memref<!tpu.dma_semaphore, #tpu.memory_space<semaphore_mem>>)
    %dma_start3A_172 = arith.constant 850 : i32
    %dma_start3A_173 = arith.constant 544 : i32
    %dma_start3A_174 = arith.constant 0 : i32
    %dma_start3A_175 = tpu.memref_slice %arg6[%dma_start3A_173, %dma_start3A_174] : memref<640x64xf32, #tpu.memory_space<vmem>> -> memref<32x64xf32, #tpu.memory_space<vmem>>
    %dma_start3A_176 = arith.constant 0 : i32
    %dma_start3A_177 = tpu.memref_slice %arg5[%dma_start3A_172, %dma_start3A_176] : memref<1000x32xi32, #tpu.memory_space<vmem>> -> memref<1x32xi32, #tpu.memory_space<vmem>>
    %dma_start3A_178 = tpu.memref_squeeze %dma_start3A_177 : memref<1x32xi32, #tpu.memory_space<vmem>> -> memref<32xi32, #tpu.memory_space<vmem>>
    %dma_start3A_179 = arith.constant 0 : i32
    %dma_start3A_180 = arith.constant 0 : i32
    %dma_start3A_181 = tpu.memref_slice %arg3[%dma_start3A_179, %dma_start3A_180] : memref<200016x64xf32, #tpu.memory_space<hbm>> -> memref<200016x64xf32, #tpu.memory_space<hbm>>
    tpu.enqueue_indirect_dma source(%dma_start3A_181 : memref<200016x64xf32, #tpu.memory_space<hbm>>) target(%dma_start3A_175 : memref<32x64xf32, #tpu.memory_space<vmem>>) offsets(%dma_start3A_178 : memref<32xi32, #tpu.memory_space<vmem>>) semaphore(%arg10 : memref<!tpu.dma_semaphore, #tpu.memory_space<semaphore_mem>>)
    %dma_start3A_182 = arith.constant 900 : i32
    %dma_start3A_183 = arith.constant 576 : i32
    %dma_start3A_184 = arith.constant 0 : i32
    %dma_start3A_185 = tpu.memref_slice %arg6[%dma_start3A_183, %dma_start3A_184] : memref<640x64xf32, #tpu.memory_space<vmem>> -> memref<32x64xf32, #tpu.memory_space<vmem>>
    %dma_start3A_186 = arith.constant 0 : i32
    %dma_start3A_187 = tpu.memref_slice %arg5[%dma_start3A_182, %dma_start3A_186] : memref<1000x32xi32, #tpu.memory_space<vmem>> -> memref<1x32xi32, #tpu.memory_space<vmem>>
    %dma_start3A_188 = tpu.memref_squeeze %dma_start3A_187 : memref<1x32xi32, #tpu.memory_space<vmem>> -> memref<32xi32, #tpu.memory_space<vmem>>
    %dma_start3A_189 = arith.constant 0 : i32
    %dma_start3A_190 = arith.constant 0 : i32
    %dma_start3A_191 = tpu.memref_slice %arg3[%dma_start3A_189, %dma_start3A_190] : memref<200016x64xf32, #tpu.memory_space<hbm>> -> memref<200016x64xf32, #tpu.memory_space<hbm>>
    tpu.enqueue_indirect_dma source(%dma_start3A_191 : memref<200016x64xf32, #tpu.memory_space<hbm>>) target(%dma_start3A_185 : memref<32x64xf32, #tpu.memory_space<vmem>>) offsets(%dma_start3A_188 : memref<32xi32, #tpu.memory_space<vmem>>) semaphore(%arg10 : memref<!tpu.dma_semaphore, #tpu.memory_space<semaphore_mem>>)
    %dma_start3A_192 = arith.constant 950 : i32
    %dma_start3A_193 = arith.constant 608 : i32
    %dma_start3A_194 = arith.constant 0 : i32
    %dma_start3A_195 = tpu.memref_slice %arg6[%dma_start3A_193, %dma_start3A_194] : memref<640x64xf32, #tpu.memory_space<vmem>> -> memref<32x64xf32, #tpu.memory_space<vmem>>
    %dma_start3A_196 = arith.constant 0 : i32
    %dma_start3A_197 = tpu.memref_slice %arg5[%dma_start3A_192, %dma_start3A_196] : memref<1000x32xi32, #tpu.memory_space<vmem>> -> memref<1x32xi32, #tpu.memory_space<vmem>>
    %dma_start3A_198 = tpu.memref_squeeze %dma_start3A_197 : memref<1x32xi32, #tpu.memory_space<vmem>> -> memref<32xi32, #tpu.memory_space<vmem>>
    %dma_start3A_199 = arith.constant 0 : i32
    %dma_start3A_200 = arith.constant 0 : i32
    %dma_start3A_201 = tpu.memref_slice %arg3[%dma_start3A_199, %dma_start3A_200] : memref<200016x64xf32, #tpu.memory_space<hbm>> -> memref<200016x64xf32, #tpu.memory_space<hbm>>
    tpu.enqueue_indirect_dma source(%dma_start3A_201 : memref<200016x64xf32, #tpu.memory_space<hbm>>) target(%dma_start3A_195 : memref<32x64xf32, #tpu.memory_space<vmem>>) offsets(%dma_start3A_198 : memref<32xi32, #tpu.memory_space<vmem>>) semaphore(%arg10 : memref<!tpu.dma_semaphore, #tpu.memory_space<semaphore_mem>>)
    %scan3A = arith.constant 0 : i32
    %scan3A_202 = arith.constant 0 : i32
    %scan3A_203 = arith.constant 25 : i32
    %scan3A_204 = arith.addi %scan3A_202, %scan3A_203 : i32
    %scan3A_205 = arith.constant 1 : i32
    %scan3A_206 = scf.for %scan3A_208 = %scan3A_202 to %scan3A_204 step %scan3A_205 iter_args(%scan3A_209 = %scan3A) -> (i32)  : i32 {
      %mul3A_210 = arith.constant 2 : i32
      %mul3A_211 = arith.muli %scan3A_208, %mul3A_210 : i32
      %add3A_212 = arith.constant 0 : i32
      %add3A_213 = arith.addi %mul3A_211, %add3A_212 : i32
      %add3A_214 = arith.constant 1 : i32
      %add3A_215 = arith.addi %add3A_213, %add3A_214 : i32
      %lt3A = arith.constant 50 : i32
      %lt3A_216 = arith.cmpi slt, %add3A_215, %lt3A : i32
      %convert_element_type3A = arith.extui %lt3A_216 : i1 to i32
      %cond3A = arith.constant 0 : i32
      %cond3A_217 = arith.cmpi ne, %convert_element_type3A, %cond3A : i32
      scf.if %cond3A_217 {
        %add3A_253 = arith.constant 1 : i32
        %add3A_254 = arith.addi %add3A_213, %add3A_253 : i32
        %add3A_255 = arith.constant 0 : i32
        %add3A_256 = arith.addi %add3A_255, %add3A_254 : i32
        %dma_start3A_257 = arith.constant 0 : i32
        %dma_start3A_258 = arith.constant 0 : i32
        %dma_start3A_259 = tpu.memref_slice %arg7[%dma_start3A_257, %dma_start3A_258] : memref<640x64xf32, #tpu.memory_space<vmem>> -> memref<32x64xf32, #tpu.memory_space<vmem>>
        %dma_start3A_260 = arith.constant 0 : i32
        %dma_start3A_261 = tpu.memref_slice %arg5[%add3A_256, %dma_start3A_260] : memref<1000x32xi32, #tpu.memory_space<vmem>> -> memref<1x32xi32, #tpu.memory_space<vmem>>
        %dma_start3A_262 = tpu.memref_squeeze %dma_start3A_261 : memref<1x32xi32, #tpu.memory_space<vmem>> -> memref<32xi32, #tpu.memory_space<vmem>>
        %dma_start3A_263 = arith.constant 0 : i32
        %dma_start3A_264 = arith.constant 0 : i32
        %dma_start3A_265 = tpu.memref_slice %arg3[%dma_start3A_263, %dma_start3A_264] : memref<200016x64xf32, #tpu.memory_space<hbm>> -> memref<200016x64xf32, #tpu.memory_space<hbm>>
        tpu.enqueue_indirect_dma source(%dma_start3A_265 : memref<200016x64xf32, #tpu.memory_space<hbm>>) target(%dma_start3A_259 : memref<32x64xf32, #tpu.memory_space<vmem>>) offsets(%dma_start3A_262 : memref<32xi32, #tpu.memory_space<vmem>>) semaphore(%arg11 : memref<!tpu.dma_semaphore, #tpu.memory_space<semaphore_mem>>)
        %add3A_266 = arith.constant 50 : i32
        %add3A_267 = arith.addi %add3A_266, %add3A_254 : i32
        %dma_start3A_268 = arith.constant 32 : i32
        %dma_start3A_269 = arith.constant 0 : i32
        %dma_start3A_270 = tpu.memref_slice %arg7[%dma_start3A_268, %dma_start3A_269] : memref<640x64xf32, #tpu.memory_space<vmem>> -> memref<32x64xf32, #tpu.memory_space<vmem>>
        %dma_start3A_271 = arith.constant 0 : i32
        %dma_start3A_272 = tpu.memref_slice %arg5[%add3A_267, %dma_start3A_271] : memref<1000x32xi32, #tpu.memory_space<vmem>> -> memref<1x32xi32, #tpu.memory_space<vmem>>
        %dma_start3A_273 = tpu.memref_squeeze %dma_start3A_272 : memref<1x32xi32, #tpu.memory_space<vmem>> -> memref<32xi32, #tpu.memory_space<vmem>>
        %dma_start3A_274 = arith.constant 0 : i32
        %dma_start3A_275 = arith.constant 0 : i32
        %dma_start3A_276 = tpu.memref_slice %arg3[%dma_start3A_274, %dma_start3A_275] : memref<200016x64xf32, #tpu.memory_space<hbm>> -> memref<200016x64xf32, #tpu.memory_space<hbm>>
        tpu.enqueue_indirect_dma source(%dma_start3A_276 : memref<200016x64xf32, #tpu.memory_space<hbm>>) target(%dma_start3A_270 : memref<32x64xf32, #tpu.memory_space<vmem>>) offsets(%dma_start3A_273 : memref<32xi32, #tpu.memory_space<vmem>>) semaphore(%arg11 : memref<!tpu.dma_semaphore, #tpu.memory_space<semaphore_mem>>)
        %add3A_277 = arith.constant 100 : i32
        %add3A_278 = arith.addi %add3A_277, %add3A_254 : i32
        %dma_start3A_279 = arith.constant 64 : i32
        %dma_start3A_280 = arith.constant 0 : i32
        %dma_start3A_281 = tpu.memref_slice %arg7[%dma_start3A_279, %dma_start3A_280] : memref<640x64xf32, #tpu.memory_space<vmem>> -> memref<32x64xf32, #tpu.memory_space<vmem>>
        %dma_start3A_282 = arith.constant 0 : i32
        %dma_start3A_283 = tpu.memref_slice %arg5[%add3A_278, %dma_start3A_282] : memref<1000x32xi32, #tpu.memory_space<vmem>> -> memref<1x32xi32, #tpu.memory_space<vmem>>
        %dma_start3A_284 = tpu.memref_squeeze %dma_start3A_283 : memref<1x32xi32, #tpu.memory_space<vmem>> -> memref<32xi32, #tpu.memory_space<vmem>>
        %dma_start3A_285 = arith.constant 0 : i32
        %dma_start3A_286 = arith.constant 0 : i32
        %dma_start3A_287 = tpu.memref_slice %arg3[%dma_start3A_285, %dma_start3A_286] : memref<200016x64xf32, #tpu.memory_space<hbm>> -> memref<200016x64xf32, #tpu.memory_space<hbm>>
        tpu.enqueue_indirect_dma source(%dma_start3A_287 : memref<200016x64xf32, #tpu.memory_space<hbm>>) target(%dma_start3A_281 : memref<32x64xf32, #tpu.memory_space<vmem>>) offsets(%dma_start3A_284 : memref<32xi32, #tpu.memory_space<vmem>>) semaphore(%arg11 : memref<!tpu.dma_semaphore, #tpu.memory_space<semaphore_mem>>)
        %add3A_288 = arith.constant 150 : i32
        %add3A_289 = arith.addi %add3A_288, %add3A_254 : i32
        %dma_start3A_290 = arith.constant 96 : i32
        %dma_start3A_291 = arith.constant 0 : i32
        %dma_start3A_292 = tpu.memref_slice %arg7[%dma_start3A_290, %dma_start3A_291] : memref<640x64xf32, #tpu.memory_space<vmem>> -> memref<32x64xf32, #tpu.memory_space<vmem>>
        %dma_start3A_293 = arith.constant 0 : i32
        %dma_start3A_294 = tpu.memref_slice %arg5[%add3A_289, %dma_start3A_293] : memref<1000x32xi32, #tpu.memory_space<vmem>> -> memref<1x32xi32, #tpu.memory_space<vmem>>
        %dma_start3A_295 = tpu.memref_squeeze %dma_start3A_294 : memref<1x32xi32, #tpu.memory_space<vmem>> -> memref<32xi32, #tpu.memory_space<vmem>>
        %dma_start3A_296 = arith.constant 0 : i32
        %dma_start3A_297 = arith.constant 0 : i32
        %dma_start3A_298 = tpu.memref_slice %arg3[%dma_start3A_296, %dma_start3A_297] : memref<200016x64xf32, #tpu.memory_space<hbm>> -> memref<200016x64xf32, #tpu.memory_space<hbm>>
        tpu.enqueue_indirect_dma source(%dma_start3A_298 : memref<200016x64xf32, #tpu.memory_space<hbm>>) target(%dma_start3A_292 : memref<32x64xf32, #tpu.memory_space<vmem>>) offsets(%dma_start3A_295 : memref<32xi32, #tpu.memory_space<vmem>>) semaphore(%arg11 : memref<!tpu.dma_semaphore, #tpu.memory_space<semaphore_mem>>)
        %add3A_299 = arith.constant 200 : i32
        %add3A_300 = arith.addi %add3A_299, %add3A_254 : i32
        %dma_start3A_301 = arith.constant 128 : i32
        %dma_start3A_302 = arith.constant 0 : i32
        %dma_start3A_303 = tpu.memref_slice %arg7[%dma_start3A_301, %dma_start3A_302] : memref<640x64xf32, #tpu.memory_space<vmem>> -> memref<32x64xf32, #tpu.memory_space<vmem>>
        %dma_start3A_304 = arith.constant 0 : i32
        %dma_start3A_305 = tpu.memref_slice %arg5[%add3A_300, %dma_start3A_304] : memref<1000x32xi32, #tpu.memory_space<vmem>> -> memref<1x32xi32, #tpu.memory_space<vmem>>
        %dma_start3A_306 = tpu.memref_squeeze %dma_start3A_305 : memref<1x32xi32, #tpu.memory_space<vmem>> -> memref<32xi32, #tpu.memory_space<vmem>>
        %dma_start3A_307 = arith.constant 0 : i32
        %dma_start3A_308 = arith.constant 0 : i32
        %dma_start3A_309 = tpu.memref_slice %arg3[%dma_start3A_307, %dma_start3A_308] : memref<200016x64xf32, #tpu.memory_space<hbm>> -> memref<200016x64xf32, #tpu.memory_space<hbm>>
        tpu.enqueue_indirect_dma source(%dma_start3A_309 : memref<200016x64xf32, #tpu.memory_space<hbm>>) target(%dma_start3A_303 : memref<32x64xf32, #tpu.memory_space<vmem>>) offsets(%dma_start3A_306 : memref<32xi32, #tpu.memory_space<vmem>>) semaphore(%arg11 : memref<!tpu.dma_semaphore, #tpu.memory_space<semaphore_mem>>)
        %add3A_310 = arith.constant 250 : i32
        %add3A_311 = arith.addi %add3A_310, %add3A_254 : i32
        %dma_start3A_312 = arith.constant 160 : i32
        %dma_start3A_313 = arith.constant 0 : i32
        %dma_start3A_314 = tpu.memref_slice %arg7[%dma_start3A_312, %dma_start3A_313] : memref<640x64xf32, #tpu.memory_space<vmem>> -> memref<32x64xf32, #tpu.memory_space<vmem>>
        %dma_start3A_315 = arith.constant 0 : i32
        %dma_start3A_316 = tpu.memref_slice %arg5[%add3A_311, %dma_start3A_315] : memref<1000x32xi32, #tpu.memory_space<vmem>> -> memref<1x32xi32, #tpu.memory_space<vmem>>
        %dma_start3A_317 = tpu.memref_squeeze %dma_start3A_316 : memref<1x32xi32, #tpu.memory_space<vmem>> -> memref<32xi32, #tpu.memory_space<vmem>>
        %dma_start3A_318 = arith.constant 0 : i32
        %dma_start3A_319 = arith.constant 0 : i32
        %dma_start3A_320 = tpu.memref_slice %arg3[%dma_start3A_318, %dma_start3A_319] : memref<200016x64xf32, #tpu.memory_space<hbm>> -> memref<200016x64xf32, #tpu.memory_space<hbm>>
        tpu.enqueue_indirect_dma source(%dma_start3A_320 : memref<200016x64xf32, #tpu.memory_space<hbm>>) target(%dma_start3A_314 : memref<32x64xf32, #tpu.memory_space<vmem>>) offsets(%dma_start3A_317 : memref<32xi32, #tpu.memory_space<vmem>>) semaphore(%arg11 : memref<!tpu.dma_semaphore, #tpu.memory_space<semaphore_mem>>)
        %add3A_321 = arith.constant 300 : i32
        %add3A_322 = arith.addi %add3A_321, %add3A_254 : i32
        %dma_start3A_323 = arith.constant 192 : i32
        %dma_start3A_324 = arith.constant 0 : i32
        %dma_start3A_325 = tpu.memref_slice %arg7[%dma_start3A_323, %dma_start3A_324] : memref<640x64xf32, #tpu.memory_space<vmem>> -> memref<32x64xf32, #tpu.memory_space<vmem>>
        %dma_start3A_326 = arith.constant 0 : i32
        %dma_start3A_327 = tpu.memref_slice %arg5[%add3A_322, %dma_start3A_326] : memref<1000x32xi32, #tpu.memory_space<vmem>> -> memref<1x32xi32, #tpu.memory_space<vmem>>
        %dma_start3A_328 = tpu.memref_squeeze %dma_start3A_327 : memref<1x32xi32, #tpu.memory_space<vmem>> -> memref<32xi32, #tpu.memory_space<vmem>>
        %dma_start3A_329 = arith.constant 0 : i32
        %dma_start3A_330 = arith.constant 0 : i32
        %dma_start3A_331 = tpu.memref_slice %arg3[%dma_start3A_329, %dma_start3A_330] : memref<200016x64xf32, #tpu.memory_space<hbm>> -> memref<200016x64xf32, #tpu.memory_space<hbm>>
        tpu.enqueue_indirect_dma source(%dma_start3A_331 : memref<200016x64xf32, #tpu.memory_space<hbm>>) target(%dma_start3A_325 : memref<32x64xf32, #tpu.memory_space<vmem>>) offsets(%dma_start3A_328 : memref<32xi32, #tpu.memory_space<vmem>>) semaphore(%arg11 : memref<!tpu.dma_semaphore, #tpu.memory_space<semaphore_mem>>)
        %add3A_332 = arith.constant 350 : i32
        %add3A_333 = arith.addi %add3A_332, %add3A_254 : i32
        %dma_start3A_334 = arith.constant 224 : i32
        %dma_start3A_335 = arith.constant 0 : i32
        %dma_start3A_336 = tpu.memref_slice %arg7[%dma_start3A_334, %dma_start3A_335] : memref<640x64xf32, #tpu.memory_space<vmem>> -> memref<32x64xf32, #tpu.memory_space<vmem>>
        %dma_start3A_337 = arith.constant 0 : i32
        %dma_start3A_338 = tpu.memref_slice %arg5[%add3A_333, %dma_start3A_337] : memref<1000x32xi32, #tpu.memory_space<vmem>> -> memref<1x32xi32, #tpu.memory_space<vmem>>
        %dma_start3A_339 = tpu.memref_squeeze %dma_start3A_338 : memref<1x32xi32, #tpu.memory_space<vmem>> -> memref<32xi32, #tpu.memory_space<vmem>>
        %dma_start3A_340 = arith.constant 0 : i32
        %dma_start3A_341 = arith.constant 0 : i32
        %dma_start3A_342 = tpu.memref_slice %arg3[%dma_start3A_340, %dma_start3A_341] : memref<200016x64xf32, #tpu.memory_space<hbm>> -> memref<200016x64xf32, #tpu.memory_space<hbm>>
        tpu.enqueue_indirect_dma source(%dma_start3A_342 : memref<200016x64xf32, #tpu.memory_space<hbm>>) target(%dma_start3A_336 : memref<32x64xf32, #tpu.memory_space<vmem>>) offsets(%dma_start3A_339 : memref<32xi32, #tpu.memory_space<vmem>>) semaphore(%arg11 : memref<!tpu.dma_semaphore, #tpu.memory_space<semaphore_mem>>)
        %add3A_343 = arith.constant 400 : i32
        %add3A_344 = arith.addi %add3A_343, %add3A_254 : i32
        %dma_start3A_345 = arith.constant 256 : i32
        %dma_start3A_346 = arith.constant 0 : i32
        %dma_start3A_347 = tpu.memref_slice %arg7[%dma_start3A_345, %dma_start3A_346] : memref<640x64xf32, #tpu.memory_space<vmem>> -> memref<32x64xf32, #tpu.memory_space<vmem>>
        %dma_start3A_348 = arith.constant 0 : i32
        %dma_start3A_349 = tpu.memref_slice %arg5[%add3A_344, %dma_start3A_348] : memref<1000x32xi32, #tpu.memory_space<vmem>> -> memref<1x32xi32, #tpu.memory_space<vmem>>
        %dma_start3A_350 = tpu.memref_squeeze %dma_start3A_349 : memref<1x32xi32, #tpu.memory_space<vmem>> -> memref<32xi32, #tpu.memory_space<vmem>>
        %dma_start3A_351 = arith.constant 0 : i32
        %dma_start3A_352 = arith.constant 0 : i32
        %dma_start3A_353 = tpu.memref_slice %arg3[%dma_start3A_351, %dma_start3A_352] : memref<200016x64xf32, #tpu.memory_space<hbm>> -> memref<200016x64xf32, #tpu.memory_space<hbm>>
        tpu.enqueue_indirect_dma source(%dma_start3A_353 : memref<200016x64xf32, #tpu.memory_space<hbm>>) target(%dma_start3A_347 : memref<32x64xf32, #tpu.memory_space<vmem>>) offsets(%dma_start3A_350 : memref<32xi32, #tpu.memory_space<vmem>>) semaphore(%arg11 : memref<!tpu.dma_semaphore, #tpu.memory_space<semaphore_mem>>)
        %add3A_354 = arith.constant 450 : i32
        %add3A_355 = arith.addi %add3A_354, %add3A_254 : i32
        %dma_start3A_356 = arith.constant 288 : i32
        %dma_start3A_357 = arith.constant 0 : i32
        %dma_start3A_358 = tpu.memref_slice %arg7[%dma_start3A_356, %dma_start3A_357] : memref<640x64xf32, #tpu.memory_space<vmem>> -> memref<32x64xf32, #tpu.memory_space<vmem>>
        %dma_start3A_359 = arith.constant 0 : i32
        %dma_start3A_360 = tpu.memref_slice %arg5[%add3A_355, %dma_start3A_359] : memref<1000x32xi32, #tpu.memory_space<vmem>> -> memref<1x32xi32, #tpu.memory_space<vmem>>
        %dma_start3A_361 = tpu.memref_squeeze %dma_start3A_360 : memref<1x32xi32, #tpu.memory_space<vmem>> -> memref<32xi32, #tpu.memory_space<vmem>>
        %dma_start3A_362 = arith.constant 0 : i32
        %dma_start3A_363 = arith.constant 0 : i32
        %dma_start3A_364 = tpu.memref_slice %arg3[%dma_start3A_362, %dma_start3A_363] : memref<200016x64xf32, #tpu.memory_space<hbm>> -> memref<200016x64xf32, #tpu.memory_space<hbm>>
        tpu.enqueue_indirect_dma source(%dma_start3A_364 : memref<200016x64xf32, #tpu.memory_space<hbm>>) target(%dma_start3A_358 : memref<32x64xf32, #tpu.memory_space<vmem>>) offsets(%dma_start3A_361 : memref<32xi32, #tpu.memory_space<vmem>>) semaphore(%arg11 : memref<!tpu.dma_semaphore, #tpu.memory_space<semaphore_mem>>)
        %add3A_365 = arith.constant 500 : i32
        %add3A_366 = arith.addi %add3A_365, %add3A_254 : i32
        %dma_start3A_367 = arith.constant 320 : i32
        %dma_start3A_368 = arith.constant 0 : i32
        %dma_start3A_369 = tpu.memref_slice %arg7[%dma_start3A_367, %dma_start3A_368] : memref<640x64xf32, #tpu.memory_space<vmem>> -> memref<32x64xf32, #tpu.memory_space<vmem>>
        %dma_start3A_370 = arith.constant 0 : i32
        %dma_start3A_371 = tpu.memref_slice %arg5[%add3A_366, %dma_start3A_370] : memref<1000x32xi32, #tpu.memory_space<vmem>> -> memref<1x32xi32, #tpu.memory_space<vmem>>
        %dma_start3A_372 = tpu.memref_squeeze %dma_start3A_371 : memref<1x32xi32, #tpu.memory_space<vmem>> -> memref<32xi32, #tpu.memory_space<vmem>>
        %dma_start3A_373 = arith.constant 0 : i32
        %dma_start3A_374 = arith.constant 0 : i32
        %dma_start3A_375 = tpu.memref_slice %arg3[%dma_start3A_373, %dma_start3A_374] : memref<200016x64xf32, #tpu.memory_space<hbm>> -> memref<200016x64xf32, #tpu.memory_space<hbm>>
        tpu.enqueue_indirect_dma source(%dma_start3A_375 : memref<200016x64xf32, #tpu.memory_space<hbm>>) target(%dma_start3A_369 : memref<32x64xf32, #tpu.memory_space<vmem>>) offsets(%dma_start3A_372 : memref<32xi32, #tpu.memory_space<vmem>>) semaphore(%arg11 : memref<!tpu.dma_semaphore, #tpu.memory_space<semaphore_mem>>)
        %add3A_376 = arith.constant 550 : i32
        %add3A_377 = arith.addi %add3A_376, %add3A_254 : i32
        %dma_start3A_378 = arith.constant 352 : i32
        %dma_start3A_379 = arith.constant 0 : i32
        %dma_start3A_380 = tpu.memref_slice %arg7[%dma_start3A_378, %dma_start3A_379] : memref<640x64xf32, #tpu.memory_space<vmem>> -> memref<32x64xf32, #tpu.memory_space<vmem>>
        %dma_start3A_381 = arith.constant 0 : i32
        %dma_start3A_382 = tpu.memref_slice %arg5[%add3A_377, %dma_start3A_381] : memref<1000x32xi32, #tpu.memory_space<vmem>> -> memref<1x32xi32, #tpu.memory_space<vmem>>
        %dma_start3A_383 = tpu.memref_squeeze %dma_start3A_382 : memref<1x32xi32, #tpu.memory_space<vmem>> -> memref<32xi32, #tpu.memory_space<vmem>>
        %dma_start3A_384 = arith.constant 0 : i32
        %dma_start3A_385 = arith.constant 0 : i32
        %dma_start3A_386 = tpu.memref_slice %arg3[%dma_start3A_384, %dma_start3A_385] : memref<200016x64xf32, #tpu.memory_space<hbm>> -> memref<200016x64xf32, #tpu.memory_space<hbm>>
        tpu.enqueue_indirect_dma source(%dma_start3A_386 : memref<200016x64xf32, #tpu.memory_space<hbm>>) target(%dma_start3A_380 : memref<32x64xf32, #tpu.memory_space<vmem>>) offsets(%dma_start3A_383 : memref<32xi32, #tpu.memory_space<vmem>>) semaphore(%arg11 : memref<!tpu.dma_semaphore, #tpu.memory_space<semaphore_mem>>)
        %add3A_387 = arith.constant 600 : i32
        %add3A_388 = arith.addi %add3A_387, %add3A_254 : i32
        %dma_start3A_389 = arith.constant 384 : i32
        %dma_start3A_390 = arith.constant 0 : i32
        %dma_start3A_391 = tpu.memref_slice %arg7[%dma_start3A_389, %dma_start3A_390] : memref<640x64xf32, #tpu.memory_space<vmem>> -> memref<32x64xf32, #tpu.memory_space<vmem>>
        %dma_start3A_392 = arith.constant 0 : i32
        %dma_start3A_393 = tpu.memref_slice %arg5[%add3A_388, %dma_start3A_392] : memref<1000x32xi32, #tpu.memory_space<vmem>> -> memref<1x32xi32, #tpu.memory_space<vmem>>
        %dma_start3A_394 = tpu.memref_squeeze %dma_start3A_393 : memref<1x32xi32, #tpu.memory_space<vmem>> -> memref<32xi32, #tpu.memory_space<vmem>>
        %dma_start3A_395 = arith.constant 0 : i32
        %dma_start3A_396 = arith.constant 0 : i32
        %dma_start3A_397 = tpu.memref_slice %arg3[%dma_start3A_395, %dma_start3A_396] : memref<200016x64xf32, #tpu.memory_space<hbm>> -> memref<200016x64xf32, #tpu.memory_space<hbm>>
        tpu.enqueue_indirect_dma source(%dma_start3A_397 : memref<200016x64xf32, #tpu.memory_space<hbm>>) target(%dma_start3A_391 : memref<32x64xf32, #tpu.memory_space<vmem>>) offsets(%dma_start3A_394 : memref<32xi32, #tpu.memory_space<vmem>>) semaphore(%arg11 : memref<!tpu.dma_semaphore, #tpu.memory_space<semaphore_mem>>)
        %add3A_398 = arith.constant 650 : i32
        %add3A_399 = arith.addi %add3A_398, %add3A_254 : i32
        %dma_start3A_400 = arith.constant 416 : i32
        %dma_start3A_401 = arith.constant 0 : i32
        %dma_start3A_402 = tpu.memref_slice %arg7[%dma_start3A_400, %dma_start3A_401] : memref<640x64xf32, #tpu.memory_space<vmem>> -> memref<32x64xf32, #tpu.memory_space<vmem>>
        %dma_start3A_403 = arith.constant 0 : i32
        %dma_start3A_404 = tpu.memref_slice %arg5[%add3A_399, %dma_start3A_403] : memref<1000x32xi32, #tpu.memory_space<vmem>> -> memref<1x32xi32, #tpu.memory_space<vmem>>
        %dma_start3A_405 = tpu.memref_squeeze %dma_start3A_404 : memref<1x32xi32, #tpu.memory_space<vmem>> -> memref<32xi32, #tpu.memory_space<vmem>>
        %dma_start3A_406 = arith.constant 0 : i32
        %dma_start3A_407 = arith.constant 0 : i32
        %dma_start3A_408 = tpu.memref_slice %arg3[%dma_start3A_406, %dma_start3A_407] : memref<200016x64xf32, #tpu.memory_space<hbm>> -> memref<200016x64xf32, #tpu.memory_space<hbm>>
        tpu.enqueue_indirect_dma source(%dma_start3A_408 : memref<200016x64xf32, #tpu.memory_space<hbm>>) target(%dma_start3A_402 : memref<32x64xf32, #tpu.memory_space<vmem>>) offsets(%dma_start3A_405 : memref<32xi32, #tpu.memory_space<vmem>>) semaphore(%arg11 : memref<!tpu.dma_semaphore, #tpu.memory_space<semaphore_mem>>)
        %add3A_409 = arith.constant 700 : i32
        %add3A_410 = arith.addi %add3A_409, %add3A_254 : i32
        %dma_start3A_411 = arith.constant 448 : i32
        %dma_start3A_412 = arith.constant 0 : i32
        %dma_start3A_413 = tpu.memref_slice %arg7[%dma_start3A_411, %dma_start3A_412] : memref<640x64xf32, #tpu.memory_space<vmem>> -> memref<32x64xf32, #tpu.memory_space<vmem>>
        %dma_start3A_414 = arith.constant 0 : i32
        %dma_start3A_415 = tpu.memref_slice %arg5[%add3A_410, %dma_start3A_414] : memref<1000x32xi32, #tpu.memory_space<vmem>> -> memref<1x32xi32, #tpu.memory_space<vmem>>
        %dma_start3A_416 = tpu.memref_squeeze %dma_start3A_415 : memref<1x32xi32, #tpu.memory_space<vmem>> -> memref<32xi32, #tpu.memory_space<vmem>>
        %dma_start3A_417 = arith.constant 0 : i32
        %dma_start3A_418 = arith.constant 0 : i32
        %dma_start3A_419 = tpu.memref_slice %arg3[%dma_start3A_417, %dma_start3A_418] : memref<200016x64xf32, #tpu.memory_space<hbm>> -> memref<200016x64xf32, #tpu.memory_space<hbm>>
        tpu.enqueue_indirect_dma source(%dma_start3A_419 : memref<200016x64xf32, #tpu.memory_space<hbm>>) target(%dma_start3A_413 : memref<32x64xf32, #tpu.memory_space<vmem>>) offsets(%dma_start3A_416 : memref<32xi32, #tpu.memory_space<vmem>>) semaphore(%arg11 : memref<!tpu.dma_semaphore, #tpu.memory_space<semaphore_mem>>)
        %add3A_420 = arith.constant 750 : i32
        %add3A_421 = arith.addi %add3A_420, %add3A_254 : i32
        %dma_start3A_422 = arith.constant 480 : i32
        %dma_start3A_423 = arith.constant 0 : i32
        %dma_start3A_424 = tpu.memref_slice %arg7[%dma_start3A_422, %dma_start3A_423] : memref<640x64xf32, #tpu.memory_space<vmem>> -> memref<32x64xf32, #tpu.memory_space<vmem>>
        %dma_start3A_425 = arith.constant 0 : i32
        %dma_start3A_426 = tpu.memref_slice %arg5[%add3A_421, %dma_start3A_425] : memref<1000x32xi32, #tpu.memory_space<vmem>> -> memref<1x32xi32, #tpu.memory_space<vmem>>
        %dma_start3A_427 = tpu.memref_squeeze %dma_start3A_426 : memref<1x32xi32, #tpu.memory_space<vmem>> -> memref<32xi32, #tpu.memory_space<vmem>>
        %dma_start3A_428 = arith.constant 0 : i32
        %dma_start3A_429 = arith.constant 0 : i32
        %dma_start3A_430 = tpu.memref_slice %arg3[%dma_start3A_428, %dma_start3A_429] : memref<200016x64xf32, #tpu.memory_space<hbm>> -> memref<200016x64xf32, #tpu.memory_space<hbm>>
        tpu.enqueue_indirect_dma source(%dma_start3A_430 : memref<200016x64xf32, #tpu.memory_space<hbm>>) target(%dma_start3A_424 : memref<32x64xf32, #tpu.memory_space<vmem>>) offsets(%dma_start3A_427 : memref<32xi32, #tpu.memory_space<vmem>>) semaphore(%arg11 : memref<!tpu.dma_semaphore, #tpu.memory_space<semaphore_mem>>)
        %add3A_431 = arith.constant 800 : i32
        %add3A_432 = arith.addi %add3A_431, %add3A_254 : i32
        %dma_start3A_433 = arith.constant 512 : i32
        %dma_start3A_434 = arith.constant 0 : i32
        %dma_start3A_435 = tpu.memref_slice %arg7[%dma_start3A_433, %dma_start3A_434] : memref<640x64xf32, #tpu.memory_space<vmem>> -> memref<32x64xf32, #tpu.memory_space<vmem>>
        %dma_start3A_436 = arith.constant 0 : i32
        %dma_start3A_437 = tpu.memref_slice %arg5[%add3A_432, %dma_start3A_436] : memref<1000x32xi32, #tpu.memory_space<vmem>> -> memref<1x32xi32, #tpu.memory_space<vmem>>
        %dma_start3A_438 = tpu.memref_squeeze %dma_start3A_437 : memref<1x32xi32, #tpu.memory_space<vmem>> -> memref<32xi32, #tpu.memory_space<vmem>>
        %dma_start3A_439 = arith.constant 0 : i32
        %dma_start3A_440 = arith.constant 0 : i32
        %dma_start3A_441 = tpu.memref_slice %arg3[%dma_start3A_439, %dma_start3A_440] : memref<200016x64xf32, #tpu.memory_space<hbm>> -> memref<200016x64xf32, #tpu.memory_space<hbm>>
        tpu.enqueue_indirect_dma source(%dma_start3A_441 : memref<200016x64xf32, #tpu.memory_space<hbm>>) target(%dma_start3A_435 : memref<32x64xf32, #tpu.memory_space<vmem>>) offsets(%dma_start3A_438 : memref<32xi32, #tpu.memory_space<vmem>>) semaphore(%arg11 : memref<!tpu.dma_semaphore, #tpu.memory_space<semaphore_mem>>)
        %add3A_442 = arith.constant 850 : i32
        %add3A_443 = arith.addi %add3A_442, %add3A_254 : i32
        %dma_start3A_444 = arith.constant 544 : i32
        %dma_start3A_445 = arith.constant 0 : i32
        %dma_start3A_446 = tpu.memref_slice %arg7[%dma_start3A_444, %dma_start3A_445] : memref<640x64xf32, #tpu.memory_space<vmem>> -> memref<32x64xf32, #tpu.memory_space<vmem>>
        %dma_start3A_447 = arith.constant 0 : i32
        %dma_start3A_448 = tpu.memref_slice %arg5[%add3A_443, %dma_start3A_447] : memref<1000x32xi32, #tpu.memory_space<vmem>> -> memref<1x32xi32, #tpu.memory_space<vmem>>
        %dma_start3A_449 = tpu.memref_squeeze %dma_start3A_448 : memref<1x32xi32, #tpu.memory_space<vmem>> -> memref<32xi32, #tpu.memory_space<vmem>>
        %dma_start3A_450 = arith.constant 0 : i32
        %dma_start3A_451 = arith.constant 0 : i32
        %dma_start3A_452 = tpu.memref_slice %arg3[%dma_start3A_450, %dma_start3A_451] : memref<200016x64xf32, #tpu.memory_space<hbm>> -> memref<200016x64xf32, #tpu.memory_space<hbm>>
        tpu.enqueue_indirect_dma source(%dma_start3A_452 : memref<200016x64xf32, #tpu.memory_space<hbm>>) target(%dma_start3A_446 : memref<32x64xf32, #tpu.memory_space<vmem>>) offsets(%dma_start3A_449 : memref<32xi32, #tpu.memory_space<vmem>>) semaphore(%arg11 : memref<!tpu.dma_semaphore, #tpu.memory_space<semaphore_mem>>)
        %add3A_453 = arith.constant 900 : i32
        %add3A_454 = arith.addi %add3A_453, %add3A_254 : i32
        %dma_start3A_455 = arith.constant 576 : i32
        %dma_start3A_456 = arith.constant 0 : i32
        %dma_start3A_457 = tpu.memref_slice %arg7[%dma_start3A_455, %dma_start3A_456] : memref<640x64xf32, #tpu.memory_space<vmem>> -> memref<32x64xf32, #tpu.memory_space<vmem>>
        %dma_start3A_458 = arith.constant 0 : i32
        %dma_start3A_459 = tpu.memref_slice %arg5[%add3A_454, %dma_start3A_458] : memref<1000x32xi32, #tpu.memory_space<vmem>> -> memref<1x32xi32, #tpu.memory_space<vmem>>
        %dma_start3A_460 = tpu.memref_squeeze %dma_start3A_459 : memref<1x32xi32, #tpu.memory_space<vmem>> -> memref<32xi32, #tpu.memory_space<vmem>>
        %dma_start3A_461 = arith.constant 0 : i32
        %dma_start3A_462 = arith.constant 0 : i32
        %dma_start3A_463 = tpu.memref_slice %arg3[%dma_start3A_461, %dma_start3A_462] : memref<200016x64xf32, #tpu.memory_space<hbm>> -> memref<200016x64xf32, #tpu.memory_space<hbm>>
        tpu.enqueue_indirect_dma source(%dma_start3A_463 : memref<200016x64xf32, #tpu.memory_space<hbm>>) target(%dma_start3A_457 : memref<32x64xf32, #tpu.memory_space<vmem>>) offsets(%dma_start3A_460 : memref<32xi32, #tpu.memory_space<vmem>>) semaphore(%arg11 : memref<!tpu.dma_semaphore, #tpu.memory_space<semaphore_mem>>)
        %add3A_464 = arith.constant 950 : i32
        %add3A_465 = arith.addi %add3A_464, %add3A_254 : i32
        %dma_start3A_466 = arith.constant 608 : i32
        %dma_start3A_467 = arith.constant 0 : i32
        %dma_start3A_468 = tpu.memref_slice %arg7[%dma_start3A_466, %dma_start3A_467] : memref<640x64xf32, #tpu.memory_space<vmem>> -> memref<32x64xf32, #tpu.memory_space<vmem>>
        %dma_start3A_469 = arith.constant 0 : i32
        %dma_start3A_470 = tpu.memref_slice %arg5[%add3A_465, %dma_start3A_469] : memref<1000x32xi32, #tpu.memory_space<vmem>> -> memref<1x32xi32, #tpu.memory_space<vmem>>
        %dma_start3A_471 = tpu.memref_squeeze %dma_start3A_470 : memref<1x32xi32, #tpu.memory_space<vmem>> -> memref<32xi32, #tpu.memory_space<vmem>>
        %dma_start3A_472 = arith.constant 0 : i32
        %dma_start3A_473 = arith.constant 0 : i32
        %dma_start3A_474 = tpu.memref_slice %arg3[%dma_start3A_472, %dma_start3A_473] : memref<200016x64xf32, #tpu.memory_space<hbm>> -> memref<200016x64xf32, #tpu.memory_space<hbm>>
        tpu.enqueue_indirect_dma source(%dma_start3A_474 : memref<200016x64xf32, #tpu.memory_space<hbm>>) target(%dma_start3A_468 : memref<32x64xf32, #tpu.memory_space<vmem>>) offsets(%dma_start3A_471 : memref<32xi32, #tpu.memory_space<vmem>>) semaphore(%arg11 : memref<!tpu.dma_semaphore, #tpu.memory_space<semaphore_mem>>)
      } else {
      }
      %dma_wait3A = arith.constant 0 : i32
      %dma_wait3A_218 = arith.constant 0 : i32
      %dma_wait3A_219 = tpu.memref_slice %arg3[%dma_wait3A, %dma_wait3A_218] : memref<200016x64xf32, #tpu.memory_space<hbm>> -> memref<640x64xf32, #tpu.memory_space<hbm>>
      %dma_wait3A_220 = arith.constant 0 : i32
      %dma_wait3A_221 = arith.constant 0 : i32
      %dma_wait3A_222 = tpu.memref_slice %arg3[%dma_wait3A_220, %dma_wait3A_221] : memref<200016x64xf32, #tpu.memory_space<hbm>> -> memref<640x64xf32, #tpu.memory_space<hbm>>
      tpu.wait_dma2 semaphore(%arg10 : memref<!tpu.dma_semaphore, #tpu.memory_space<semaphore_mem>>) src(%dma_wait3A_222 : memref<640x64xf32, #tpu.memory_space<hbm>>) dst(%arg6 : memref<640x64xf32, #tpu.memory_space<vmem>>)
      %scan3A_223 = arith.constant 0 : i32
      %scan3A_224 = arith.constant 0 : i32
      %scan3A_225 = arith.constant 32 : i32
      %scan3A_226 = arith.addi %scan3A_224, %scan3A_225 : i32
      %scan3A_227 = arith.constant 1 : i32
      %scan3A_228 = scf.for %scan3A_253 = %scan3A_224 to %scan3A_226 step %scan3A_227 iter_args(%scan3A_254 = %scan3A_223) -> (i32)  : i32 {
        %get3A = arith.index_cast %scan3A_253 : i32 to index
        %get3A_255 = arith.constant 0 : index
        %get3A_256 = tpu.vector_load %arg6[%get3A, %get3A_255] {strides = array<i32>} : memref<640x64xf32, #tpu.memory_space<vmem>>, vector<1x16xf32>,
        %get3A_257 = vector.shape_cast %get3A_256 : vector<1x16xf32> to vector<16xf32>
        %add3A_258 = arith.constant 32 : i32
        %add3A_259 = arith.addi %add3A_258, %scan3A_253 : i32
        %get3A_260 = arith.index_cast %add3A_259 : i32 to index
        %get3A_261 = arith.constant 0 : index
        %get3A_262 = tpu.vector_load %arg6[%get3A_260, %get3A_261] {strides = array<i32>} : memref<640x64xf32, #tpu.memory_space<vmem>>, vector<1x16xf32>,
        %get3A_263 = vector.shape_cast %get3A_262 : vector<1x16xf32> to vector<16xf32>
        %add3A_264 = arith.addf %get3A_257, %get3A_263 : vector<16xf32>
        %add3A_265 = arith.constant 64 : i32
        %add3A_266 = arith.addi %add3A_265, %scan3A_253 : i32
        %get3A_267 = arith.index_cast %add3A_266 : i32 to index
        %get3A_268 = arith.constant 0 : index
        %get3A_269 = tpu.vector_load %arg6[%get3A_267, %get3A_268] {strides = array<i32>} : memref<640x64xf32, #tpu.memory_space<vmem>>, vector<1x16xf32>,
        %get3A_270 = vector.shape_cast %get3A_269 : vector<1x16xf32> to vector<16xf32>
        %add3A_271 = arith.addf %add3A_264, %get3A_270 : vector<16xf32>
        %add3A_272 = arith.constant 96 : i32
        %add3A_273 = arith.addi %add3A_272, %scan3A_253 : i32
        %get3A_274 = arith.index_cast %add3A_273 : i32 to index
        %get3A_275 = arith.constant 0 : index
        %get3A_276 = tpu.vector_load %arg6[%get3A_274, %get3A_275] {strides = array<i32>} : memref<640x64xf32, #tpu.memory_space<vmem>>, vector<1x16xf32>,
        %get3A_277 = vector.shape_cast %get3A_276 : vector<1x16xf32> to vector<16xf32>
        %add3A_278 = arith.addf %add3A_271, %get3A_277 : vector<16xf32>
        %add3A_279 = arith.constant 128 : i32
        %add3A_280 = arith.addi %add3A_279, %scan3A_253 : i32
        %get3A_281 = arith.index_cast %add3A_280 : i32 to index
        %get3A_282 = arith.constant 0 : index
        %get3A_283 = tpu.vector_load %arg6[%get3A_281, %get3A_282] {strides = array<i32>} : memref<640x64xf32, #tpu.memory_space<vmem>>, vector<1x16xf32>,
        %get3A_284 = vector.shape_cast %get3A_283 : vector<1x16xf32> to vector<16xf32>
        %add3A_285 = arith.addf %add3A_278, %get3A_284 : vector<16xf32>
        %add3A_286 = arith.constant 160 : i32
        %add3A_287 = arith.addi %add3A_286, %scan3A_253 : i32
        %get3A_288 = arith.index_cast %add3A_287 : i32 to index
        %get3A_289 = arith.constant 0 : index
        %get3A_290 = tpu.vector_load %arg6[%get3A_288, %get3A_289] {strides = array<i32>} : memref<640x64xf32, #tpu.memory_space<vmem>>, vector<1x16xf32>,
        %get3A_291 = vector.shape_cast %get3A_290 : vector<1x16xf32> to vector<16xf32>
        %add3A_292 = arith.addf %add3A_285, %get3A_291 : vector<16xf32>
        %add3A_293 = arith.constant 192 : i32
        %add3A_294 = arith.addi %add3A_293, %scan3A_253 : i32
        %get3A_295 = arith.index_cast %add3A_294 : i32 to index
        %get3A_296 = arith.constant 0 : index
        %get3A_297 = tpu.vector_load %arg6[%get3A_295, %get3A_296] {strides = array<i32>} : memref<640x64xf32, #tpu.memory_space<vmem>>, vector<1x16xf32>,
        %get3A_298 = vector.shape_cast %get3A_297 : vector<1x16xf32> to vector<16xf32>
        %add3A_299 = arith.addf %add3A_292, %get3A_298 : vector<16xf32>
        %add3A_300 = arith.constant 224 : i32
        %add3A_301 = arith.addi %add3A_300, %scan3A_253 : i32
        %get3A_302 = arith.index_cast %add3A_301 : i32 to index
        %get3A_303 = arith.constant 0 : index
        %get3A_304 = tpu.vector_load %arg6[%get3A_302, %get3A_303] {strides = array<i32>} : memref<640x64xf32, #tpu.memory_space<vmem>>, vector<1x16xf32>,
        %get3A_305 = vector.shape_cast %get3A_304 : vector<1x16xf32> to vector<16xf32>
        %add3A_306 = arith.addf %add3A_299, %get3A_305 : vector<16xf32>
        %add3A_307 = arith.constant 256 : i32
        %add3A_308 = arith.addi %add3A_307, %scan3A_253 : i32
        %get3A_309 = arith.index_cast %add3A_308 : i32 to index
        %get3A_310 = arith.constant 0 : index
        %get3A_311 = tpu.vector_load %arg6[%get3A_309, %get3A_310] {strides = array<i32>} : memref<640x64xf32, #tpu.memory_space<vmem>>, vector<1x16xf32>,
        %get3A_312 = vector.shape_cast %get3A_311 : vector<1x16xf32> to vector<16xf32>
        %add3A_313 = arith.addf %add3A_306, %get3A_312 : vector<16xf32>
        %add3A_314 = arith.constant 288 : i32
        %add3A_315 = arith.addi %add3A_314, %scan3A_253 : i32
        %get3A_316 = arith.index_cast %add3A_315 : i32 to index
        %get3A_317 = arith.constant 0 : index
        %get3A_318 = tpu.vector_load %arg6[%get3A_316, %get3A_317] {strides = array<i32>} : memref<640x64xf32, #tpu.memory_space<vmem>>, vector<1x16xf32>,
        %get3A_319 = vector.shape_cast %get3A_318 : vector<1x16xf32> to vector<16xf32>
        %add3A_320 = arith.addf %add3A_313, %get3A_319 : vector<16xf32>
        %add3A_321 = arith.constant 320 : i32
        %add3A_322 = arith.addi %add3A_321, %scan3A_253 : i32
        %get3A_323 = arith.index_cast %add3A_322 : i32 to index
        %get3A_324 = arith.constant 0 : index
        %get3A_325 = tpu.vector_load %arg6[%get3A_323, %get3A_324] {strides = array<i32>} : memref<640x64xf32, #tpu.memory_space<vmem>>, vector<1x16xf32>,
        %get3A_326 = vector.shape_cast %get3A_325 : vector<1x16xf32> to vector<16xf32>
        %add3A_327 = arith.addf %add3A_320, %get3A_326 : vector<16xf32>
        %add3A_328 = arith.constant 352 : i32
        %add3A_329 = arith.addi %add3A_328, %scan3A_253 : i32
        %get3A_330 = arith.index_cast %add3A_329 : i32 to index
        %get3A_331 = arith.constant 0 : index
        %get3A_332 = tpu.vector_load %arg6[%get3A_330, %get3A_331] {strides = array<i32>} : memref<640x64xf32, #tpu.memory_space<vmem>>, vector<1x16xf32>,
        %get3A_333 = vector.shape_cast %get3A_332 : vector<1x16xf32> to vector<16xf32>
        %add3A_334 = arith.addf %add3A_327, %get3A_333 : vector<16xf32>
        %add3A_335 = arith.constant 384 : i32
        %add3A_336 = arith.addi %add3A_335, %scan3A_253 : i32
        %get3A_337 = arith.index_cast %add3A_336 : i32 to index
        %get3A_338 = arith.constant 0 : index
        %get3A_339 = tpu.vector_load %arg6[%get3A_337, %get3A_338] {strides = array<i32>} : memref<640x64xf32, #tpu.memory_space<vmem>>, vector<1x16xf32>,
        %get3A_340 = vector.shape_cast %get3A_339 : vector<1x16xf32> to vector<16xf32>
        %add3A_341 = arith.addf %add3A_334, %get3A_340 : vector<16xf32>
        %add3A_342 = arith.constant 416 : i32
        %add3A_343 = arith.addi %add3A_342, %scan3A_253 : i32
        %get3A_344 = arith.index_cast %add3A_343 : i32 to index
        %get3A_345 = arith.constant 0 : index
        %get3A_346 = tpu.vector_load %arg6[%get3A_344, %get3A_345] {strides = array<i32>} : memref<640x64xf32, #tpu.memory_space<vmem>>, vector<1x16xf32>,
        %get3A_347 = vector.shape_cast %get3A_346 : vector<1x16xf32> to vector<16xf32>
        %add3A_348 = arith.addf %add3A_341, %get3A_347 : vector<16xf32>
        %add3A_349 = arith.constant 448 : i32
        %add3A_350 = arith.addi %add3A_349, %scan3A_253 : i32
        %get3A_351 = arith.index_cast %add3A_350 : i32 to index
        %get3A_352 = arith.constant 0 : index
        %get3A_353 = tpu.vector_load %arg6[%get3A_351, %get3A_352] {strides = array<i32>} : memref<640x64xf32, #tpu.memory_space<vmem>>, vector<1x16xf32>,
        %get3A_354 = vector.shape_cast %get3A_353 : vector<1x16xf32> to vector<16xf32>
        %add3A_355 = arith.addf %add3A_348, %get3A_354 : vector<16xf32>
        %add3A_356 = arith.constant 480 : i32
        %add3A_357 = arith.addi %add3A_356, %scan3A_253 : i32
        %get3A_358 = arith.index_cast %add3A_357 : i32 to index
        %get3A_359 = arith.constant 0 : index
        %get3A_360 = tpu.vector_load %arg6[%get3A_358, %get3A_359] {strides = array<i32>} : memref<640x64xf32, #tpu.memory_space<vmem>>, vector<1x16xf32>,
        %get3A_361 = vector.shape_cast %get3A_360 : vector<1x16xf32> to vector<16xf32>
        %add3A_362 = arith.addf %add3A_355, %get3A_361 : vector<16xf32>
        %add3A_363 = arith.constant 512 : i32
        %add3A_364 = arith.addi %add3A_363, %scan3A_253 : i32
        %get3A_365 = arith.index_cast %add3A_364 : i32 to index
        %get3A_366 = arith.constant 0 : index
        %get3A_367 = tpu.vector_load %arg6[%get3A_365, %get3A_366] {strides = array<i32>} : memref<640x64xf32, #tpu.memory_space<vmem>>, vector<1x16xf32>,
        %get3A_368 = vector.shape_cast %get3A_367 : vector<1x16xf32> to vector<16xf32>
        %add3A_369 = arith.addf %add3A_362, %get3A_368 : vector<16xf32>
        %add3A_370 = arith.constant 544 : i32
        %add3A_371 = arith.addi %add3A_370, %scan3A_253 : i32
        %get3A_372 = arith.index_cast %add3A_371 : i32 to index
        %get3A_373 = arith.constant 0 : index
        %get3A_374 = tpu.vector_load %arg6[%get3A_372, %get3A_373] {strides = array<i32>} : memref<640x64xf32, #tpu.memory_space<vmem>>, vector<1x16xf32>,
        %get3A_375 = vector.shape_cast %get3A_374 : vector<1x16xf32> to vector<16xf32>
        %add3A_376 = arith.addf %add3A_369, %get3A_375 : vector<16xf32>
        %add3A_377 = arith.constant 576 : i32
        %add3A_378 = arith.addi %add3A_377, %scan3A_253 : i32
        %get3A_379 = arith.index_cast %add3A_378 : i32 to index
        %get3A_380 = arith.constant 0 : index
        %get3A_381 = tpu.vector_load %arg6[%get3A_379, %get3A_380] {strides = array<i32>} : memref<640x64xf32, #tpu.memory_space<vmem>>, vector<1x16xf32>,
        %get3A_382 = vector.shape_cast %get3A_381 : vector<1x16xf32> to vector<16xf32>
        %add3A_383 = arith.addf %add3A_376, %get3A_382 : vector<16xf32>
        %add3A_384 = arith.constant 608 : i32
        %add3A_385 = arith.addi %add3A_384, %scan3A_253 : i32
        %get3A_386 = arith.index_cast %add3A_385 : i32 to index
        %get3A_387 = arith.constant 0 : index
        %get3A_388 = tpu.vector_load %arg6[%get3A_386, %get3A_387] {strides = array<i32>} : memref<640x64xf32, #tpu.memory_space<vmem>>, vector<1x16xf32>,
        %get3A_389 = vector.shape_cast %get3A_388 : vector<1x16xf32> to vector<16xf32>
        %add3A_390 = arith.addf %add3A_383, %get3A_389 : vector<16xf32>
        %swap3A = arith.index_cast %scan3A_253 : i32 to index
        %swap3A_391 = arith.constant 0 : index
        %swap3A_392 = tpu.vector_load %arg8[%swap3A, %swap3A_391] {strides = array<i32>} : memref<32x64xf32, #tpu.memory_space<vmem>>, vector<1x16xf32>,
        %swap3A_393 = vector.shape_cast %swap3A_392 : vector<1x16xf32> to vector<16xf32>
        %swap3A_394 = vector.shape_cast %add3A_390 : vector<16xf32> to vector<1x16xf32>
        tpu.vector_store %arg8[%swap3A, %swap3A_391], %swap3A_394 {strides = array<i32>} : memref<32x64xf32, #tpu.memory_space<vmem>>, vector<1x16xf32>,
        %get3A_395 = arith.index_cast %scan3A_253 : i32 to index
        %get3A_396 = arith.constant 16 : index
        %get3A_397 = tpu.vector_load %arg6[%get3A_395, %get3A_396] {strides = array<i32>} : memref<640x64xf32, #tpu.memory_space<vmem>>, vector<1x16xf32>,
        %get3A_398 = vector.shape_cast %get3A_397 : vector<1x16xf32> to vector<16xf32>
        %add3A_399 = arith.constant 32 : i32
        %add3A_400 = arith.addi %add3A_399, %scan3A_253 : i32
        %get3A_401 = arith.index_cast %add3A_400 : i32 to index
        %get3A_402 = arith.constant 16 : index
        %get3A_403 = tpu.vector_load %arg6[%get3A_401, %get3A_402] {strides = array<i32>} : memref<640x64xf32, #tpu.memory_space<vmem>>, vector<1x16xf32>,
        %get3A_404 = vector.shape_cast %get3A_403 : vector<1x16xf32> to vector<16xf32>
        %add3A_405 = arith.addf %get3A_398, %get3A_404 : vector<16xf32>
        %add3A_406 = arith.constant 64 : i32
        %add3A_407 = arith.addi %add3A_406, %scan3A_253 : i32
        %get3A_408 = arith.index_cast %add3A_407 : i32 to index
        %get3A_409 = arith.constant 16 : index
        %get3A_410 = tpu.vector_load %arg6[%get3A_408, %get3A_409] {strides = array<i32>} : memref<640x64xf32, #tpu.memory_space<vmem>>, vector<1x16xf32>,
        %get3A_411 = vector.shape_cast %get3A_410 : vector<1x16xf32> to vector<16xf32>
        %add3A_412 = arith.addf %add3A_405, %get3A_411 : vector<16xf32>
        %add3A_413 = arith.constant 96 : i32
        %add3A_414 = arith.addi %add3A_413, %scan3A_253 : i32
        %get3A_415 = arith.index_cast %add3A_414 : i32 to index
        %get3A_416 = arith.constant 16 : index
        %get3A_417 = tpu.vector_load %arg6[%get3A_415, %get3A_416] {strides = array<i32>} : memref<640x64xf32, #tpu.memory_space<vmem>>, vector<1x16xf32>,
        %get3A_418 = vector.shape_cast %get3A_417 : vector<1x16xf32> to vector<16xf32>
        %add3A_419 = arith.addf %add3A_412, %get3A_418 : vector<16xf32>
        %add3A_420 = arith.constant 128 : i32
        %add3A_421 = arith.addi %add3A_420, %scan3A_253 : i32
        %get3A_422 = arith.index_cast %add3A_421 : i32 to index
        %get3A_423 = arith.constant 16 : index
        %get3A_424 = tpu.vector_load %arg6[%get3A_422, %get3A_423] {strides = array<i32>} : memref<640x64xf32, #tpu.memory_space<vmem>>, vector<1x16xf32>,
        %get3A_425 = vector.shape_cast %get3A_424 : vector<1x16xf32> to vector<16xf32>
        %add3A_426 = arith.addf %add3A_419, %get3A_425 : vector<16xf32>
        %add3A_427 = arith.constant 160 : i32
        %add3A_428 = arith.addi %add3A_427, %scan3A_253 : i32
        %get3A_429 = arith.index_cast %add3A_428 : i32 to index
        %get3A_430 = arith.constant 16 : index
        %get3A_431 = tpu.vector_load %arg6[%get3A_429, %get3A_430] {strides = array<i32>} : memref<640x64xf32, #tpu.memory_space<vmem>>, vector<1x16xf32>,
        %get3A_432 = vector.shape_cast %get3A_431 : vector<1x16xf32> to vector<16xf32>
        %add3A_433 = arith.addf %add3A_426, %get3A_432 : vector<16xf32>
        %add3A_434 = arith.constant 192 : i32
        %add3A_435 = arith.addi %add3A_434, %scan3A_253 : i32
        %get3A_436 = arith.index_cast %add3A_435 : i32 to index
        %get3A_437 = arith.constant 16 : index
        %get3A_438 = tpu.vector_load %arg6[%get3A_436, %get3A_437] {strides = array<i32>} : memref<640x64xf32, #tpu.memory_space<vmem>>, vector<1x16xf32>,
        %get3A_439 = vector.shape_cast %get3A_438 : vector<1x16xf32> to vector<16xf32>
        %add3A_440 = arith.addf %add3A_433, %get3A_439 : vector<16xf32>
        %add3A_441 = arith.constant 224 : i32
        %add3A_442 = arith.addi %add3A_441, %scan3A_253 : i32
        %get3A_443 = arith.index_cast %add3A_442 : i32 to index
        %get3A_444 = arith.constant 16 : index
        %get3A_445 = tpu.vector_load %arg6[%get3A_443, %get3A_444] {strides = array<i32>} : memref<640x64xf32, #tpu.memory_space<vmem>>, vector<1x16xf32>,
        %get3A_446 = vector.shape_cast %get3A_445 : vector<1x16xf32> to vector<16xf32>
        %add3A_447 = arith.addf %add3A_440, %get3A_446 : vector<16xf32>
        %add3A_448 = arith.constant 256 : i32
        %add3A_449 = arith.addi %add3A_448, %scan3A_253 : i32
        %get3A_450 = arith.index_cast %add3A_449 : i32 to index
        %get3A_451 = arith.constant 16 : index
        %get3A_452 = tpu.vector_load %arg6[%get3A_450, %get3A_451] {strides = array<i32>} : memref<640x64xf32, #tpu.memory_space<vmem>>, vector<1x16xf32>,
        %get3A_453 = vector.shape_cast %get3A_452 : vector<1x16xf32> to vector<16xf32>
        %add3A_454 = arith.addf %add3A_447, %get3A_453 : vector<16xf32>
        %add3A_455 = arith.constant 288 : i32
        %add3A_456 = arith.addi %add3A_455, %scan3A_253 : i32
        %get3A_457 = arith.index_cast %add3A_456 : i32 to index
        %get3A_458 = arith.constant 16 : index
        %get3A_459 = tpu.vector_load %arg6[%get3A_457, %get3A_458] {strides = array<i32>} : memref<640x64xf32, #tpu.memory_space<vmem>>, vector<1x16xf32>,
        %get3A_460 = vector.shape_cast %get3A_459 : vector<1x16xf32> to vector<16xf32>
        %add3A_461 = arith.addf %add3A_454, %get3A_460 : vector<16xf32>
        %add3A_462 = arith.constant 320 : i32
        %add3A_463 = arith.addi %add3A_462, %scan3A_253 : i32
        %get3A_464 = arith.index_cast %add3A_463 : i32 to index
        %get3A_465 = arith.constant 16 : index
        %get3A_466 = tpu.vector_load %arg6[%get3A_464, %get3A_465] {strides = array<i32>} : memref<640x64xf32, #tpu.memory_space<vmem>>, vector<1x16xf32>,
        %get3A_467 = vector.shape_cast %get3A_466 : vector<1x16xf32> to vector<16xf32>
        %add3A_468 = arith.addf %add3A_461, %get3A_467 : vector<16xf32>
        %add3A_469 = arith.constant 352 : i32
        %add3A_470 = arith.addi %add3A_469, %scan3A_253 : i32
        %get3A_471 = arith.index_cast %add3A_470 : i32 to index
        %get3A_472 = arith.constant 16 : index
        %get3A_473 = tpu.vector_load %arg6[%get3A_471, %get3A_472] {strides = array<i32>} : memref<640x64xf32, #tpu.memory_space<vmem>>, vector<1x16xf32>,
        %get3A_474 = vector.shape_cast %get3A_473 : vector<1x16xf32> to vector<16xf32>
        %add3A_475 = arith.addf %add3A_468, %get3A_474 : vector<16xf32>
        %add3A_476 = arith.constant 384 : i32
        %add3A_477 = arith.addi %add3A_476, %scan3A_253 : i32
        %get3A_478 = arith.index_cast %add3A_477 : i32 to index
        %get3A_479 = arith.constant 16 : index
        %get3A_480 = tpu.vector_load %arg6[%get3A_478, %get3A_479] {strides = array<i32>} : memref<640x64xf32, #tpu.memory_space<vmem>>, vector<1x16xf32>,
        %get3A_481 = vector.shape_cast %get3A_480 : vector<1x16xf32> to vector<16xf32>
        %add3A_482 = arith.addf %add3A_475, %get3A_481 : vector<16xf32>
        %add3A_483 = arith.constant 416 : i32
        %add3A_484 = arith.addi %add3A_483, %scan3A_253 : i32
        %get3A_485 = arith.index_cast %add3A_484 : i32 to index
        %get3A_486 = arith.constant 16 : index
        %get3A_487 = tpu.vector_load %arg6[%get3A_485, %get3A_486] {strides = array<i32>} : memref<640x64xf32, #tpu.memory_space<vmem>>, vector<1x16xf32>,
        %get3A_488 = vector.shape_cast %get3A_487 : vector<1x16xf32> to vector<16xf32>
        %add3A_489 = arith.addf %add3A_482, %get3A_488 : vector<16xf32>
        %add3A_490 = arith.constant 448 : i32
        %add3A_491 = arith.addi %add3A_490, %scan3A_253 : i32
        %get3A_492 = arith.index_cast %add3A_491 : i32 to index
        %get3A_493 = arith.constant 16 : index
        %get3A_494 = tpu.vector_load %arg6[%get3A_492, %get3A_493] {strides = array<i32>} : memref<640x64xf32, #tpu.memory_space<vmem>>, vector<1x16xf32>,
        %get3A_495 = vector.shape_cast %get3A_494 : vector<1x16xf32> to vector<16xf32>
        %add3A_496 = arith.addf %add3A_489, %get3A_495 : vector<16xf32>
        %add3A_497 = arith.constant 480 : i32
        %add3A_498 = arith.addi %add3A_497, %scan3A_253 : i32
        %get3A_499 = arith.index_cast %add3A_498 : i32 to index
        %get3A_500 = arith.constant 16 : index
        %get3A_501 = tpu.vector_load %arg6[%get3A_499, %get3A_500] {strides = array<i32>} : memref<640x64xf32, #tpu.memory_space<vmem>>, vector<1x16xf32>,
        %get3A_502 = vector.shape_cast %get3A_501 : vector<1x16xf32> to vector<16xf32>
        %add3A_503 = arith.addf %add3A_496, %get3A_502 : vector<16xf32>
        %add3A_504 = arith.constant 512 : i32
        %add3A_505 = arith.addi %add3A_504, %scan3A_253 : i32
        %get3A_506 = arith.index_cast %add3A_505 : i32 to index
        %get3A_507 = arith.constant 16 : index
        %get3A_508 = tpu.vector_load %arg6[%get3A_506, %get3A_507] {strides = array<i32>} : memref<640x64xf32, #tpu.memory_space<vmem>>, vector<1x16xf32>,
        %get3A_509 = vector.shape_cast %get3A_508 : vector<1x16xf32> to vector<16xf32>
        %add3A_510 = arith.addf %add3A_503, %get3A_509 : vector<16xf32>
        %add3A_511 = arith.constant 544 : i32
        %add3A_512 = arith.addi %add3A_511, %scan3A_253 : i32
        %get3A_513 = arith.index_cast %add3A_512 : i32 to index
        %get3A_514 = arith.constant 16 : index
        %get3A_515 = tpu.vector_load %arg6[%get3A_513, %get3A_514] {strides = array<i32>} : memref<640x64xf32, #tpu.memory_space<vmem>>, vector<1x16xf32>,
        %get3A_516 = vector.shape_cast %get3A_515 : vector<1x16xf32> to vector<16xf32>
        %add3A_517 = arith.addf %add3A_510, %get3A_516 : vector<16xf32>
        %add3A_518 = arith.constant 576 : i32
        %add3A_519 = arith.addi %add3A_518, %scan3A_253 : i32
        %get3A_520 = arith.index_cast %add3A_519 : i32 to index
        %get3A_521 = arith.constant 16 : index
        %get3A_522 = tpu.vector_load %arg6[%get3A_520, %get3A_521] {strides = array<i32>} : memref<640x64xf32, #tpu.memory_space<vmem>>, vector<1x16xf32>,
        %get3A_523 = vector.shape_cast %get3A_522 : vector<1x16xf32> to vector<16xf32>
        %add3A_524 = arith.addf %add3A_517, %get3A_523 : vector<16xf32>
        %add3A_525 = arith.constant 608 : i32
        %add3A_526 = arith.addi %add3A_525, %scan3A_253 : i32
        %get3A_527 = arith.index_cast %add3A_526 : i32 to index
        %get3A_528 = arith.constant 16 : index
        %get3A_529 = tpu.vector_load %arg6[%get3A_527, %get3A_528] {strides = array<i32>} : memref<640x64xf32, #tpu.memory_space<vmem>>, vector<1x16xf32>,
        %get3A_530 = vector.shape_cast %get3A_529 : vector<1x16xf32> to vector<16xf32>
        %add3A_531 = arith.addf %add3A_524, %get3A_530 : vector<16xf32>
        %swap3A_532 = arith.index_cast %scan3A_253 : i32 to index
        %swap3A_533 = arith.constant 16 : index
        %swap3A_534 = tpu.vector_load %arg8[%swap3A_532, %swap3A_533] {strides = array<i32>} : memref<32x64xf32, #tpu.memory_space<vmem>>, vector<1x16xf32>,
        %swap3A_535 = vector.shape_cast %swap3A_534 : vector<1x16xf32> to vector<16xf32>
        %swap3A_536 = vector.shape_cast %add3A_531 : vector<16xf32> to vector<1x16xf32>
        tpu.vector_store %arg8[%swap3A_532, %swap3A_533], %swap3A_536 {strides = array<i32>} : memref<32x64xf32, #tpu.memory_space<vmem>>, vector<1x16xf32>,
        %get3A_537 = arith.index_cast %scan3A_253 : i32 to index
        %get3A_538 = arith.constant 32 : index
        %get3A_539 = tpu.vector_load %arg6[%get3A_537, %get3A_538] {strides = array<i32>} : memref<640x64xf32, #tpu.memory_space<vmem>>, vector<1x16xf32>,
        %get3A_540 = vector.shape_cast %get3A_539 : vector<1x16xf32> to vector<16xf32>
        %add3A_541 = arith.constant 32 : i32
        %add3A_542 = arith.addi %add3A_541, %scan3A_253 : i32
        %get3A_543 = arith.index_cast %add3A_542 : i32 to index
        %get3A_544 = arith.constant 32 : index
        %get3A_545 = tpu.vector_load %arg6[%get3A_543, %get3A_544] {strides = array<i32>} : memref<640x64xf32, #tpu.memory_space<vmem>>, vector<1x16xf32>,
        %get3A_546 = vector.shape_cast %get3A_545 : vector<1x16xf32> to vector<16xf32>
        %add3A_547 = arith.addf %get3A_540, %get3A_546 : vector<16xf32>
        %add3A_548 = arith.constant 64 : i32
        %add3A_549 = arith.addi %add3A_548, %scan3A_253 : i32
        %get3A_550 = arith.index_cast %add3A_549 : i32 to index
        %get3A_551 = arith.constant 32 : index
        %get3A_552 = tpu.vector_load %arg6[%get3A_550, %get3A_551] {strides = array<i32>} : memref<640x64xf32, #tpu.memory_space<vmem>>, vector<1x16xf32>,
        %get3A_553 = vector.shape_cast %get3A_552 : vector<1x16xf32> to vector<16xf32>
        %add3A_554 = arith.addf %add3A_547, %get3A_553 : vector<16xf32>
        %add3A_555 = arith.constant 96 : i32
        %add3A_556 = arith.addi %add3A_555, %scan3A_253 : i32
        %get3A_557 = arith.index_cast %add3A_556 : i32 to index
        %get3A_558 = arith.constant 32 : index
        %get3A_559 = tpu.vector_load %arg6[%get3A_557, %get3A_558] {strides = array<i32>} : memref<640x64xf32, #tpu.memory_space<vmem>>, vector<1x16xf32>,
        %get3A_560 = vector.shape_cast %get3A_559 : vector<1x16xf32> to vector<16xf32>
        %add3A_561 = arith.addf %add3A_554, %get3A_560 : vector<16xf32>
        %add3A_562 = arith.constant 128 : i32
        %add3A_563 = arith.addi %add3A_562, %scan3A_253 : i32
        %get3A_564 = arith.index_cast %add3A_563 : i32 to index
        %get3A_565 = arith.constant 32 : index
        %get3A_566 = tpu.vector_load %arg6[%get3A_564, %get3A_565] {strides = array<i32>} : memref<640x64xf32, #tpu.memory_space<vmem>>, vector<1x16xf32>,
        %get3A_567 = vector.shape_cast %get3A_566 : vector<1x16xf32> to vector<16xf32>
        %add3A_568 = arith.addf %add3A_561, %get3A_567 : vector<16xf32>
        %add3A_569 = arith.constant 160 : i32
        %add3A_570 = arith.addi %add3A_569, %scan3A_253 : i32
        %get3A_571 = arith.index_cast %add3A_570 : i32 to index
        %get3A_572 = arith.constant 32 : index
        %get3A_573 = tpu.vector_load %arg6[%get3A_571, %get3A_572] {strides = array<i32>} : memref<640x64xf32, #tpu.memory_space<vmem>>, vector<1x16xf32>,
        %get3A_574 = vector.shape_cast %get3A_573 : vector<1x16xf32> to vector<16xf32>
        %add3A_575 = arith.addf %add3A_568, %get3A_574 : vector<16xf32>
        %add3A_576 = arith.constant 192 : i32
        %add3A_577 = arith.addi %add3A_576, %scan3A_253 : i32
        %get3A_578 = arith.index_cast %add3A_577 : i32 to index
        %get3A_579 = arith.constant 32 : index
        %get3A_580 = tpu.vector_load %arg6[%get3A_578, %get3A_579] {strides = array<i32>} : memref<640x64xf32, #tpu.memory_space<vmem>>, vector<1x16xf32>,
        %get3A_581 = vector.shape_cast %get3A_580 : vector<1x16xf32> to vector<16xf32>
        %add3A_582 = arith.addf %add3A_575, %get3A_581 : vector<16xf32>
        %add3A_583 = arith.constant 224 : i32
        %add3A_584 = arith.addi %add3A_583, %scan3A_253 : i32
        %get3A_585 = arith.index_cast %add3A_584 : i32 to index
        %get3A_586 = arith.constant 32 : index
        %get3A_587 = tpu.vector_load %arg6[%get3A_585, %get3A_586] {strides = array<i32>} : memref<640x64xf32, #tpu.memory_space<vmem>>, vector<1x16xf32>,
        %get3A_588 = vector.shape_cast %get3A_587 : vector<1x16xf32> to vector<16xf32>
        %add3A_589 = arith.addf %add3A_582, %get3A_588 : vector<16xf32>
        %add3A_590 = arith.constant 256 : i32
        %add3A_591 = arith.addi %add3A_590, %scan3A_253 : i32
        %get3A_592 = arith.index_cast %add3A_591 : i32 to index
        %get3A_593 = arith.constant 32 : index
        %get3A_594 = tpu.vector_load %arg6[%get3A_592, %get3A_593] {strides = array<i32>} : memref<640x64xf32, #tpu.memory_space<vmem>>, vector<1x16xf32>,
        %get3A_595 = vector.shape_cast %get3A_594 : vector<1x16xf32> to vector<16xf32>
        %add3A_596 = arith.addf %add3A_589, %get3A_595 : vector<16xf32>
        %add3A_597 = arith.constant 288 : i32
        %add3A_598 = arith.addi %add3A_597, %scan3A_253 : i32
        %get3A_599 = arith.index_cast %add3A_598 : i32 to index
        %get3A_600 = arith.constant 32 : index
        %get3A_601 = tpu.vector_load %arg6[%get3A_599, %get3A_600] {strides = array<i32>} : memref<640x64xf32, #tpu.memory_space<vmem>>, vector<1x16xf32>,
        %get3A_602 = vector.shape_cast %get3A_601 : vector<1x16xf32> to vector<16xf32>
        %add3A_603 = arith.addf %add3A_596, %get3A_602 : vector<16xf32>
        %add3A_604 = arith.constant 320 : i32
        %add3A_605 = arith.addi %add3A_604, %scan3A_253 : i32
        %get3A_606 = arith.index_cast %add3A_605 : i32 to index
        %get3A_607 = arith.constant 32 : index
        %get3A_608 = tpu.vector_load %arg6[%get3A_606, %get3A_607] {strides = array<i32>} : memref<640x64xf32, #tpu.memory_space<vmem>>, vector<1x16xf32>,
        %get3A_609 = vector.shape_cast %get3A_608 : vector<1x16xf32> to vector<16xf32>
        %add3A_610 = arith.addf %add3A_603, %get3A_609 : vector<16xf32>
        %add3A_611 = arith.constant 352 : i32
        %add3A_612 = arith.addi %add3A_611, %scan3A_253 : i32
        %get3A_613 = arith.index_cast %add3A_612 : i32 to index
        %get3A_614 = arith.constant 32 : index
        %get3A_615 = tpu.vector_load %arg6[%get3A_613, %get3A_614] {strides = array<i32>} : memref<640x64xf32, #tpu.memory_space<vmem>>, vector<1x16xf32>,
        %get3A_616 = vector.shape_cast %get3A_615 : vector<1x16xf32> to vector<16xf32>
        %add3A_617 = arith.addf %add3A_610, %get3A_616 : vector<16xf32>
        %add3A_618 = arith.constant 384 : i32
        %add3A_619 = arith.addi %add3A_618, %scan3A_253 : i32
        %get3A_620 = arith.index_cast %add3A_619 : i32 to index
        %get3A_621 = arith.constant 32 : index
        %get3A_622 = tpu.vector_load %arg6[%get3A_620, %get3A_621] {strides = array<i32>} : memref<640x64xf32, #tpu.memory_space<vmem>>, vector<1x16xf32>,
        %get3A_623 = vector.shape_cast %get3A_622 : vector<1x16xf32> to vector<16xf32>
        %add3A_624 = arith.addf %add3A_617, %get3A_623 : vector<16xf32>
        %add3A_625 = arith.constant 416 : i32
        %add3A_626 = arith.addi %add3A_625, %scan3A_253 : i32
        %get3A_627 = arith.index_cast %add3A_626 : i32 to index
        %get3A_628 = arith.constant 32 : index
        %get3A_629 = tpu.vector_load %arg6[%get3A_627, %get3A_628] {strides = array<i32>} : memref<640x64xf32, #tpu.memory_space<vmem>>, vector<1x16xf32>,
        %get3A_630 = vector.shape_cast %get3A_629 : vector<1x16xf32> to vector<16xf32>
        %add3A_631 = arith.addf %add3A_624, %get3A_630 : vector<16xf32>
        %add3A_632 = arith.constant 448 : i32
        %add3A_633 = arith.addi %add3A_632, %scan3A_253 : i32
        %get3A_634 = arith.index_cast %add3A_633 : i32 to index
        %get3A_635 = arith.constant 32 : index
        %get3A_636 = tpu.vector_load %arg6[%get3A_634, %get3A_635] {strides = array<i32>} : memref<640x64xf32, #tpu.memory_space<vmem>>, vector<1x16xf32>,
        %get3A_637 = vector.shape_cast %get3A_636 : vector<1x16xf32> to vector<16xf32>
        %add3A_638 = arith.addf %add3A_631, %get3A_637 : vector<16xf32>
        %add3A_639 = arith.constant 480 : i32
        %add3A_640 = arith.addi %add3A_639, %scan3A_253 : i32
        %get3A_641 = arith.index_cast %add3A_640 : i32 to index
        %get3A_642 = arith.constant 32 : index
        %get3A_643 = tpu.vector_load %arg6[%get3A_641, %get3A_642] {strides = array<i32>} : memref<640x64xf32, #tpu.memory_space<vmem>>, vector<1x16xf32>,
        %get3A_644 = vector.shape_cast %get3A_643 : vector<1x16xf32> to vector<16xf32>
        %add3A_645 = arith.addf %add3A_638, %get3A_644 : vector<16xf32>
        %add3A_646 = arith.constant 512 : i32
        %add3A_647 = arith.addi %add3A_646, %scan3A_253 : i32
        %get3A_648 = arith.index_cast %add3A_647 : i32 to index
        %get3A_649 = arith.constant 32 : index
        %get3A_650 = tpu.vector_load %arg6[%get3A_648, %get3A_649] {strides = array<i32>} : memref<640x64xf32, #tpu.memory_space<vmem>>, vector<1x16xf32>,
        %get3A_651 = vector.shape_cast %get3A_650 : vector<1x16xf32> to vector<16xf32>
        %add3A_652 = arith.addf %add3A_645, %get3A_651 : vector<16xf32>
        %add3A_653 = arith.constant 544 : i32
        %add3A_654 = arith.addi %add3A_653, %scan3A_253 : i32
        %get3A_655 = arith.index_cast %add3A_654 : i32 to index
        %get3A_656 = arith.constant 32 : index
        %get3A_657 = tpu.vector_load %arg6[%get3A_655, %get3A_656] {strides = array<i32>} : memref<640x64xf32, #tpu.memory_space<vmem>>, vector<1x16xf32>,
        %get3A_658 = vector.shape_cast %get3A_657 : vector<1x16xf32> to vector<16xf32>
        %add3A_659 = arith.addf %add3A_652, %get3A_658 : vector<16xf32>
        %add3A_660 = arith.constant 576 : i32
        %add3A_661 = arith.addi %add3A_660, %scan3A_253 : i32
        %get3A_662 = arith.index_cast %add3A_661 : i32 to index
        %get3A_663 = arith.constant 32 : index
        %get3A_664 = tpu.vector_load %arg6[%get3A_662, %get3A_663] {strides = array<i32>} : memref<640x64xf32, #tpu.memory_space<vmem>>, vector<1x16xf32>,
        %get3A_665 = vector.shape_cast %get3A_664 : vector<1x16xf32> to vector<16xf32>
        %add3A_666 = arith.addf %add3A_659, %get3A_665 : vector<16xf32>
        %add3A_667 = arith.constant 608 : i32
        %add3A_668 = arith.addi %add3A_667, %scan3A_253 : i32
        %get3A_669 = arith.index_cast %add3A_668 : i32 to index
        %get3A_670 = arith.constant 32 : index
        %get3A_671 = tpu.vector_load %arg6[%get3A_669, %get3A_670] {strides = array<i32>} : memref<640x64xf32, #tpu.memory_space<vmem>>, vector<1x16xf32>,
        %get3A_672 = vector.shape_cast %get3A_671 : vector<1x16xf32> to vector<16xf32>
        %add3A_673 = arith.addf %add3A_666, %get3A_672 : vector<16xf32>
        %swap3A_674 = arith.index_cast %scan3A_253 : i32 to index
        %swap3A_675 = arith.constant 32 : index
        %swap3A_676 = tpu.vector_load %arg8[%swap3A_674, %swap3A_675] {strides = array<i32>} : memref<32x64xf32, #tpu.memory_space<vmem>>, vector<1x16xf32>,
        %swap3A_677 = vector.shape_cast %swap3A_676 : vector<1x16xf32> to vector<16xf32>
        %swap3A_678 = vector.shape_cast %add3A_673 : vector<16xf32> to vector<1x16xf32>
        tpu.vector_store %arg8[%swap3A_674, %swap3A_675], %swap3A_678 {strides = array<i32>} : memref<32x64xf32, #tpu.memory_space<vmem>>, vector<1x16xf32>,
        %get3A_679 = arith.index_cast %scan3A_253 : i32 to index
        %get3A_680 = arith.constant 48 : index
        %get3A_681 = tpu.vector_load %arg6[%get3A_679, %get3A_680] {strides = array<i32>} : memref<640x64xf32, #tpu.memory_space<vmem>>, vector<1x16xf32>,
        %get3A_682 = vector.shape_cast %get3A_681 : vector<1x16xf32> to vector<16xf32>
        %add3A_683 = arith.constant 32 : i32
        %add3A_684 = arith.addi %add3A_683, %scan3A_253 : i32
        %get3A_685 = arith.index_cast %add3A_684 : i32 to index
        %get3A_686 = arith.constant 48 : index
        %get3A_687 = tpu.vector_load %arg6[%get3A_685, %get3A_686] {strides = array<i32>} : memref<640x64xf32, #tpu.memory_space<vmem>>, vector<1x16xf32>,
        %get3A_688 = vector.shape_cast %get3A_687 : vector<1x16xf32> to vector<16xf32>
        %add3A_689 = arith.addf %get3A_682, %get3A_688 : vector<16xf32>
        %add3A_690 = arith.constant 64 : i32
        %add3A_691 = arith.addi %add3A_690, %scan3A_253 : i32
        %get3A_692 = arith.index_cast %add3A_691 : i32 to index
        %get3A_693 = arith.constant 48 : index
        %get3A_694 = tpu.vector_load %arg6[%get3A_692, %get3A_693] {strides = array<i32>} : memref<640x64xf32, #tpu.memory_space<vmem>>, vector<1x16xf32>,
        %get3A_695 = vector.shape_cast %get3A_694 : vector<1x16xf32> to vector<16xf32>
        %add3A_696 = arith.addf %add3A_689, %get3A_695 : vector<16xf32>
        %add3A_697 = arith.constant 96 : i32
        %add3A_698 = arith.addi %add3A_697, %scan3A_253 : i32
        %get3A_699 = arith.index_cast %add3A_698 : i32 to index
        %get3A_700 = arith.constant 48 : index
        %get3A_701 = tpu.vector_load %arg6[%get3A_699, %get3A_700] {strides = array<i32>} : memref<640x64xf32, #tpu.memory_space<vmem>>, vector<1x16xf32>,
        %get3A_702 = vector.shape_cast %get3A_701 : vector<1x16xf32> to vector<16xf32>
        %add3A_703 = arith.addf %add3A_696, %get3A_702 : vector<16xf32>
        %add3A_704 = arith.constant 128 : i32
        %add3A_705 = arith.addi %add3A_704, %scan3A_253 : i32
        %get3A_706 = arith.index_cast %add3A_705 : i32 to index
        %get3A_707 = arith.constant 48 : index
        %get3A_708 = tpu.vector_load %arg6[%get3A_706, %get3A_707] {strides = array<i32>} : memref<640x64xf32, #tpu.memory_space<vmem>>, vector<1x16xf32>,
        %get3A_709 = vector.shape_cast %get3A_708 : vector<1x16xf32> to vector<16xf32>
        %add3A_710 = arith.addf %add3A_703, %get3A_709 : vector<16xf32>
        %add3A_711 = arith.constant 160 : i32
        %add3A_712 = arith.addi %add3A_711, %scan3A_253 : i32
        %get3A_713 = arith.index_cast %add3A_712 : i32 to index
        %get3A_714 = arith.constant 48 : index
        %get3A_715 = tpu.vector_load %arg6[%get3A_713, %get3A_714] {strides = array<i32>} : memref<640x64xf32, #tpu.memory_space<vmem>>, vector<1x16xf32>,
        %get3A_716 = vector.shape_cast %get3A_715 : vector<1x16xf32> to vector<16xf32>
        %add3A_717 = arith.addf %add3A_710, %get3A_716 : vector<16xf32>
        %add3A_718 = arith.constant 192 : i32
        %add3A_719 = arith.addi %add3A_718, %scan3A_253 : i32
        %get3A_720 = arith.index_cast %add3A_719 : i32 to index
        %get3A_721 = arith.constant 48 : index
        %get3A_722 = tpu.vector_load %arg6[%get3A_720, %get3A_721] {strides = array<i32>} : memref<640x64xf32, #tpu.memory_space<vmem>>, vector<1x16xf32>,
        %get3A_723 = vector.shape_cast %get3A_722 : vector<1x16xf32> to vector<16xf32>
        %add3A_724 = arith.addf %add3A_717, %get3A_723 : vector<16xf32>
        %add3A_725 = arith.constant 224 : i32
        %add3A_726 = arith.addi %add3A_725, %scan3A_253 : i32
        %get3A_727 = arith.index_cast %add3A_726 : i32 to index
        %get3A_728 = arith.constant 48 : index
        %get3A_729 = tpu.vector_load %arg6[%get3A_727, %get3A_728] {strides = array<i32>} : memref<640x64xf32, #tpu.memory_space<vmem>>, vector<1x16xf32>,
        %get3A_730 = vector.shape_cast %get3A_729 : vector<1x16xf32> to vector<16xf32>
        %add3A_731 = arith.addf %add3A_724, %get3A_730 : vector<16xf32>
        %add3A_732 = arith.constant 256 : i32
        %add3A_733 = arith.addi %add3A_732, %scan3A_253 : i32
        %get3A_734 = arith.index_cast %add3A_733 : i32 to index
        %get3A_735 = arith.constant 48 : index
        %get3A_736 = tpu.vector_load %arg6[%get3A_734, %get3A_735] {strides = array<i32>} : memref<640x64xf32, #tpu.memory_space<vmem>>, vector<1x16xf32>,
        %get3A_737 = vector.shape_cast %get3A_736 : vector<1x16xf32> to vector<16xf32>
        %add3A_738 = arith.addf %add3A_731, %get3A_737 : vector<16xf32>
        %add3A_739 = arith.constant 288 : i32
        %add3A_740 = arith.addi %add3A_739, %scan3A_253 : i32
        %get3A_741 = arith.index_cast %add3A_740 : i32 to index
        %get3A_742 = arith.constant 48 : index
        %get3A_743 = tpu.vector_load %arg6[%get3A_741, %get3A_742] {strides = array<i32>} : memref<640x64xf32, #tpu.memory_space<vmem>>, vector<1x16xf32>,
        %get3A_744 = vector.shape_cast %get3A_743 : vector<1x16xf32> to vector<16xf32>
        %add3A_745 = arith.addf %add3A_738, %get3A_744 : vector<16xf32>
        %add3A_746 = arith.constant 320 : i32
        %add3A_747 = arith.addi %add3A_746, %scan3A_253 : i32
        %get3A_748 = arith.index_cast %add3A_747 : i32 to index
        %get3A_749 = arith.constant 48 : index
        %get3A_750 = tpu.vector_load %arg6[%get3A_748, %get3A_749] {strides = array<i32>} : memref<640x64xf32, #tpu.memory_space<vmem>>, vector<1x16xf32>,
        %get3A_751 = vector.shape_cast %get3A_750 : vector<1x16xf32> to vector<16xf32>
        %add3A_752 = arith.addf %add3A_745, %get3A_751 : vector<16xf32>
        %add3A_753 = arith.constant 352 : i32
        %add3A_754 = arith.addi %add3A_753, %scan3A_253 : i32
        %get3A_755 = arith.index_cast %add3A_754 : i32 to index
        %get3A_756 = arith.constant 48 : index
        %get3A_757 = tpu.vector_load %arg6[%get3A_755, %get3A_756] {strides = array<i32>} : memref<640x64xf32, #tpu.memory_space<vmem>>, vector<1x16xf32>,
        %get3A_758 = vector.shape_cast %get3A_757 : vector<1x16xf32> to vector<16xf32>
        %add3A_759 = arith.addf %add3A_752, %get3A_758 : vector<16xf32>
        %add3A_760 = arith.constant 384 : i32
        %add3A_761 = arith.addi %add3A_760, %scan3A_253 : i32
        %get3A_762 = arith.index_cast %add3A_761 : i32 to index
        %get3A_763 = arith.constant 48 : index
        %get3A_764 = tpu.vector_load %arg6[%get3A_762, %get3A_763] {strides = array<i32>} : memref<640x64xf32, #tpu.memory_space<vmem>>, vector<1x16xf32>,
        %get3A_765 = vector.shape_cast %get3A_764 : vector<1x16xf32> to vector<16xf32>
        %add3A_766 = arith.addf %add3A_759, %get3A_765 : vector<16xf32>
        %add3A_767 = arith.constant 416 : i32
        %add3A_768 = arith.addi %add3A_767, %scan3A_253 : i32
        %get3A_769 = arith.index_cast %add3A_768 : i32 to index
        %get3A_770 = arith.constant 48 : index
        %get3A_771 = tpu.vector_load %arg6[%get3A_769, %get3A_770] {strides = array<i32>} : memref<640x64xf32, #tpu.memory_space<vmem>>, vector<1x16xf32>,
        %get3A_772 = vector.shape_cast %get3A_771 : vector<1x16xf32> to vector<16xf32>
        %add3A_773 = arith.addf %add3A_766, %get3A_772 : vector<16xf32>
        %add3A_774 = arith.constant 448 : i32
        %add3A_775 = arith.addi %add3A_774, %scan3A_253 : i32
        %get3A_776 = arith.index_cast %add3A_775 : i32 to index
        %get3A_777 = arith.constant 48 : index
        %get3A_778 = tpu.vector_load %arg6[%get3A_776, %get3A_777] {strides = array<i32>} : memref<640x64xf32, #tpu.memory_space<vmem>>, vector<1x16xf32>,
        %get3A_779 = vector.shape_cast %get3A_778 : vector<1x16xf32> to vector<16xf32>
        %add3A_780 = arith.addf %add3A_773, %get3A_779 : vector<16xf32>
        %add3A_781 = arith.constant 480 : i32
        %add3A_782 = arith.addi %add3A_781, %scan3A_253 : i32
        %get3A_783 = arith.index_cast %add3A_782 : i32 to index
        %get3A_784 = arith.constant 48 : index
        %get3A_785 = tpu.vector_load %arg6[%get3A_783, %get3A_784] {strides = array<i32>} : memref<640x64xf32, #tpu.memory_space<vmem>>, vector<1x16xf32>,
        %get3A_786 = vector.shape_cast %get3A_785 : vector<1x16xf32> to vector<16xf32>
        %add3A_787 = arith.addf %add3A_780, %get3A_786 : vector<16xf32>
        %add3A_788 = arith.constant 512 : i32
        %add3A_789 = arith.addi %add3A_788, %scan3A_253 : i32
        %get3A_790 = arith.index_cast %add3A_789 : i32 to index
        %get3A_791 = arith.constant 48 : index
        %get3A_792 = tpu.vector_load %arg6[%get3A_790, %get3A_791] {strides = array<i32>} : memref<640x64xf32, #tpu.memory_space<vmem>>, vector<1x16xf32>,
        %get3A_793 = vector.shape_cast %get3A_792 : vector<1x16xf32> to vector<16xf32>
        %add3A_794 = arith.addf %add3A_787, %get3A_793 : vector<16xf32>
        %add3A_795 = arith.constant 544 : i32
        %add3A_796 = arith.addi %add3A_795, %scan3A_253 : i32
        %get3A_797 = arith.index_cast %add3A_796 : i32 to index
        %get3A_798 = arith.constant 48 : index
        %get3A_799 = tpu.vector_load %arg6[%get3A_797, %get3A_798] {strides = array<i32>} : memref<640x64xf32, #tpu.memory_space<vmem>>, vector<1x16xf32>,
        %get3A_800 = vector.shape_cast %get3A_799 : vector<1x16xf32> to vector<16xf32>
        %add3A_801 = arith.addf %add3A_794, %get3A_800 : vector<16xf32>
        %add3A_802 = arith.constant 576 : i32
        %add3A_803 = arith.addi %add3A_802, %scan3A_253 : i32
        %get3A_804 = arith.index_cast %add3A_803 : i32 to index
        %get3A_805 = arith.constant 48 : index
        %get3A_806 = tpu.vector_load %arg6[%get3A_804, %get3A_805] {strides = array<i32>} : memref<640x64xf32, #tpu.memory_space<vmem>>, vector<1x16xf32>,
        %get3A_807 = vector.shape_cast %get3A_806 : vector<1x16xf32> to vector<16xf32>
        %add3A_808 = arith.addf %add3A_801, %get3A_807 : vector<16xf32>
        %add3A_809 = arith.constant 608 : i32
        %add3A_810 = arith.addi %add3A_809, %scan3A_253 : i32
        %get3A_811 = arith.index_cast %add3A_810 : i32 to index
        %get3A_812 = arith.constant 48 : index
        %get3A_813 = tpu.vector_load %arg6[%get3A_811, %get3A_812] {strides = array<i32>} : memref<640x64xf32, #tpu.memory_space<vmem>>, vector<1x16xf32>,
        %get3A_814 = vector.shape_cast %get3A_813 : vector<1x16xf32> to vector<16xf32>
        %add3A_815 = arith.addf %add3A_808, %get3A_814 : vector<16xf32>
        %swap3A_816 = arith.index_cast %scan3A_253 : i32 to index
        %swap3A_817 = arith.constant 48 : index
        %swap3A_818 = tpu.vector_load %arg8[%swap3A_816, %swap3A_817] {strides = array<i32>} : memref<32x64xf32, #tpu.memory_space<vmem>>, vector<1x16xf32>,
        %swap3A_819 = vector.shape_cast %swap3A_818 : vector<1x16xf32> to vector<16xf32>
        %swap3A_820 = vector.shape_cast %add3A_815 : vector<16xf32> to vector<1x16xf32>
        tpu.vector_store %arg8[%swap3A_816, %swap3A_817], %swap3A_820 {strides = array<i32>} : memref<32x64xf32, #tpu.memory_space<vmem>>, vector<1x16xf32>,
        %scan3A_821 = arith.constant 0 : i32
        scf.yield %scan3A_821 : i32
      }
      %scan3A_229 = arith.constant 32 : i32
      "tpu.region"() ({
        %run_scoped3A = tpu.sem_alloc : memref<!tpu.dma_semaphore, #tpu.memory_space<semaphore_mem>>
        %dma_start3A_253 = arith.constant 0 : i32
        %dma_start3A_254 = tpu.memref_slice %arg4[%add3A_213, %mul3A_2, %dma_start3A_253] : memref<50x1024x64xf32, #tpu.memory_space<hbm>> -> memref<1x32x64xf32, #tpu.memory_space<hbm>>
        %dma_start3A_255 = tpu.memref_squeeze %dma_start3A_254 : memref<1x32x64xf32, #tpu.memory_space<hbm>> -> memref<32x64xf32, #tpu.memory_space<hbm>>
        %dma_start3A_256 = arith.constant 0 : i32
        %dma_start3A_257 = tpu.memref_slice %arg4[%add3A_213, %mul3A_2, %dma_start3A_256] : memref<50x1024x64xf32, #tpu.memory_space<hbm>> -> memref<1x32x64xf32, #tpu.memory_space<hbm>>
        %dma_start3A_258 = tpu.memref_squeeze %dma_start3A_257 : memref<1x32x64xf32, #tpu.memory_space<hbm>> -> memref<32x64xf32, #tpu.memory_space<hbm>>
        tpu.enqueue_dma source(%arg8 : memref<32x64xf32, #tpu.memory_space<vmem>>) target(%dma_start3A_258 : memref<32x64xf32, #tpu.memory_space<hbm>>) target_semaphore(%run_scoped3A : memref<!tpu.dma_semaphore, #tpu.memory_space<semaphore_mem>>)
        %dma_wait3A_259 = arith.constant 0 : i32
        %dma_wait3A_260 = tpu.memref_slice %arg4[%add3A_213, %mul3A_2, %dma_wait3A_259] : memref<50x1024x64xf32, #tpu.memory_space<hbm>> -> memref<1x32x64xf32, #tpu.memory_space<hbm>>
        %dma_wait3A_261 = tpu.memref_squeeze %dma_wait3A_260 : memref<1x32x64xf32, #tpu.memory_space<hbm>> -> memref<32x64xf32, #tpu.memory_space<hbm>>
        %dma_wait3A_262 = arith.constant 0 : i32
        %dma_wait3A_263 = tpu.memref_slice %arg4[%add3A_213, %mul3A_2, %dma_wait3A_262] : memref<50x1024x64xf32, #tpu.memory_space<hbm>> -> memref<1x32x64xf32, #tpu.memory_space<hbm>>
        %dma_wait3A_264 = tpu.memref_squeeze %dma_wait3A_263 : memref<1x32x64xf32, #tpu.memory_space<hbm>> -> memref<32x64xf32, #tpu.memory_space<hbm>>
        tpu.wait_dma2 semaphore(%run_scoped3A : memref<!tpu.dma_semaphore, #tpu.memory_space<semaphore_mem>>) src(%arg8 : memref<32x64xf32, #tpu.memory_space<vmem>>) dst(%dma_wait3A_264 : memref<32x64xf32, #tpu.memory_space<hbm>>)
        tpu.yield
      }) : () -> ()
      %add3A_230 = arith.constant 1 : i32
      %add3A_231 = arith.addi %mul3A_211, %add3A_230 : i32
      %add3A_232 = arith.constant 1 : i32
      %add3A_233 = arith.addi %add3A_231, %add3A_232 : i32
      %lt3A_234 = arith.constant 50 : i32
      %lt3A_235 = arith.cmpi slt, %add3A_233, %lt3A_234 : i32
      %convert_element_type3A_236 = arith.extui %lt3A_235 : i1 to i32
      %cond3A_237 = arith.constant 0 : i32
      %cond3A_238 = arith.cmpi ne, %convert_element_type3A_236, %cond3A_237 : i32
      scf.if %cond3A_238 {
        %add3A_253 = arith.constant 1 : i32
        %add3A_254 = arith.addi %add3A_231, %add3A_253 : i32
        %add3A_255 = arith.constant 0 : i32
        %add3A_256 = arith.addi %add3A_255, %add3A_254 : i32
        %dma_start3A_257 = arith.constant 0 : i32
        %dma_start3A_258 = arith.constant 0 : i32
        %dma_start3A_259 = tpu.memref_slice %arg6[%dma_start3A_257, %dma_start3A_258] : memref<640x64xf32, #tpu.memory_space<vmem>> -> memref<32x64xf32, #tpu.memory_space<vmem>>
        %dma_start3A_260 = arith.constant 0 : i32
        %dma_start3A_261 = tpu.memref_slice %arg5[%add3A_256, %dma_start3A_260] : memref<1000x32xi32, #tpu.memory_space<vmem>> -> memref<1x32xi32, #tpu.memory_space<vmem>>
        %dma_start3A_262 = tpu.memref_squeeze %dma_start3A_261 : memref<1x32xi32, #tpu.memory_space<vmem>> -> memref<32xi32, #tpu.memory_space<vmem>>
        %dma_start3A_263 = arith.constant 0 : i32
        %dma_start3A_264 = arith.constant 0 : i32
        %dma_start3A_265 = tpu.memref_slice %arg3[%dma_start3A_263, %dma_start3A_264] : memref<200016x64xf32, #tpu.memory_space<hbm>> -> memref<200016x64xf32, #tpu.memory_space<hbm>>
        tpu.enqueue_indirect_dma source(%dma_start3A_265 : memref<200016x64xf32, #tpu.memory_space<hbm>>) target(%dma_start3A_259 : memref<32x64xf32, #tpu.memory_space<vmem>>) offsets(%dma_start3A_262 : memref<32xi32, #tpu.memory_space<vmem>>) semaphore(%arg10 : memref<!tpu.dma_semaphore, #tpu.memory_space<semaphore_mem>>)
        %add3A_266 = arith.constant 50 : i32
        %add3A_267 = arith.addi %add3A_266, %add3A_254 : i32
        %dma_start3A_268 = arith.constant 32 : i32
        %dma_start3A_269 = arith.constant 0 : i32
        %dma_start3A_270 = tpu.memref_slice %arg6[%dma_start3A_268, %dma_start3A_269] : memref<640x64xf32, #tpu.memory_space<vmem>> -> memref<32x64xf32, #tpu.memory_space<vmem>>
        %dma_start3A_271 = arith.constant 0 : i32
        %dma_start3A_272 = tpu.memref_slice %arg5[%add3A_267, %dma_start3A_271] : memref<1000x32xi32, #tpu.memory_space<vmem>> -> memref<1x32xi32, #tpu.memory_space<vmem>>
        %dma_start3A_273 = tpu.memref_squeeze %dma_start3A_272 : memref<1x32xi32, #tpu.memory_space<vmem>> -> memref<32xi32, #tpu.memory_space<vmem>>
        %dma_start3A_274 = arith.constant 0 : i32
        %dma_start3A_275 = arith.constant 0 : i32
        %dma_start3A_276 = tpu.memref_slice %arg3[%dma_start3A_274, %dma_start3A_275] : memref<200016x64xf32, #tpu.memory_space<hbm>> -> memref<200016x64xf32, #tpu.memory_space<hbm>>
        tpu.enqueue_indirect_dma source(%dma_start3A_276 : memref<200016x64xf32, #tpu.memory_space<hbm>>) target(%dma_start3A_270 : memref<32x64xf32, #tpu.memory_space<vmem>>) offsets(%dma_start3A_273 : memref<32xi32, #tpu.memory_space<vmem>>) semaphore(%arg10 : memref<!tpu.dma_semaphore, #tpu.memory_space<semaphore_mem>>)
        %add3A_277 = arith.constant 100 : i32
        %add3A_278 = arith.addi %add3A_277, %add3A_254 : i32
        %dma_start3A_279 = arith.constant 64 : i32
        %dma_start3A_280 = arith.constant 0 : i32
        %dma_start3A_281 = tpu.memref_slice %arg6[%dma_start3A_279, %dma_start3A_280] : memref<640x64xf32, #tpu.memory_space<vmem>> -> memref<32x64xf32, #tpu.memory_space<vmem>>
        %dma_start3A_282 = arith.constant 0 : i32
        %dma_start3A_283 = tpu.memref_slice %arg5[%add3A_278, %dma_start3A_282] : memref<1000x32xi32, #tpu.memory_space<vmem>> -> memref<1x32xi32, #tpu.memory_space<vmem>>
        %dma_start3A_284 = tpu.memref_squeeze %dma_start3A_283 : memref<1x32xi32, #tpu.memory_space<vmem>> -> memref<32xi32, #tpu.memory_space<vmem>>
        %dma_start3A_285 = arith.constant 0 : i32
        %dma_start3A_286 = arith.constant 0 : i32
        %dma_start3A_287 = tpu.memref_slice %arg3[%dma_start3A_285, %dma_start3A_286] : memref<200016x64xf32, #tpu.memory_space<hbm>> -> memref<200016x64xf32, #tpu.memory_space<hbm>>
        tpu.enqueue_indirect_dma source(%dma_start3A_287 : memref<200016x64xf32, #tpu.memory_space<hbm>>) target(%dma_start3A_281 : memref<32x64xf32, #tpu.memory_space<vmem>>) offsets(%dma_start3A_284 : memref<32xi32, #tpu.memory_space<vmem>>) semaphore(%arg10 : memref<!tpu.dma_semaphore, #tpu.memory_space<semaphore_mem>>)
        %add3A_288 = arith.constant 150 : i32
        %add3A_289 = arith.addi %add3A_288, %add3A_254 : i32
        %dma_start3A_290 = arith.constant 96 : i32
        %dma_start3A_291 = arith.constant 0 : i32
        %dma_start3A_292 = tpu.memref_slice %arg6[%dma_start3A_290, %dma_start3A_291] : memref<640x64xf32, #tpu.memory_space<vmem>> -> memref<32x64xf32, #tpu.memory_space<vmem>>
        %dma_start3A_293 = arith.constant 0 : i32
        %dma_start3A_294 = tpu.memref_slice %arg5[%add3A_289, %dma_start3A_293] : memref<1000x32xi32, #tpu.memory_space<vmem>> -> memref<1x32xi32, #tpu.memory_space<vmem>>
        %dma_start3A_295 = tpu.memref_squeeze %dma_start3A_294 : memref<1x32xi32, #tpu.memory_space<vmem>> -> memref<32xi32, #tpu.memory_space<vmem>>
        %dma_start3A_296 = arith.constant 0 : i32
        %dma_start3A_297 = arith.constant 0 : i32
        %dma_start3A_298 = tpu.memref_slice %arg3[%dma_start3A_296, %dma_start3A_297] : memref<200016x64xf32, #tpu.memory_space<hbm>> -> memref<200016x64xf32, #tpu.memory_space<hbm>>
        tpu.enqueue_indirect_dma source(%dma_start3A_298 : memref<200016x64xf32, #tpu.memory_space<hbm>>) target(%dma_start3A_292 : memref<32x64xf32, #tpu.memory_space<vmem>>) offsets(%dma_start3A_295 : memref<32xi32, #tpu.memory_space<vmem>>) semaphore(%arg10 : memref<!tpu.dma_semaphore, #tpu.memory_space<semaphore_mem>>)
        %add3A_299 = arith.constant 200 : i32
        %add3A_300 = arith.addi %add3A_299, %add3A_254 : i32
        %dma_start3A_301 = arith.constant 128 : i32
        %dma_start3A_302 = arith.constant 0 : i32
        %dma_start3A_303 = tpu.memref_slice %arg6[%dma_start3A_301, %dma_start3A_302] : memref<640x64xf32, #tpu.memory_space<vmem>> -> memref<32x64xf32, #tpu.memory_space<vmem>>
        %dma_start3A_304 = arith.constant 0 : i32
        %dma_start3A_305 = tpu.memref_slice %arg5[%add3A_300, %dma_start3A_304] : memref<1000x32xi32, #tpu.memory_space<vmem>> -> memref<1x32xi32, #tpu.memory_space<vmem>>
        %dma_start3A_306 = tpu.memref_squeeze %dma_start3A_305 : memref<1x32xi32, #tpu.memory_space<vmem>> -> memref<32xi32, #tpu.memory_space<vmem>>
        %dma_start3A_307 = arith.constant 0 : i32
        %dma_start3A_308 = arith.constant 0 : i32
        %dma_start3A_309 = tpu.memref_slice %arg3[%dma_start3A_307, %dma_start3A_308] : memref<200016x64xf32, #tpu.memory_space<hbm>> -> memref<200016x64xf32, #tpu.memory_space<hbm>>
        tpu.enqueue_indirect_dma source(%dma_start3A_309 : memref<200016x64xf32, #tpu.memory_space<hbm>>) target(%dma_start3A_303 : memref<32x64xf32, #tpu.memory_space<vmem>>) offsets(%dma_start3A_306 : memref<32xi32, #tpu.memory_space<vmem>>) semaphore(%arg10 : memref<!tpu.dma_semaphore, #tpu.memory_space<semaphore_mem>>)
        %add3A_310 = arith.constant 250 : i32
        %add3A_311 = arith.addi %add3A_310, %add3A_254 : i32
        %dma_start3A_312 = arith.constant 160 : i32
        %dma_start3A_313 = arith.constant 0 : i32
        %dma_start3A_314 = tpu.memref_slice %arg6[%dma_start3A_312, %dma_start3A_313] : memref<640x64xf32, #tpu.memory_space<vmem>> -> memref<32x64xf32, #tpu.memory_space<vmem>>
        %dma_start3A_315 = arith.constant 0 : i32
        %dma_start3A_316 = tpu.memref_slice %arg5[%add3A_311, %dma_start3A_315] : memref<1000x32xi32, #tpu.memory_space<vmem>> -> memref<1x32xi32, #tpu.memory_space<vmem>>
        %dma_start3A_317 = tpu.memref_squeeze %dma_start3A_316 : memref<1x32xi32, #tpu.memory_space<vmem>> -> memref<32xi32, #tpu.memory_space<vmem>>
        %dma_start3A_318 = arith.constant 0 : i32
        %dma_start3A_319 = arith.constant 0 : i32
        %dma_start3A_320 = tpu.memref_slice %arg3[%dma_start3A_318, %dma_start3A_319] : memref<200016x64xf32, #tpu.memory_space<hbm>> -> memref<200016x64xf32, #tpu.memory_space<hbm>>
        tpu.enqueue_indirect_dma source(%dma_start3A_320 : memref<200016x64xf32, #tpu.memory_space<hbm>>) target(%dma_start3A_314 : memref<32x64xf32, #tpu.memory_space<vmem>>) offsets(%dma_start3A_317 : memref<32xi32, #tpu.memory_space<vmem>>) semaphore(%arg10 : memref<!tpu.dma_semaphore, #tpu.memory_space<semaphore_mem>>)
        %add3A_321 = arith.constant 300 : i32
        %add3A_322 = arith.addi %add3A_321, %add3A_254 : i32
        %dma_start3A_323 = arith.constant 192 : i32
        %dma_start3A_324 = arith.constant 0 : i32
        %dma_start3A_325 = tpu.memref_slice %arg6[%dma_start3A_323, %dma_start3A_324] : memref<640x64xf32, #tpu.memory_space<vmem>> -> memref<32x64xf32, #tpu.memory_space<vmem>>
        %dma_start3A_326 = arith.constant 0 : i32
        %dma_start3A_327 = tpu.memref_slice %arg5[%add3A_322, %dma_start3A_326] : memref<1000x32xi32, #tpu.memory_space<vmem>> -> memref<1x32xi32, #tpu.memory_space<vmem>>
        %dma_start3A_328 = tpu.memref_squeeze %dma_start3A_327 : memref<1x32xi32, #tpu.memory_space<vmem>> -> memref<32xi32, #tpu.memory_space<vmem>>
        %dma_start3A_329 = arith.constant 0 : i32
        %dma_start3A_330 = arith.constant 0 : i32
        %dma_start3A_331 = tpu.memref_slice %arg3[%dma_start3A_329, %dma_start3A_330] : memref<200016x64xf32, #tpu.memory_space<hbm>> -> memref<200016x64xf32, #tpu.memory_space<hbm>>
        tpu.enqueue_indirect_dma source(%dma_start3A_331 : memref<200016x64xf32, #tpu.memory_space<hbm>>) target(%dma_start3A_325 : memref<32x64xf32, #tpu.memory_space<vmem>>) offsets(%dma_start3A_328 : memref<32xi32, #tpu.memory_space<vmem>>) semaphore(%arg10 : memref<!tpu.dma_semaphore, #tpu.memory_space<semaphore_mem>>)
        %add3A_332 = arith.constant 350 : i32
        %add3A_333 = arith.addi %add3A_332, %add3A_254 : i32
        %dma_start3A_334 = arith.constant 224 : i32
        %dma_start3A_335 = arith.constant 0 : i32
        %dma_start3A_336 = tpu.memref_slice %arg6[%dma_start3A_334, %dma_start3A_335] : memref<640x64xf32, #tpu.memory_space<vmem>> -> memref<32x64xf32, #tpu.memory_space<vmem>>
        %dma_start3A_337 = arith.constant 0 : i32
        %dma_start3A_338 = tpu.memref_slice %arg5[%add3A_333, %dma_start3A_337] : memref<1000x32xi32, #tpu.memory_space<vmem>> -> memref<1x32xi32, #tpu.memory_space<vmem>>
        %dma_start3A_339 = tpu.memref_squeeze %dma_start3A_338 : memref<1x32xi32, #tpu.memory_space<vmem>> -> memref<32xi32, #tpu.memory_space<vmem>>
        %dma_start3A_340 = arith.constant 0 : i32
        %dma_start3A_341 = arith.constant 0 : i32
        %dma_start3A_342 = tpu.memref_slice %arg3[%dma_start3A_340, %dma_start3A_341] : memref<200016x64xf32, #tpu.memory_space<hbm>> -> memref<200016x64xf32, #tpu.memory_space<hbm>>
        tpu.enqueue_indirect_dma source(%dma_start3A_342 : memref<200016x64xf32, #tpu.memory_space<hbm>>) target(%dma_start3A_336 : memref<32x64xf32, #tpu.memory_space<vmem>>) offsets(%dma_start3A_339 : memref<32xi32, #tpu.memory_space<vmem>>) semaphore(%arg10 : memref<!tpu.dma_semaphore, #tpu.memory_space<semaphore_mem>>)
        %add3A_343 = arith.constant 400 : i32
        %add3A_344 = arith.addi %add3A_343, %add3A_254 : i32
        %dma_start3A_345 = arith.constant 256 : i32
        %dma_start3A_346 = arith.constant 0 : i32
        %dma_start3A_347 = tpu.memref_slice %arg6[%dma_start3A_345, %dma_start3A_346] : memref<640x64xf32, #tpu.memory_space<vmem>> -> memref<32x64xf32, #tpu.memory_space<vmem>>
        %dma_start3A_348 = arith.constant 0 : i32
        %dma_start3A_349 = tpu.memref_slice %arg5[%add3A_344, %dma_start3A_348] : memref<1000x32xi32, #tpu.memory_space<vmem>> -> memref<1x32xi32, #tpu.memory_space<vmem>>
        %dma_start3A_350 = tpu.memref_squeeze %dma_start3A_349 : memref<1x32xi32, #tpu.memory_space<vmem>> -> memref<32xi32, #tpu.memory_space<vmem>>
        %dma_start3A_351 = arith.constant 0 : i32
        %dma_start3A_352 = arith.constant 0 : i32
        %dma_start3A_353 = tpu.memref_slice %arg3[%dma_start3A_351, %dma_start3A_352] : memref<200016x64xf32, #tpu.memory_space<hbm>> -> memref<200016x64xf32, #tpu.memory_space<hbm>>
        tpu.enqueue_indirect_dma source(%dma_start3A_353 : memref<200016x64xf32, #tpu.memory_space<hbm>>) target(%dma_start3A_347 : memref<32x64xf32, #tpu.memory_space<vmem>>) offsets(%dma_start3A_350 : memref<32xi32, #tpu.memory_space<vmem>>) semaphore(%arg10 : memref<!tpu.dma_semaphore, #tpu.memory_space<semaphore_mem>>)
        %add3A_354 = arith.constant 450 : i32
        %add3A_355 = arith.addi %add3A_354, %add3A_254 : i32
        %dma_start3A_356 = arith.constant 288 : i32
        %dma_start3A_357 = arith.constant 0 : i32
        %dma_start3A_358 = tpu.memref_slice %arg6[%dma_start3A_356, %dma_start3A_357] : memref<640x64xf32, #tpu.memory_space<vmem>> -> memref<32x64xf32, #tpu.memory_space<vmem>>
        %dma_start3A_359 = arith.constant 0 : i32
        %dma_start3A_360 = tpu.memref_slice %arg5[%add3A_355, %dma_start3A_359] : memref<1000x32xi32, #tpu.memory_space<vmem>> -> memref<1x32xi32, #tpu.memory_space<vmem>>
        %dma_start3A_361 = tpu.memref_squeeze %dma_start3A_360 : memref<1x32xi32, #tpu.memory_space<vmem>> -> memref<32xi32, #tpu.memory_space<vmem>>
        %dma_start3A_362 = arith.constant 0 : i32
        %dma_start3A_363 = arith.constant 0 : i32
        %dma_start3A_364 = tpu.memref_slice %arg3[%dma_start3A_362, %dma_start3A_363] : memref<200016x64xf32, #tpu.memory_space<hbm>> -> memref<200016x64xf32, #tpu.memory_space<hbm>>
        tpu.enqueue_indirect_dma source(%dma_start3A_364 : memref<200016x64xf32, #tpu.memory_space<hbm>>) target(%dma_start3A_358 : memref<32x64xf32, #tpu.memory_space<vmem>>) offsets(%dma_start3A_361 : memref<32xi32, #tpu.memory_space<vmem>>) semaphore(%arg10 : memref<!tpu.dma_semaphore, #tpu.memory_space<semaphore_mem>>)
        %add3A_365 = arith.constant 500 : i32
        %add3A_366 = arith.addi %add3A_365, %add3A_254 : i32
        %dma_start3A_367 = arith.constant 320 : i32
        %dma_start3A_368 = arith.constant 0 : i32
        %dma_start3A_369 = tpu.memref_slice %arg6[%dma_start3A_367, %dma_start3A_368] : memref<640x64xf32, #tpu.memory_space<vmem>> -> memref<32x64xf32, #tpu.memory_space<vmem>>
        %dma_start3A_370 = arith.constant 0 : i32
        %dma_start3A_371 = tpu.memref_slice %arg5[%add3A_366, %dma_start3A_370] : memref<1000x32xi32, #tpu.memory_space<vmem>> -> memref<1x32xi32, #tpu.memory_space<vmem>>
        %dma_start3A_372 = tpu.memref_squeeze %dma_start3A_371 : memref<1x32xi32, #tpu.memory_space<vmem>> -> memref<32xi32, #tpu.memory_space<vmem>>
        %dma_start3A_373 = arith.constant 0 : i32
        %dma_start3A_374 = arith.constant 0 : i32
        %dma_start3A_375 = tpu.memref_slice %arg3[%dma_start3A_373, %dma_start3A_374] : memref<200016x64xf32, #tpu.memory_space<hbm>> -> memref<200016x64xf32, #tpu.memory_space<hbm>>
        tpu.enqueue_indirect_dma source(%dma_start3A_375 : memref<200016x64xf32, #tpu.memory_space<hbm>>) target(%dma_start3A_369 : memref<32x64xf32, #tpu.memory_space<vmem>>) offsets(%dma_start3A_372 : memref<32xi32, #tpu.memory_space<vmem>>) semaphore(%arg10 : memref<!tpu.dma_semaphore, #tpu.memory_space<semaphore_mem>>)
        %add3A_376 = arith.constant 550 : i32
        %add3A_377 = arith.addi %add3A_376, %add3A_254 : i32
        %dma_start3A_378 = arith.constant 352 : i32
        %dma_start3A_379 = arith.constant 0 : i32
        %dma_start3A_380 = tpu.memref_slice %arg6[%dma_start3A_378, %dma_start3A_379] : memref<640x64xf32, #tpu.memory_space<vmem>> -> memref<32x64xf32, #tpu.memory_space<vmem>>
        %dma_start3A_381 = arith.constant 0 : i32
        %dma_start3A_382 = tpu.memref_slice %arg5[%add3A_377, %dma_start3A_381] : memref<1000x32xi32, #tpu.memory_space<vmem>> -> memref<1x32xi32, #tpu.memory_space<vmem>>
        %dma_start3A_383 = tpu.memref_squeeze %dma_start3A_382 : memref<1x32xi32, #tpu.memory_space<vmem>> -> memref<32xi32, #tpu.memory_space<vmem>>
        %dma_start3A_384 = arith.constant 0 : i32
        %dma_start3A_385 = arith.constant 0 : i32
        %dma_start3A_386 = tpu.memref_slice %arg3[%dma_start3A_384, %dma_start3A_385] : memref<200016x64xf32, #tpu.memory_space<hbm>> -> memref<200016x64xf32, #tpu.memory_space<hbm>>
        tpu.enqueue_indirect_dma source(%dma_start3A_386 : memref<200016x64xf32, #tpu.memory_space<hbm>>) target(%dma_start3A_380 : memref<32x64xf32, #tpu.memory_space<vmem>>) offsets(%dma_start3A_383 : memref<32xi32, #tpu.memory_space<vmem>>) semaphore(%arg10 : memref<!tpu.dma_semaphore, #tpu.memory_space<semaphore_mem>>)
        %add3A_387 = arith.constant 600 : i32
        %add3A_388 = arith.addi %add3A_387, %add3A_254 : i32
        %dma_start3A_389 = arith.constant 384 : i32
        %dma_start3A_390 = arith.constant 0 : i32
        %dma_start3A_391 = tpu.memref_slice %arg6[%dma_start3A_389, %dma_start3A_390] : memref<640x64xf32, #tpu.memory_space<vmem>> -> memref<32x64xf32, #tpu.memory_space<vmem>>
        %dma_start3A_392 = arith.constant 0 : i32
        %dma_start3A_393 = tpu.memref_slice %arg5[%add3A_388, %dma_start3A_392] : memref<1000x32xi32, #tpu.memory_space<vmem>> -> memref<1x32xi32, #tpu.memory_space<vmem>>
        %dma_start3A_394 = tpu.memref_squeeze %dma_start3A_393 : memref<1x32xi32, #tpu.memory_space<vmem>> -> memref<32xi32, #tpu.memory_space<vmem>>
        %dma_start3A_395 = arith.constant 0 : i32
        %dma_start3A_396 = arith.constant 0 : i32
        %dma_start3A_397 = tpu.memref_slice %arg3[%dma_start3A_395, %dma_start3A_396] : memref<200016x64xf32, #tpu.memory_space<hbm>> -> memref<200016x64xf32, #tpu.memory_space<hbm>>
        tpu.enqueue_indirect_dma source(%dma_start3A_397 : memref<200016x64xf32, #tpu.memory_space<hbm>>) target(%dma_start3A_391 : memref<32x64xf32, #tpu.memory_space<vmem>>) offsets(%dma_start3A_394 : memref<32xi32, #tpu.memory_space<vmem>>) semaphore(%arg10 : memref<!tpu.dma_semaphore, #tpu.memory_space<semaphore_mem>>)
        %add3A_398 = arith.constant 650 : i32
        %add3A_399 = arith.addi %add3A_398, %add3A_254 : i32
        %dma_start3A_400 = arith.constant 416 : i32
        %dma_start3A_401 = arith.constant 0 : i32
        %dma_start3A_402 = tpu.memref_slice %arg6[%dma_start3A_400, %dma_start3A_401] : memref<640x64xf32, #tpu.memory_space<vmem>> -> memref<32x64xf32, #tpu.memory_space<vmem>>
        %dma_start3A_403 = arith.constant 0 : i32
        %dma_start3A_404 = tpu.memref_slice %arg5[%add3A_399, %dma_start3A_403] : memref<1000x32xi32, #tpu.memory_space<vmem>> -> memref<1x32xi32, #tpu.memory_space<vmem>>
        %dma_start3A_405 = tpu.memref_squeeze %dma_start3A_404 : memref<1x32xi32, #tpu.memory_space<vmem>> -> memref<32xi32, #tpu.memory_space<vmem>>
        %dma_start3A_406 = arith.constant 0 : i32
        %dma_start3A_407 = arith.constant 0 : i32
        %dma_start3A_408 = tpu.memref_slice %arg3[%dma_start3A_406, %dma_start3A_407] : memref<200016x64xf32, #tpu.memory_space<hbm>> -> memref<200016x64xf32, #tpu.memory_space<hbm>>
        tpu.enqueue_indirect_dma source(%dma_start3A_408 : memref<200016x64xf32, #tpu.memory_space<hbm>>) target(%dma_start3A_402 : memref<32x64xf32, #tpu.memory_space<vmem>>) offsets(%dma_start3A_405 : memref<32xi32, #tpu.memory_space<vmem>>) semaphore(%arg10 : memref<!tpu.dma_semaphore, #tpu.memory_space<semaphore_mem>>)
        %add3A_409 = arith.constant 700 : i32
        %add3A_410 = arith.addi %add3A_409, %add3A_254 : i32
        %dma_start3A_411 = arith.constant 448 : i32
        %dma_start3A_412 = arith.constant 0 : i32
        %dma_start3A_413 = tpu.memref_slice %arg6[%dma_start3A_411, %dma_start3A_412] : memref<640x64xf32, #tpu.memory_space<vmem>> -> memref<32x64xf32, #tpu.memory_space<vmem>>
        %dma_start3A_414 = arith.constant 0 : i32
        %dma_start3A_415 = tpu.memref_slice %arg5[%add3A_410, %dma_start3A_414] : memref<1000x32xi32, #tpu.memory_space<vmem>> -> memref<1x32xi32, #tpu.memory_space<vmem>>
        %dma_start3A_416 = tpu.memref_squeeze %dma_start3A_415 : memref<1x32xi32, #tpu.memory_space<vmem>> -> memref<32xi32, #tpu.memory_space<vmem>>
        %dma_start3A_417 = arith.constant 0 : i32
        %dma_start3A_418 = arith.constant 0 : i32
        %dma_start3A_419 = tpu.memref_slice %arg3[%dma_start3A_417, %dma_start3A_418] : memref<200016x64xf32, #tpu.memory_space<hbm>> -> memref<200016x64xf32, #tpu.memory_space<hbm>>
        tpu.enqueue_indirect_dma source(%dma_start3A_419 : memref<200016x64xf32, #tpu.memory_space<hbm>>) target(%dma_start3A_413 : memref<32x64xf32, #tpu.memory_space<vmem>>) offsets(%dma_start3A_416 : memref<32xi32, #tpu.memory_space<vmem>>) semaphore(%arg10 : memref<!tpu.dma_semaphore, #tpu.memory_space<semaphore_mem>>)
        %add3A_420 = arith.constant 750 : i32
        %add3A_421 = arith.addi %add3A_420, %add3A_254 : i32
        %dma_start3A_422 = arith.constant 480 : i32
        %dma_start3A_423 = arith.constant 0 : i32
        %dma_start3A_424 = tpu.memref_slice %arg6[%dma_start3A_422, %dma_start3A_423] : memref<640x64xf32, #tpu.memory_space<vmem>> -> memref<32x64xf32, #tpu.memory_space<vmem>>
        %dma_start3A_425 = arith.constant 0 : i32
        %dma_start3A_426 = tpu.memref_slice %arg5[%add3A_421, %dma_start3A_425] : memref<1000x32xi32, #tpu.memory_space<vmem>> -> memref<1x32xi32, #tpu.memory_space<vmem>>
        %dma_start3A_427 = tpu.memref_squeeze %dma_start3A_426 : memref<1x32xi32, #tpu.memory_space<vmem>> -> memref<32xi32, #tpu.memory_space<vmem>>
        %dma_start3A_428 = arith.constant 0 : i32
        %dma_start3A_429 = arith.constant 0 : i32
        %dma_start3A_430 = tpu.memref_slice %arg3[%dma_start3A_428, %dma_start3A_429] : memref<200016x64xf32, #tpu.memory_space<hbm>> -> memref<200016x64xf32, #tpu.memory_space<hbm>>
        tpu.enqueue_indirect_dma source(%dma_start3A_430 : memref<200016x64xf32, #tpu.memory_space<hbm>>) target(%dma_start3A_424 : memref<32x64xf32, #tpu.memory_space<vmem>>) offsets(%dma_start3A_427 : memref<32xi32, #tpu.memory_space<vmem>>) semaphore(%arg10 : memref<!tpu.dma_semaphore, #tpu.memory_space<semaphore_mem>>)
        %add3A_431 = arith.constant 800 : i32
        %add3A_432 = arith.addi %add3A_431, %add3A_254 : i32
        %dma_start3A_433 = arith.constant 512 : i32
        %dma_start3A_434 = arith.constant 0 : i32
        %dma_start3A_435 = tpu.memref_slice %arg6[%dma_start3A_433, %dma_start3A_434] : memref<640x64xf32, #tpu.memory_space<vmem>> -> memref<32x64xf32, #tpu.memory_space<vmem>>
        %dma_start3A_436 = arith.constant 0 : i32
        %dma_start3A_437 = tpu.memref_slice %arg5[%add3A_432, %dma_start3A_436] : memref<1000x32xi32, #tpu.memory_space<vmem>> -> memref<1x32xi32, #tpu.memory_space<vmem>>
        %dma_start3A_438 = tpu.memref_squeeze %dma_start3A_437 : memref<1x32xi32, #tpu.memory_space<vmem>> -> memref<32xi32, #tpu.memory_space<vmem>>
        %dma_start3A_439 = arith.constant 0 : i32
        %dma_start3A_440 = arith.constant 0 : i32
        %dma_start3A_441 = tpu.memref_slice %arg3[%dma_start3A_439, %dma_start3A_440] : memref<200016x64xf32, #tpu.memory_space<hbm>> -> memref<200016x64xf32, #tpu.memory_space<hbm>>
        tpu.enqueue_indirect_dma source(%dma_start3A_441 : memref<200016x64xf32, #tpu.memory_space<hbm>>) target(%dma_start3A_435 : memref<32x64xf32, #tpu.memory_space<vmem>>) offsets(%dma_start3A_438 : memref<32xi32, #tpu.memory_space<vmem>>) semaphore(%arg10 : memref<!tpu.dma_semaphore, #tpu.memory_space<semaphore_mem>>)
        %add3A_442 = arith.constant 850 : i32
        %add3A_443 = arith.addi %add3A_442, %add3A_254 : i32
        %dma_start3A_444 = arith.constant 544 : i32
        %dma_start3A_445 = arith.constant 0 : i32
        %dma_start3A_446 = tpu.memref_slice %arg6[%dma_start3A_444, %dma_start3A_445] : memref<640x64xf32, #tpu.memory_space<vmem>> -> memref<32x64xf32, #tpu.memory_space<vmem>>
        %dma_start3A_447 = arith.constant 0 : i32
        %dma_start3A_448 = tpu.memref_slice %arg5[%add3A_443, %dma_start3A_447] : memref<1000x32xi32, #tpu.memory_space<vmem>> -> memref<1x32xi32, #tpu.memory_space<vmem>>
        %dma_start3A_449 = tpu.memref_squeeze %dma_start3A_448 : memref<1x32xi32, #tpu.memory_space<vmem>> -> memref<32xi32, #tpu.memory_space<vmem>>
        %dma_start3A_450 = arith.constant 0 : i32
        %dma_start3A_451 = arith.constant 0 : i32
        %dma_start3A_452 = tpu.memref_slice %arg3[%dma_start3A_450, %dma_start3A_451] : memref<200016x64xf32, #tpu.memory_space<hbm>> -> memref<200016x64xf32, #tpu.memory_space<hbm>>
        tpu.enqueue_indirect_dma source(%dma_start3A_452 : memref<200016x64xf32, #tpu.memory_space<hbm>>) target(%dma_start3A_446 : memref<32x64xf32, #tpu.memory_space<vmem>>) offsets(%dma_start3A_449 : memref<32xi32, #tpu.memory_space<vmem>>) semaphore(%arg10 : memref<!tpu.dma_semaphore, #tpu.memory_space<semaphore_mem>>)
        %add3A_453 = arith.constant 900 : i32
        %add3A_454 = arith.addi %add3A_453, %add3A_254 : i32
        %dma_start3A_455 = arith.constant 576 : i32
        %dma_start3A_456 = arith.constant 0 : i32
        %dma_start3A_457 = tpu.memref_slice %arg6[%dma_start3A_455, %dma_start3A_456] : memref<640x64xf32, #tpu.memory_space<vmem>> -> memref<32x64xf32, #tpu.memory_space<vmem>>
        %dma_start3A_458 = arith.constant 0 : i32
        %dma_start3A_459 = tpu.memref_slice %arg5[%add3A_454, %dma_start3A_458] : memref<1000x32xi32, #tpu.memory_space<vmem>> -> memref<1x32xi32, #tpu.memory_space<vmem>>
        %dma_start3A_460 = tpu.memref_squeeze %dma_start3A_459 : memref<1x32xi32, #tpu.memory_space<vmem>> -> memref<32xi32, #tpu.memory_space<vmem>>
        %dma_start3A_461 = arith.constant 0 : i32
        %dma_start3A_462 = arith.constant 0 : i32
        %dma_start3A_463 = tpu.memref_slice %arg3[%dma_start3A_461, %dma_start3A_462] : memref<200016x64xf32, #tpu.memory_space<hbm>> -> memref<200016x64xf32, #tpu.memory_space<hbm>>
        tpu.enqueue_indirect_dma source(%dma_start3A_463 : memref<200016x64xf32, #tpu.memory_space<hbm>>) target(%dma_start3A_457 : memref<32x64xf32, #tpu.memory_space<vmem>>) offsets(%dma_start3A_460 : memref<32xi32, #tpu.memory_space<vmem>>) semaphore(%arg10 : memref<!tpu.dma_semaphore, #tpu.memory_space<semaphore_mem>>)
        %add3A_464 = arith.constant 950 : i32
        %add3A_465 = arith.addi %add3A_464, %add3A_254 : i32
        %dma_start3A_466 = arith.constant 608 : i32
        %dma_start3A_467 = arith.constant 0 : i32
        %dma_start3A_468 = tpu.memref_slice %arg6[%dma_start3A_466, %dma_start3A_467] : memref<640x64xf32, #tpu.memory_space<vmem>> -> memref<32x64xf32, #tpu.memory_space<vmem>>
        %dma_start3A_469 = arith.constant 0 : i32
        %dma_start3A_470 = tpu.memref_slice %arg5[%add3A_465, %dma_start3A_469] : memref<1000x32xi32, #tpu.memory_space<vmem>> -> memref<1x32xi32, #tpu.memory_space<vmem>>
        %dma_start3A_471 = tpu.memref_squeeze %dma_start3A_470 : memref<1x32xi32, #tpu.memory_space<vmem>> -> memref<32xi32, #tpu.memory_space<vmem>>
        %dma_start3A_472 = arith.constant 0 : i32
        %dma_start3A_473 = arith.constant 0 : i32
        %dma_start3A_474 = tpu.memref_slice %arg3[%dma_start3A_472, %dma_start3A_473] : memref<200016x64xf32, #tpu.memory_space<hbm>> -> memref<200016x64xf32, #tpu.memory_space<hbm>>
        tpu.enqueue_indirect_dma source(%dma_start3A_474 : memref<200016x64xf32, #tpu.memory_space<hbm>>) target(%dma_start3A_468 : memref<32x64xf32, #tpu.memory_space<vmem>>) offsets(%dma_start3A_471 : memref<32xi32, #tpu.memory_space<vmem>>) semaphore(%arg10 : memref<!tpu.dma_semaphore, #tpu.memory_space<semaphore_mem>>)
      } else {
      }
      %dma_wait3A_239 = arith.constant 0 : i32
      %dma_wait3A_240 = arith.constant 0 : i32
      %dma_wait3A_241 = tpu.memref_slice %arg3[%dma_wait3A_239, %dma_wait3A_240] : memref<200016x64xf32, #tpu.memory_space<hbm>> -> memref<640x64xf32, #tpu.memory_space<hbm>>
      %dma_wait3A_242 = arith.constant 0 : i32
      %dma_wait3A_243 = arith.constant 0 : i32
      %dma_wait3A_244 = tpu.memref_slice %arg3[%dma_wait3A_242, %dma_wait3A_243] : memref<200016x64xf32, #tpu.memory_space<hbm>> -> memref<640x64xf32, #tpu.memory_space<hbm>>
      tpu.wait_dma2 semaphore(%arg11 : memref<!tpu.dma_semaphore, #tpu.memory_space<semaphore_mem>>) src(%dma_wait3A_244 : memref<640x64xf32, #tpu.memory_space<hbm>>) dst(%arg7 : memref<640x64xf32, #tpu.memory_space<vmem>>)
      %scan3A_245 = arith.constant 0 : i32
      %scan3A_246 = arith.constant 0 : i32
      %scan3A_247 = arith.constant 32 : i32
      %scan3A_248 = arith.addi %scan3A_246, %scan3A_247 : i32
      %scan3A_249 = arith.constant 1 : i32
      %scan3A_250 = scf.for %scan3A_253 = %scan3A_246 to %scan3A_248 step %scan3A_249 iter_args(%scan3A_254 = %scan3A_245) -> (i32)  : i32 {
        %get3A = arith.index_cast %scan3A_253 : i32 to index
        %get3A_255 = arith.constant 0 : index
        %get3A_256 = tpu.vector_load %arg7[%get3A, %get3A_255] {strides = array<i32>} : memref<640x64xf32, #tpu.memory_space<vmem>>, vector<1x16xf32>,
        %get3A_257 = vector.shape_cast %get3A_256 : vector<1x16xf32> to vector<16xf32>
        %add3A_258 = arith.constant 32 : i32
        %add3A_259 = arith.addi %add3A_258, %scan3A_253 : i32
        %get3A_260 = arith.index_cast %add3A_259 : i32 to index
        %get3A_261 = arith.constant 0 : index
        %get3A_262 = tpu.vector_load %arg7[%get3A_260, %get3A_261] {strides = array<i32>} : memref<640x64xf32, #tpu.memory_space<vmem>>, vector<1x16xf32>,
        %get3A_263 = vector.shape_cast %get3A_262 : vector<1x16xf32> to vector<16xf32>
        %add3A_264 = arith.addf %get3A_257, %get3A_263 : vector<16xf32>
        %add3A_265 = arith.constant 64 : i32
        %add3A_266 = arith.addi %add3A_265, %scan3A_253 : i32
        %get3A_267 = arith.index_cast %add3A_266 : i32 to index
        %get3A_268 = arith.constant 0 : index
        %get3A_269 = tpu.vector_load %arg7[%get3A_267, %get3A_268] {strides = array<i32>} : memref<640x64xf32, #tpu.memory_space<vmem>>, vector<1x16xf32>,
        %get3A_270 = vector.shape_cast %get3A_269 : vector<1x16xf32> to vector<16xf32>
        %add3A_271 = arith.addf %add3A_264, %get3A_270 : vector<16xf32>
        %add3A_272 = arith.constant 96 : i32
        %add3A_273 = arith.addi %add3A_272, %scan3A_253 : i32
        %get3A_274 = arith.index_cast %add3A_273 : i32 to index
        %get3A_275 = arith.constant 0 : index
        %get3A_276 = tpu.vector_load %arg7[%get3A_274, %get3A_275] {strides = array<i32>} : memref<640x64xf32, #tpu.memory_space<vmem>>, vector<1x16xf32>,
        %get3A_277 = vector.shape_cast %get3A_276 : vector<1x16xf32> to vector<16xf32>
        %add3A_278 = arith.addf %add3A_271, %get3A_277 : vector<16xf32>
        %add3A_279 = arith.constant 128 : i32
        %add3A_280 = arith.addi %add3A_279, %scan3A_253 : i32
        %get3A_281 = arith.index_cast %add3A_280 : i32 to index
        %get3A_282 = arith.constant 0 : index
        %get3A_283 = tpu.vector_load %arg7[%get3A_281, %get3A_282] {strides = array<i32>} : memref<640x64xf32, #tpu.memory_space<vmem>>, vector<1x16xf32>,
        %get3A_284 = vector.shape_cast %get3A_283 : vector<1x16xf32> to vector<16xf32>
        %add3A_285 = arith.addf %add3A_278, %get3A_284 : vector<16xf32>
        %add3A_286 = arith.constant 160 : i32
        %add3A_287 = arith.addi %add3A_286, %scan3A_253 : i32
        %get3A_288 = arith.index_cast %add3A_287 : i32 to index
        %get3A_289 = arith.constant 0 : index
        %get3A_290 = tpu.vector_load %arg7[%get3A_288, %get3A_289] {strides = array<i32>} : memref<640x64xf32, #tpu.memory_space<vmem>>, vector<1x16xf32>,
        %get3A_291 = vector.shape_cast %get3A_290 : vector<1x16xf32> to vector<16xf32>
        %add3A_292 = arith.addf %add3A_285, %get3A_291 : vector<16xf32>
        %add3A_293 = arith.constant 192 : i32
        %add3A_294 = arith.addi %add3A_293, %scan3A_253 : i32
        %get3A_295 = arith.index_cast %add3A_294 : i32 to index
        %get3A_296 = arith.constant 0 : index
        %get3A_297 = tpu.vector_load %arg7[%get3A_295, %get3A_296] {strides = array<i32>} : memref<640x64xf32, #tpu.memory_space<vmem>>, vector<1x16xf32>,
        %get3A_298 = vector.shape_cast %get3A_297 : vector<1x16xf32> to vector<16xf32>
        %add3A_299 = arith.addf %add3A_292, %get3A_298 : vector<16xf32>
        %add3A_300 = arith.constant 224 : i32
        %add3A_301 = arith.addi %add3A_300, %scan3A_253 : i32
        %get3A_302 = arith.index_cast %add3A_301 : i32 to index
        %get3A_303 = arith.constant 0 : index
        %get3A_304 = tpu.vector_load %arg7[%get3A_302, %get3A_303] {strides = array<i32>} : memref<640x64xf32, #tpu.memory_space<vmem>>, vector<1x16xf32>,
        %get3A_305 = vector.shape_cast %get3A_304 : vector<1x16xf32> to vector<16xf32>
        %add3A_306 = arith.addf %add3A_299, %get3A_305 : vector<16xf32>
        %add3A_307 = arith.constant 256 : i32
        %add3A_308 = arith.addi %add3A_307, %scan3A_253 : i32
        %get3A_309 = arith.index_cast %add3A_308 : i32 to index
        %get3A_310 = arith.constant 0 : index
        %get3A_311 = tpu.vector_load %arg7[%get3A_309, %get3A_310] {strides = array<i32>} : memref<640x64xf32, #tpu.memory_space<vmem>>, vector<1x16xf32>,
        %get3A_312 = vector.shape_cast %get3A_311 : vector<1x16xf32> to vector<16xf32>
        %add3A_313 = arith.addf %add3A_306, %get3A_312 : vector<16xf32>
        %add3A_314 = arith.constant 288 : i32
        %add3A_315 = arith.addi %add3A_314, %scan3A_253 : i32
        %get3A_316 = arith.index_cast %add3A_315 : i32 to index
        %get3A_317 = arith.constant 0 : index
        %get3A_318 = tpu.vector_load %arg7[%get3A_316, %get3A_317] {strides = array<i32>} : memref<640x64xf32, #tpu.memory_space<vmem>>, vector<1x16xf32>,
        %get3A_319 = vector.shape_cast %get3A_318 : vector<1x16xf32> to vector<16xf32>
        %add3A_320 = arith.addf %add3A_313, %get3A_319 : vector<16xf32>
        %add3A_321 = arith.constant 320 : i32
        %add3A_322 = arith.addi %add3A_321, %scan3A_253 : i32
        %get3A_323 = arith.index_cast %add3A_322 : i32 to index
        %get3A_324 = arith.constant 0 : index
        %get3A_325 = tpu.vector_load %arg7[%get3A_323, %get3A_324] {strides = array<i32>} : memref<640x64xf32, #tpu.memory_space<vmem>>, vector<1x16xf32>,
        %get3A_326 = vector.shape_cast %get3A_325 : vector<1x16xf32> to vector<16xf32>
        %add3A_327 = arith.addf %add3A_320, %get3A_326 : vector<16xf32>
        %add3A_328 = arith.constant 352 : i32
        %add3A_329 = arith.addi %add3A_328, %scan3A_253 : i32
        %get3A_330 = arith.index_cast %add3A_329 : i32 to index
        %get3A_331 = arith.constant 0 : index
        %get3A_332 = tpu.vector_load %arg7[%get3A_330, %get3A_331] {strides = array<i32>} : memref<640x64xf32, #tpu.memory_space<vmem>>, vector<1x16xf32>,
        %get3A_333 = vector.shape_cast %get3A_332 : vector<1x16xf32> to vector<16xf32>
        %add3A_334 = arith.addf %add3A_327, %get3A_333 : vector<16xf32>
        %add3A_335 = arith.constant 384 : i32
        %add3A_336 = arith.addi %add3A_335, %scan3A_253 : i32
        %get3A_337 = arith.index_cast %add3A_336 : i32 to index
        %get3A_338 = arith.constant 0 : index
        %get3A_339 = tpu.vector_load %arg7[%get3A_337, %get3A_338] {strides = array<i32>} : memref<640x64xf32, #tpu.memory_space<vmem>>, vector<1x16xf32>,
        %get3A_340 = vector.shape_cast %get3A_339 : vector<1x16xf32> to vector<16xf32>
        %add3A_341 = arith.addf %add3A_334, %get3A_340 : vector<16xf32>
        %add3A_342 = arith.constant 416 : i32
        %add3A_343 = arith.addi %add3A_342, %scan3A_253 : i32
        %get3A_344 = arith.index_cast %add3A_343 : i32 to index
        %get3A_345 = arith.constant 0 : index
        %get3A_346 = tpu.vector_load %arg7[%get3A_344, %get3A_345] {strides = array<i32>} : memref<640x64xf32, #tpu.memory_space<vmem>>, vector<1x16xf32>,
        %get3A_347 = vector.shape_cast %get3A_346 : vector<1x16xf32> to vector<16xf32>
        %add3A_348 = arith.addf %add3A_341, %get3A_347 : vector<16xf32>
        %add3A_349 = arith.constant 448 : i32
        %add3A_350 = arith.addi %add3A_349, %scan3A_253 : i32
        %get3A_351 = arith.index_cast %add3A_350 : i32 to index
        %get3A_352 = arith.constant 0 : index
        %get3A_353 = tpu.vector_load %arg7[%get3A_351, %get3A_352] {strides = array<i32>} : memref<640x64xf32, #tpu.memory_space<vmem>>, vector<1x16xf32>,
        %get3A_354 = vector.shape_cast %get3A_353 : vector<1x16xf32> to vector<16xf32>
        %add3A_355 = arith.addf %add3A_348, %get3A_354 : vector<16xf32>
        %add3A_356 = arith.constant 480 : i32
        %add3A_357 = arith.addi %add3A_356, %scan3A_253 : i32
        %get3A_358 = arith.index_cast %add3A_357 : i32 to index
        %get3A_359 = arith.constant 0 : index
        %get3A_360 = tpu.vector_load %arg7[%get3A_358, %get3A_359] {strides = array<i32>} : memref<640x64xf32, #tpu.memory_space<vmem>>, vector<1x16xf32>,
        %get3A_361 = vector.shape_cast %get3A_360 : vector<1x16xf32> to vector<16xf32>
        %add3A_362 = arith.addf %add3A_355, %get3A_361 : vector<16xf32>
        %add3A_363 = arith.constant 512 : i32
        %add3A_364 = arith.addi %add3A_363, %scan3A_253 : i32
        %get3A_365 = arith.index_cast %add3A_364 : i32 to index
        %get3A_366 = arith.constant 0 : index
        %get3A_367 = tpu.vector_load %arg7[%get3A_365, %get3A_366] {strides = array<i32>} : memref<640x64xf32, #tpu.memory_space<vmem>>, vector<1x16xf32>,
        %get3A_368 = vector.shape_cast %get3A_367 : vector<1x16xf32> to vector<16xf32>
        %add3A_369 = arith.addf %add3A_362, %get3A_368 : vector<16xf32>
        %add3A_370 = arith.constant 544 : i32
        %add3A_371 = arith.addi %add3A_370, %scan3A_253 : i32
        %get3A_372 = arith.index_cast %add3A_371 : i32 to index
        %get3A_373 = arith.constant 0 : index
        %get3A_374 = tpu.vector_load %arg7[%get3A_372, %get3A_373] {strides = array<i32>} : memref<640x64xf32, #tpu.memory_space<vmem>>, vector<1x16xf32>,
        %get3A_375 = vector.shape_cast %get3A_374 : vector<1x16xf32> to vector<16xf32>
        %add3A_376 = arith.addf %add3A_369, %get3A_375 : vector<16xf32>
        %add3A_377 = arith.constant 576 : i32
        %add3A_378 = arith.addi %add3A_377, %scan3A_253 : i32
        %get3A_379 = arith.index_cast %add3A_378 : i32 to index
        %get3A_380 = arith.constant 0 : index
        %get3A_381 = tpu.vector_load %arg7[%get3A_379, %get3A_380] {strides = array<i32>} : memref<640x64xf32, #tpu.memory_space<vmem>>, vector<1x16xf32>,
        %get3A_382 = vector.shape_cast %get3A_381 : vector<1x16xf32> to vector<16xf32>
        %add3A_383 = arith.addf %add3A_376, %get3A_382 : vector<16xf32>
        %add3A_384 = arith.constant 608 : i32
        %add3A_385 = arith.addi %add3A_384, %scan3A_253 : i32
        %get3A_386 = arith.index_cast %add3A_385 : i32 to index
        %get3A_387 = arith.constant 0 : index
        %get3A_388 = tpu.vector_load %arg7[%get3A_386, %get3A_387] {strides = array<i32>} : memref<640x64xf32, #tpu.memory_space<vmem>>, vector<1x16xf32>,
        %get3A_389 = vector.shape_cast %get3A_388 : vector<1x16xf32> to vector<16xf32>
        %add3A_390 = arith.addf %add3A_383, %get3A_389 : vector<16xf32>
        %swap3A = arith.index_cast %scan3A_253 : i32 to index
        %swap3A_391 = arith.constant 0 : index
        %swap3A_392 = tpu.vector_load %arg9[%swap3A, %swap3A_391] {strides = array<i32>} : memref<32x64xf32, #tpu.memory_space<vmem>>, vector<1x16xf32>,
        %swap3A_393 = vector.shape_cast %swap3A_392 : vector<1x16xf32> to vector<16xf32>
        %swap3A_394 = vector.shape_cast %add3A_390 : vector<16xf32> to vector<1x16xf32>
        tpu.vector_store %arg9[%swap3A, %swap3A_391], %swap3A_394 {strides = array<i32>} : memref<32x64xf32, #tpu.memory_space<vmem>>, vector<1x16xf32>,
        %get3A_395 = arith.index_cast %scan3A_253 : i32 to index
        %get3A_396 = arith.constant 16 : index
        %get3A_397 = tpu.vector_load %arg7[%get3A_395, %get3A_396] {strides = array<i32>} : memref<640x64xf32, #tpu.memory_space<vmem>>, vector<1x16xf32>,
        %get3A_398 = vector.shape_cast %get3A_397 : vector<1x16xf32> to vector<16xf32>
        %add3A_399 = arith.constant 32 : i32
        %add3A_400 = arith.addi %add3A_399, %scan3A_253 : i32
        %get3A_401 = arith.index_cast %add3A_400 : i32 to index
        %get3A_402 = arith.constant 16 : index
        %get3A_403 = tpu.vector_load %arg7[%get3A_401, %get3A_402] {strides = array<i32>} : memref<640x64xf32, #tpu.memory_space<vmem>>, vector<1x16xf32>,
        %get3A_404 = vector.shape_cast %get3A_403 : vector<1x16xf32> to vector<16xf32>
        %add3A_405 = arith.addf %get3A_398, %get3A_404 : vector<16xf32>
        %add3A_406 = arith.constant 64 : i32
        %add3A_407 = arith.addi %add3A_406, %scan3A_253 : i32
        %get3A_408 = arith.index_cast %add3A_407 : i32 to index
        %get3A_409 = arith.constant 16 : index
        %get3A_410 = tpu.vector_load %arg7[%get3A_408, %get3A_409] {strides = array<i32>} : memref<640x64xf32, #tpu.memory_space<vmem>>, vector<1x16xf32>,
        %get3A_411 = vector.shape_cast %get3A_410 : vector<1x16xf32> to vector<16xf32>
        %add3A_412 = arith.addf %add3A_405, %get3A_411 : vector<16xf32>
        %add3A_413 = arith.constant 96 : i32
        %add3A_414 = arith.addi %add3A_413, %scan3A_253 : i32
        %get3A_415 = arith.index_cast %add3A_414 : i32 to index
        %get3A_416 = arith.constant 16 : index
        %get3A_417 = tpu.vector_load %arg7[%get3A_415, %get3A_416] {strides = array<i32>} : memref<640x64xf32, #tpu.memory_space<vmem>>, vector<1x16xf32>,
        %get3A_418 = vector.shape_cast %get3A_417 : vector<1x16xf32> to vector<16xf32>
        %add3A_419 = arith.addf %add3A_412, %get3A_418 : vector<16xf32>
        %add3A_420 = arith.constant 128 : i32
        %add3A_421 = arith.addi %add3A_420, %scan3A_253 : i32
        %get3A_422 = arith.index_cast %add3A_421 : i32 to index
        %get3A_423 = arith.constant 16 : index
        %get3A_424 = tpu.vector_load %arg7[%get3A_422, %get3A_423] {strides = array<i32>} : memref<640x64xf32, #tpu.memory_space<vmem>>, vector<1x16xf32>,
        %get3A_425 = vector.shape_cast %get3A_424 : vector<1x16xf32> to vector<16xf32>
        %add3A_426 = arith.addf %add3A_419, %get3A_425 : vector<16xf32>
        %add3A_427 = arith.constant 160 : i32
        %add3A_428 = arith.addi %add3A_427, %scan3A_253 : i32
        %get3A_429 = arith.index_cast %add3A_428 : i32 to index
        %get3A_430 = arith.constant 16 : index
        %get3A_431 = tpu.vector_load %arg7[%get3A_429, %get3A_430] {strides = array<i32>} : memref<640x64xf32, #tpu.memory_space<vmem>>, vector<1x16xf32>,
        %get3A_432 = vector.shape_cast %get3A_431 : vector<1x16xf32> to vector<16xf32>
        %add3A_433 = arith.addf %add3A_426, %get3A_432 : vector<16xf32>
        %add3A_434 = arith.constant 192 : i32
        %add3A_435 = arith.addi %add3A_434, %scan3A_253 : i32
        %get3A_436 = arith.index_cast %add3A_435 : i32 to index
        %get3A_437 = arith.constant 16 : index
        %get3A_438 = tpu.vector_load %arg7[%get3A_436, %get3A_437] {strides = array<i32>} : memref<640x64xf32, #tpu.memory_space<vmem>>, vector<1x16xf32>,
        %get3A_439 = vector.shape_cast %get3A_438 : vector<1x16xf32> to vector<16xf32>
        %add3A_440 = arith.addf %add3A_433, %get3A_439 : vector<16xf32>
        %add3A_441 = arith.constant 224 : i32
        %add3A_442 = arith.addi %add3A_441, %scan3A_253 : i32
        %get3A_443 = arith.index_cast %add3A_442 : i32 to index
        %get3A_444 = arith.constant 16 : index
        %get3A_445 = tpu.vector_load %arg7[%get3A_443, %get3A_444] {strides = array<i32>} : memref<640x64xf32, #tpu.memory_space<vmem>>, vector<1x16xf32>,
        %get3A_446 = vector.shape_cast %get3A_445 : vector<1x16xf32> to vector<16xf32>
        %add3A_447 = arith.addf %add3A_440, %get3A_446 : vector<16xf32>
        %add3A_448 = arith.constant 256 : i32
        %add3A_449 = arith.addi %add3A_448, %scan3A_253 : i32
        %get3A_450 = arith.index_cast %add3A_449 : i32 to index
        %get3A_451 = arith.constant 16 : index
        %get3A_452 = tpu.vector_load %arg7[%get3A_450, %get3A_451] {strides = array<i32>} : memref<640x64xf32, #tpu.memory_space<vmem>>, vector<1x16xf32>,
        %get3A_453 = vector.shape_cast %get3A_452 : vector<1x16xf32> to vector<16xf32>
        %add3A_454 = arith.addf %add3A_447, %get3A_453 : vector<16xf32>
        %add3A_455 = arith.constant 288 : i32
        %add3A_456 = arith.addi %add3A_455, %scan3A_253 : i32
        %get3A_457 = arith.index_cast %add3A_456 : i32 to index
        %get3A_458 = arith.constant 16 : index
        %get3A_459 = tpu.vector_load %arg7[%get3A_457, %get3A_458] {strides = array<i32>} : memref<640x64xf32, #tpu.memory_space<vmem>>, vector<1x16xf32>,
        %get3A_460 = vector.shape_cast %get3A_459 : vector<1x16xf32> to vector<16xf32>
        %add3A_461 = arith.addf %add3A_454, %get3A_460 : vector<16xf32>
        %add3A_462 = arith.constant 320 : i32
        %add3A_463 = arith.addi %add3A_462, %scan3A_253 : i32
        %get3A_464 = arith.index_cast %add3A_463 : i32 to index
        %get3A_465 = arith.constant 16 : index
        %get3A_466 = tpu.vector_load %arg7[%get3A_464, %get3A_465] {strides = array<i32>} : memref<640x64xf32, #tpu.memory_space<vmem>>, vector<1x16xf32>,
        %get3A_467 = vector.shape_cast %get3A_466 : vector<1x16xf32> to vector<16xf32>
        %add3A_468 = arith.addf %add3A_461, %get3A_467 : vector<16xf32>
        %add3A_469 = arith.constant 352 : i32
        %add3A_470 = arith.addi %add3A_469, %scan3A_253 : i32
        %get3A_471 = arith.index_cast %add3A_470 : i32 to index
        %get3A_472 = arith.constant 16 : index
        %get3A_473 = tpu.vector_load %arg7[%get3A_471, %get3A_472] {strides = array<i32>} : memref<640x64xf32, #tpu.memory_space<vmem>>, vector<1x16xf32>,
        %get3A_474 = vector.shape_cast %get3A_473 : vector<1x16xf32> to vector<16xf32>
        %add3A_475 = arith.addf %add3A_468, %get3A_474 : vector<16xf32>
        %add3A_476 = arith.constant 384 : i32
        %add3A_477 = arith.addi %add3A_476, %scan3A_253 : i32
        %get3A_478 = arith.index_cast %add3A_477 : i32 to index
        %get3A_479 = arith.constant 16 : index
        %get3A_480 = tpu.vector_load %arg7[%get3A_478, %get3A_479] {strides = array<i32>} : memref<640x64xf32, #tpu.memory_space<vmem>>, vector<1x16xf32>,
        %get3A_481 = vector.shape_cast %get3A_480 : vector<1x16xf32> to vector<16xf32>
        %add3A_482 = arith.addf %add3A_475, %get3A_481 : vector<16xf32>
        %add3A_483 = arith.constant 416 : i32
        %add3A_484 = arith.addi %add3A_483, %scan3A_253 : i32
        %get3A_485 = arith.index_cast %add3A_484 : i32 to index
        %get3A_486 = arith.constant 16 : index
        %get3A_487 = tpu.vector_load %arg7[%get3A_485, %get3A_486] {strides = array<i32>} : memref<640x64xf32, #tpu.memory_space<vmem>>, vector<1x16xf32>,
        %get3A_488 = vector.shape_cast %get3A_487 : vector<1x16xf32> to vector<16xf32>
        %add3A_489 = arith.addf %add3A_482, %get3A_488 : vector<16xf32>
        %add3A_490 = arith.constant 448 : i32
        %add3A_491 = arith.addi %add3A_490, %scan3A_253 : i32
        %get3A_492 = arith.index_cast %add3A_491 : i32 to index
        %get3A_493 = arith.constant 16 : index
        %get3A_494 = tpu.vector_load %arg7[%get3A_492, %get3A_493] {strides = array<i32>} : memref<640x64xf32, #tpu.memory_space<vmem>>, vector<1x16xf32>,
        %get3A_495 = vector.shape_cast %get3A_494 : vector<1x16xf32> to vector<16xf32>
        %add3A_496 = arith.addf %add3A_489, %get3A_495 : vector<16xf32>
        %add3A_497 = arith.constant 480 : i32
        %add3A_498 = arith.addi %add3A_497, %scan3A_253 : i32
        %get3A_499 = arith.index_cast %add3A_498 : i32 to index
        %get3A_500 = arith.constant 16 : index
        %get3A_501 = tpu.vector_load %arg7[%get3A_499, %get3A_500] {strides = array<i32>} : memref<640x64xf32, #tpu.memory_space<vmem>>, vector<1x16xf32>,
        %get3A_502 = vector.shape_cast %get3A_501 : vector<1x16xf32> to vector<16xf32>
        %add3A_503 = arith.addf %add3A_496, %get3A_502 : vector<16xf32>
        %add3A_504 = arith.constant 512 : i32
        %add3A_505 = arith.addi %add3A_504, %scan3A_253 : i32
        %get3A_506 = arith.index_cast %add3A_505 : i32 to index
        %get3A_507 = arith.constant 16 : index
        %get3A_508 = tpu.vector_load %arg7[%get3A_506, %get3A_507] {strides = array<i32>} : memref<640x64xf32, #tpu.memory_space<vmem>>, vector<1x16xf32>,
        %get3A_509 = vector.shape_cast %get3A_508 : vector<1x16xf32> to vector<16xf32>
        %add3A_510 = arith.addf %add3A_503, %get3A_509 : vector<16xf32>
        %add3A_511 = arith.constant 544 : i32
        %add3A_512 = arith.addi %add3A_511, %scan3A_253 : i32
        %get3A_513 = arith.index_cast %add3A_512 : i32 to index
        %get3A_514 = arith.constant 16 : index
        %get3A_515 = tpu.vector_load %arg7[%get3A_513, %get3A_514] {strides = array<i32>} : memref<640x64xf32, #tpu.memory_space<vmem>>, vector<1x16xf32>,
        %get3A_516 = vector.shape_cast %get3A_515 : vector<1x16xf32> to vector<16xf32>
        %add3A_517 = arith.addf %add3A_510, %get3A_516 : vector<16xf32>
        %add3A_518 = arith.constant 576 : i32
        %add3A_519 = arith.addi %add3A_518, %scan3A_253 : i32
        %get3A_520 = arith.index_cast %add3A_519 : i32 to index
        %get3A_521 = arith.constant 16 : index
        %get3A_522 = tpu.vector_load %arg7[%get3A_520, %get3A_521] {strides = array<i32>} : memref<640x64xf32, #tpu.memory_space<vmem>>, vector<1x16xf32>,
        %get3A_523 = vector.shape_cast %get3A_522 : vector<1x16xf32> to vector<16xf32>
        %add3A_524 = arith.addf %add3A_517, %get3A_523 : vector<16xf32>
        %add3A_525 = arith.constant 608 : i32
        %add3A_526 = arith.addi %add3A_525, %scan3A_253 : i32
        %get3A_527 = arith.index_cast %add3A_526 : i32 to index
        %get3A_528 = arith.constant 16 : index
        %get3A_529 = tpu.vector_load %arg7[%get3A_527, %get3A_528] {strides = array<i32>} : memref<640x64xf32, #tpu.memory_space<vmem>>, vector<1x16xf32>,
        %get3A_530 = vector.shape_cast %get3A_529 : vector<1x16xf32> to vector<16xf32>
        %add3A_531 = arith.addf %add3A_524, %get3A_530 : vector<16xf32>
        %swap3A_532 = arith.index_cast %scan3A_253 : i32 to index
        %swap3A_533 = arith.constant 16 : index
        %swap3A_534 = tpu.vector_load %arg9[%swap3A_532, %swap3A_533] {strides = array<i32>} : memref<32x64xf32, #tpu.memory_space<vmem>>, vector<1x16xf32>,
        %swap3A_535 = vector.shape_cast %swap3A_534 : vector<1x16xf32> to vector<16xf32>
        %swap3A_536 = vector.shape_cast %add3A_531 : vector<16xf32> to vector<1x16xf32>
        tpu.vector_store %arg9[%swap3A_532, %swap3A_533], %swap3A_536 {strides = array<i32>} : memref<32x64xf32, #tpu.memory_space<vmem>>, vector<1x16xf32>,
        %get3A_537 = arith.index_cast %scan3A_253 : i32 to index
        %get3A_538 = arith.constant 32 : index
        %get3A_539 = tpu.vector_load %arg7[%get3A_537, %get3A_538] {strides = array<i32>} : memref<640x64xf32, #tpu.memory_space<vmem>>, vector<1x16xf32>,
        %get3A_540 = vector.shape_cast %get3A_539 : vector<1x16xf32> to vector<16xf32>
        %add3A_541 = arith.constant 32 : i32
        %add3A_542 = arith.addi %add3A_541, %scan3A_253 : i32
        %get3A_543 = arith.index_cast %add3A_542 : i32 to index
        %get3A_544 = arith.constant 32 : index
        %get3A_545 = tpu.vector_load %arg7[%get3A_543, %get3A_544] {strides = array<i32>} : memref<640x64xf32, #tpu.memory_space<vmem>>, vector<1x16xf32>,
        %get3A_546 = vector.shape_cast %get3A_545 : vector<1x16xf32> to vector<16xf32>
        %add3A_547 = arith.addf %get3A_540, %get3A_546 : vector<16xf32>
        %add3A_548 = arith.constant 64 : i32
        %add3A_549 = arith.addi %add3A_548, %scan3A_253 : i32
        %get3A_550 = arith.index_cast %add3A_549 : i32 to index
        %get3A_551 = arith.constant 32 : index
        %get3A_552 = tpu.vector_load %arg7[%get3A_550, %get3A_551] {strides = array<i32>} : memref<640x64xf32, #tpu.memory_space<vmem>>, vector<1x16xf32>,
        %get3A_553 = vector.shape_cast %get3A_552 : vector<1x16xf32> to vector<16xf32>
        %add3A_554 = arith.addf %add3A_547, %get3A_553 : vector<16xf32>
        %add3A_555 = arith.constant 96 : i32
        %add3A_556 = arith.addi %add3A_555, %scan3A_253 : i32
        %get3A_557 = arith.index_cast %add3A_556 : i32 to index
        %get3A_558 = arith.constant 32 : index
        %get3A_559 = tpu.vector_load %arg7[%get3A_557, %get3A_558] {strides = array<i32>} : memref<640x64xf32, #tpu.memory_space<vmem>>, vector<1x16xf32>,
        %get3A_560 = vector.shape_cast %get3A_559 : vector<1x16xf32> to vector<16xf32>
        %add3A_561 = arith.addf %add3A_554, %get3A_560 : vector<16xf32>
        %add3A_562 = arith.constant 128 : i32
        %add3A_563 = arith.addi %add3A_562, %scan3A_253 : i32
        %get3A_564 = arith.index_cast %add3A_563 : i32 to index
        %get3A_565 = arith.constant 32 : index
        %get3A_566 = tpu.vector_load %arg7[%get3A_564, %get3A_565] {strides = array<i32>} : memref<640x64xf32, #tpu.memory_space<vmem>>, vector<1x16xf32>,
        %get3A_567 = vector.shape_cast %get3A_566 : vector<1x16xf32> to vector<16xf32>
        %add3A_568 = arith.addf %add3A_561, %get3A_567 : vector<16xf32>
        %add3A_569 = arith.constant 160 : i32
        %add3A_570 = arith.addi %add3A_569, %scan3A_253 : i32
        %get3A_571 = arith.index_cast %add3A_570 : i32 to index
        %get3A_572 = arith.constant 32 : index
        %get3A_573 = tpu.vector_load %arg7[%get3A_571, %get3A_572] {strides = array<i32>} : memref<640x64xf32, #tpu.memory_space<vmem>>, vector<1x16xf32>,
        %get3A_574 = vector.shape_cast %get3A_573 : vector<1x16xf32> to vector<16xf32>
        %add3A_575 = arith.addf %add3A_568, %get3A_574 : vector<16xf32>
        %add3A_576 = arith.constant 192 : i32
        %add3A_577 = arith.addi %add3A_576, %scan3A_253 : i32
        %get3A_578 = arith.index_cast %add3A_577 : i32 to index
        %get3A_579 = arith.constant 32 : index
        %get3A_580 = tpu.vector_load %arg7[%get3A_578, %get3A_579] {strides = array<i32>} : memref<640x64xf32, #tpu.memory_space<vmem>>, vector<1x16xf32>,
        %get3A_581 = vector.shape_cast %get3A_580 : vector<1x16xf32> to vector<16xf32>
        %add3A_582 = arith.addf %add3A_575, %get3A_581 : vector<16xf32>
        %add3A_583 = arith.constant 224 : i32
        %add3A_584 = arith.addi %add3A_583, %scan3A_253 : i32
        %get3A_585 = arith.index_cast %add3A_584 : i32 to index
        %get3A_586 = arith.constant 32 : index
        %get3A_587 = tpu.vector_load %arg7[%get3A_585, %get3A_586] {strides = array<i32>} : memref<640x64xf32, #tpu.memory_space<vmem>>, vector<1x16xf32>,
        %get3A_588 = vector.shape_cast %get3A_587 : vector<1x16xf32> to vector<16xf32>
        %add3A_589 = arith.addf %add3A_582, %get3A_588 : vector<16xf32>
        %add3A_590 = arith.constant 256 : i32
        %add3A_591 = arith.addi %add3A_590, %scan3A_253 : i32
        %get3A_592 = arith.index_cast %add3A_591 : i32 to index
        %get3A_593 = arith.constant 32 : index
        %get3A_594 = tpu.vector_load %arg7[%get3A_592, %get3A_593] {strides = array<i32>} : memref<640x64xf32, #tpu.memory_space<vmem>>, vector<1x16xf32>,
        %get3A_595 = vector.shape_cast %get3A_594 : vector<1x16xf32> to vector<16xf32>
        %add3A_596 = arith.addf %add3A_589, %get3A_595 : vector<16xf32>
        %add3A_597 = arith.constant 288 : i32
        %add3A_598 = arith.addi %add3A_597, %scan3A_253 : i32
        %get3A_599 = arith.index_cast %add3A_598 : i32 to index
        %get3A_600 = arith.constant 32 : index
        %get3A_601 = tpu.vector_load %arg7[%get3A_599, %get3A_600] {strides = array<i32>} : memref<640x64xf32, #tpu.memory_space<vmem>>, vector<1x16xf32>,
        %get3A_602 = vector.shape_cast %get3A_601 : vector<1x16xf32> to vector<16xf32>
        %add3A_603 = arith.addf %add3A_596, %get3A_602 : vector<16xf32>
        %add3A_604 = arith.constant 320 : i32
        %add3A_605 = arith.addi %add3A_604, %scan3A_253 : i32
        %get3A_606 = arith.index_cast %add3A_605 : i32 to index
        %get3A_607 = arith.constant 32 : index
        %get3A_608 = tpu.vector_load %arg7[%get3A_606, %get3A_607] {strides = array<i32>} : memref<640x64xf32, #tpu.memory_space<vmem>>, vector<1x16xf32>,
        %get3A_609 = vector.shape_cast %get3A_608 : vector<1x16xf32> to vector<16xf32>
        %add3A_610 = arith.addf %add3A_603, %get3A_609 : vector<16xf32>
        %add3A_611 = arith.constant 352 : i32
        %add3A_612 = arith.addi %add3A_611, %scan3A_253 : i32
        %get3A_613 = arith.index_cast %add3A_612 : i32 to index
        %get3A_614 = arith.constant 32 : index
        %get3A_615 = tpu.vector_load %arg7[%get3A_613, %get3A_614] {strides = array<i32>} : memref<640x64xf32, #tpu.memory_space<vmem>>, vector<1x16xf32>,
        %get3A_616 = vector.shape_cast %get3A_615 : vector<1x16xf32> to vector<16xf32>
        %add3A_617 = arith.addf %add3A_610, %get3A_616 : vector<16xf32>
        %add3A_618 = arith.constant 384 : i32
        %add3A_619 = arith.addi %add3A_618, %scan3A_253 : i32
        %get3A_620 = arith.index_cast %add3A_619 : i32 to index
        %get3A_621 = arith.constant 32 : index
        %get3A_622 = tpu.vector_load %arg7[%get3A_620, %get3A_621] {strides = array<i32>} : memref<640x64xf32, #tpu.memory_space<vmem>>, vector<1x16xf32>,
        %get3A_623 = vector.shape_cast %get3A_622 : vector<1x16xf32> to vector<16xf32>
        %add3A_624 = arith.addf %add3A_617, %get3A_623 : vector<16xf32>
        %add3A_625 = arith.constant 416 : i32
        %add3A_626 = arith.addi %add3A_625, %scan3A_253 : i32
        %get3A_627 = arith.index_cast %add3A_626 : i32 to index
        %get3A_628 = arith.constant 32 : index
        %get3A_629 = tpu.vector_load %arg7[%get3A_627, %get3A_628] {strides = array<i32>} : memref<640x64xf32, #tpu.memory_space<vmem>>, vector<1x16xf32>,
        %get3A_630 = vector.shape_cast %get3A_629 : vector<1x16xf32> to vector<16xf32>
        %add3A_631 = arith.addf %add3A_624, %get3A_630 : vector<16xf32>
        %add3A_632 = arith.constant 448 : i32
        %add3A_633 = arith.addi %add3A_632, %scan3A_253 : i32
        %get3A_634 = arith.index_cast %add3A_633 : i32 to index
        %get3A_635 = arith.constant 32 : index
        %get3A_636 = tpu.vector_load %arg7[%get3A_634, %get3A_635] {strides = array<i32>} : memref<640x64xf32, #tpu.memory_space<vmem>>, vector<1x16xf32>,
        %get3A_637 = vector.shape_cast %get3A_636 : vector<1x16xf32> to vector<16xf32>
        %add3A_638 = arith.addf %add3A_631, %get3A_637 : vector<16xf32>
        %add3A_639 = arith.constant 480 : i32
        %add3A_640 = arith.addi %add3A_639, %scan3A_253 : i32
        %get3A_641 = arith.index_cast %add3A_640 : i32 to index
        %get3A_642 = arith.constant 32 : index
        %get3A_643 = tpu.vector_load %arg7[%get3A_641, %get3A_642] {strides = array<i32>} : memref<640x64xf32, #tpu.memory_space<vmem>>, vector<1x16xf32>,
        %get3A_644 = vector.shape_cast %get3A_643 : vector<1x16xf32> to vector<16xf32>
        %add3A_645 = arith.addf %add3A_638, %get3A_644 : vector<16xf32>
        %add3A_646 = arith.constant 512 : i32
        %add3A_647 = arith.addi %add3A_646, %scan3A_253 : i32
        %get3A_648 = arith.index_cast %add3A_647 : i32 to index
        %get3A_649 = arith.constant 32 : index
        %get3A_650 = tpu.vector_load %arg7[%get3A_648, %get3A_649] {strides = array<i32>} : memref<640x64xf32, #tpu.memory_space<vmem>>, vector<1x16xf32>,
        %get3A_651 = vector.shape_cast %get3A_650 : vector<1x16xf32> to vector<16xf32>
        %add3A_652 = arith.addf %add3A_645, %get3A_651 : vector<16xf32>
        %add3A_653 = arith.constant 544 : i32
        %add3A_654 = arith.addi %add3A_653, %scan3A_253 : i32
        %get3A_655 = arith.index_cast %add3A_654 : i32 to index
        %get3A_656 = arith.constant 32 : index
        %get3A_657 = tpu.vector_load %arg7[%get3A_655, %get3A_656] {strides = array<i32>} : memref<640x64xf32, #tpu.memory_space<vmem>>, vector<1x16xf32>,
        %get3A_658 = vector.shape_cast %get3A_657 : vector<1x16xf32> to vector<16xf32>
        %add3A_659 = arith.addf %add3A_652, %get3A_658 : vector<16xf32>
        %add3A_660 = arith.constant 576 : i32
        %add3A_661 = arith.addi %add3A_660, %scan3A_253 : i32
        %get3A_662 = arith.index_cast %add3A_661 : i32 to index
        %get3A_663 = arith.constant 32 : index
        %get3A_664 = tpu.vector_load %arg7[%get3A_662, %get3A_663] {strides = array<i32>} : memref<640x64xf32, #tpu.memory_space<vmem>>, vector<1x16xf32>,
        %get3A_665 = vector.shape_cast %get3A_664 : vector<1x16xf32> to vector<16xf32>
        %add3A_666 = arith.addf %add3A_659, %get3A_665 : vector<16xf32>
        %add3A_667 = arith.constant 608 : i32
        %add3A_668 = arith.addi %add3A_667, %scan3A_253 : i32
        %get3A_669 = arith.index_cast %add3A_668 : i32 to index
        %get3A_670 = arith.constant 32 : index
        %get3A_671 = tpu.vector_load %arg7[%get3A_669, %get3A_670] {strides = array<i32>} : memref<640x64xf32, #tpu.memory_space<vmem>>, vector<1x16xf32>,
        %get3A_672 = vector.shape_cast %get3A_671 : vector<1x16xf32> to vector<16xf32>
        %add3A_673 = arith.addf %add3A_666, %get3A_672 : vector<16xf32>
        %swap3A_674 = arith.index_cast %scan3A_253 : i32 to index
        %swap3A_675 = arith.constant 32 : index
        %swap3A_676 = tpu.vector_load %arg9[%swap3A_674, %swap3A_675] {strides = array<i32>} : memref<32x64xf32, #tpu.memory_space<vmem>>, vector<1x16xf32>,
        %swap3A_677 = vector.shape_cast %swap3A_676 : vector<1x16xf32> to vector<16xf32>
        %swap3A_678 = vector.shape_cast %add3A_673 : vector<16xf32> to vector<1x16xf32>
        tpu.vector_store %arg9[%swap3A_674, %swap3A_675], %swap3A_678 {strides = array<i32>} : memref<32x64xf32, #tpu.memory_space<vmem>>, vector<1x16xf32>,
        %get3A_679 = arith.index_cast %scan3A_253 : i32 to index
        %get3A_680 = arith.constant 48 : index
        %get3A_681 = tpu.vector_load %arg7[%get3A_679, %get3A_680] {strides = array<i32>} : memref<640x64xf32, #tpu.memory_space<vmem>>, vector<1x16xf32>,
        %get3A_682 = vector.shape_cast %get3A_681 : vector<1x16xf32> to vector<16xf32>
        %add3A_683 = arith.constant 32 : i32
        %add3A_684 = arith.addi %add3A_683, %scan3A_253 : i32
        %get3A_685 = arith.index_cast %add3A_684 : i32 to index
        %get3A_686 = arith.constant 48 : index
        %get3A_687 = tpu.vector_load %arg7[%get3A_685, %get3A_686] {strides = array<i32>} : memref<640x64xf32, #tpu.memory_space<vmem>>, vector<1x16xf32>,
        %get3A_688 = vector.shape_cast %get3A_687 : vector<1x16xf32> to vector<16xf32>
        %add3A_689 = arith.addf %get3A_682, %get3A_688 : vector<16xf32>
        %add3A_690 = arith.constant 64 : i32
        %add3A_691 = arith.addi %add3A_690, %scan3A_253 : i32
        %get3A_692 = arith.index_cast %add3A_691 : i32 to index
        %get3A_693 = arith.constant 48 : index
        %get3A_694 = tpu.vector_load %arg7[%get3A_692, %get3A_693] {strides = array<i32>} : memref<640x64xf32, #tpu.memory_space<vmem>>, vector<1x16xf32>,
        %get3A_695 = vector.shape_cast %get3A_694 : vector<1x16xf32> to vector<16xf32>
        %add3A_696 = arith.addf %add3A_689, %get3A_695 : vector<16xf32>
        %add3A_697 = arith.constant 96 : i32
        %add3A_698 = arith.addi %add3A_697, %scan3A_253 : i32
        %get3A_699 = arith.index_cast %add3A_698 : i32 to index
        %get3A_700 = arith.constant 48 : index
        %get3A_701 = tpu.vector_load %arg7[%get3A_699, %get3A_700] {strides = array<i32>} : memref<640x64xf32, #tpu.memory_space<vmem>>, vector<1x16xf32>,
        %get3A_702 = vector.shape_cast %get3A_701 : vector<1x16xf32> to vector<16xf32>
        %add3A_703 = arith.addf %add3A_696, %get3A_702 : vector<16xf32>
        %add3A_704 = arith.constant 128 : i32
        %add3A_705 = arith.addi %add3A_704, %scan3A_253 : i32
        %get3A_706 = arith.index_cast %add3A_705 : i32 to index
        %get3A_707 = arith.constant 48 : index
        %get3A_708 = tpu.vector_load %arg7[%get3A_706, %get3A_707] {strides = array<i32>} : memref<640x64xf32, #tpu.memory_space<vmem>>, vector<1x16xf32>,
        %get3A_709 = vector.shape_cast %get3A_708 : vector<1x16xf32> to vector<16xf32>
        %add3A_710 = arith.addf %add3A_703, %get3A_709 : vector<16xf32>
        %add3A_711 = arith.constant 160 : i32
        %add3A_712 = arith.addi %add3A_711, %scan3A_253 : i32
        %get3A_713 = arith.index_cast %add3A_712 : i32 to index
        %get3A_714 = arith.constant 48 : index
        %get3A_715 = tpu.vector_load %arg7[%get3A_713, %get3A_714] {strides = array<i32>} : memref<640x64xf32, #tpu.memory_space<vmem>>, vector<1x16xf32>,
        %get3A_716 = vector.shape_cast %get3A_715 : vector<1x16xf32> to vector<16xf32>
        %add3A_717 = arith.addf %add3A_710, %get3A_716 : vector<16xf32>
        %add3A_718 = arith.constant 192 : i32
        %add3A_719 = arith.addi %add3A_718, %scan3A_253 : i32
        %get3A_720 = arith.index_cast %add3A_719 : i32 to index
        %get3A_721 = arith.constant 48 : index
        %get3A_722 = tpu.vector_load %arg7[%get3A_720, %get3A_721] {strides = array<i32>} : memref<640x64xf32, #tpu.memory_space<vmem>>, vector<1x16xf32>,
        %get3A_723 = vector.shape_cast %get3A_722 : vector<1x16xf32> to vector<16xf32>
        %add3A_724 = arith.addf %add3A_717, %get3A_723 : vector<16xf32>
        %add3A_725 = arith.constant 224 : i32
        %add3A_726 = arith.addi %add3A_725, %scan3A_253 : i32
        %get3A_727 = arith.index_cast %add3A_726 : i32 to index
        %get3A_728 = arith.constant 48 : index
        %get3A_729 = tpu.vector_load %arg7[%get3A_727, %get3A_728] {strides = array<i32>} : memref<640x64xf32, #tpu.memory_space<vmem>>, vector<1x16xf32>,
        %get3A_730 = vector.shape_cast %get3A_729 : vector<1x16xf32> to vector<16xf32>
        %add3A_731 = arith.addf %add3A_724, %get3A_730 : vector<16xf32>
        %add3A_732 = arith.constant 256 : i32
        %add3A_733 = arith.addi %add3A_732, %scan3A_253 : i32
        %get3A_734 = arith.index_cast %add3A_733 : i32 to index
        %get3A_735 = arith.constant 48 : index
        %get3A_736 = tpu.vector_load %arg7[%get3A_734, %get3A_735] {strides = array<i32>} : memref<640x64xf32, #tpu.memory_space<vmem>>, vector<1x16xf32>,
        %get3A_737 = vector.shape_cast %get3A_736 : vector<1x16xf32> to vector<16xf32>
        %add3A_738 = arith.addf %add3A_731, %get3A_737 : vector<16xf32>
        %add3A_739 = arith.constant 288 : i32
        %add3A_740 = arith.addi %add3A_739, %scan3A_253 : i32
        %get3A_741 = arith.index_cast %add3A_740 : i32 to index
        %get3A_742 = arith.constant 48 : index
        %get3A_743 = tpu.vector_load %arg7[%get3A_741, %get3A_742] {strides = array<i32>} : memref<640x64xf32, #tpu.memory_space<vmem>>, vector<1x16xf32>,
        %get3A_744 = vector.shape_cast %get3A_743 : vector<1x16xf32> to vector<16xf32>
        %add3A_745 = arith.addf %add3A_738, %get3A_744 : vector<16xf32>
        %add3A_746 = arith.constant 320 : i32
        %add3A_747 = arith.addi %add3A_746, %scan3A_253 : i32
        %get3A_748 = arith.index_cast %add3A_747 : i32 to index
        %get3A_749 = arith.constant 48 : index
        %get3A_750 = tpu.vector_load %arg7[%get3A_748, %get3A_749] {strides = array<i32>} : memref<640x64xf32, #tpu.memory_space<vmem>>, vector<1x16xf32>,
        %get3A_751 = vector.shape_cast %get3A_750 : vector<1x16xf32> to vector<16xf32>
        %add3A_752 = arith.addf %add3A_745, %get3A_751 : vector<16xf32>
        %add3A_753 = arith.constant 352 : i32
        %add3A_754 = arith.addi %add3A_753, %scan3A_253 : i32
        %get3A_755 = arith.index_cast %add3A_754 : i32 to index
        %get3A_756 = arith.constant 48 : index
        %get3A_757 = tpu.vector_load %arg7[%get3A_755, %get3A_756] {strides = array<i32>} : memref<640x64xf32, #tpu.memory_space<vmem>>, vector<1x16xf32>,
        %get3A_758 = vector.shape_cast %get3A_757 : vector<1x16xf32> to vector<16xf32>
        %add3A_759 = arith.addf %add3A_752, %get3A_758 : vector<16xf32>
        %add3A_760 = arith.constant 384 : i32
        %add3A_761 = arith.addi %add3A_760, %scan3A_253 : i32
        %get3A_762 = arith.index_cast %add3A_761 : i32 to index
        %get3A_763 = arith.constant 48 : index
        %get3A_764 = tpu.vector_load %arg7[%get3A_762, %get3A_763] {strides = array<i32>} : memref<640x64xf32, #tpu.memory_space<vmem>>, vector<1x16xf32>,
        %get3A_765 = vector.shape_cast %get3A_764 : vector<1x16xf32> to vector<16xf32>
        %add3A_766 = arith.addf %add3A_759, %get3A_765 : vector<16xf32>
        %add3A_767 = arith.constant 416 : i32
        %add3A_768 = arith.addi %add3A_767, %scan3A_253 : i32
        %get3A_769 = arith.index_cast %add3A_768 : i32 to index
        %get3A_770 = arith.constant 48 : index
        %get3A_771 = tpu.vector_load %arg7[%get3A_769, %get3A_770] {strides = array<i32>} : memref<640x64xf32, #tpu.memory_space<vmem>>, vector<1x16xf32>,
        %get3A_772 = vector.shape_cast %get3A_771 : vector<1x16xf32> to vector<16xf32>
        %add3A_773 = arith.addf %add3A_766, %get3A_772 : vector<16xf32>
        %add3A_774 = arith.constant 448 : i32
        %add3A_775 = arith.addi %add3A_774, %scan3A_253 : i32
        %get3A_776 = arith.index_cast %add3A_775 : i32 to index
        %get3A_777 = arith.constant 48 : index
        %get3A_778 = tpu.vector_load %arg7[%get3A_776, %get3A_777] {strides = array<i32>} : memref<640x64xf32, #tpu.memory_space<vmem>>, vector<1x16xf32>,
        %get3A_779 = vector.shape_cast %get3A_778 : vector<1x16xf32> to vector<16xf32>
        %add3A_780 = arith.addf %add3A_773, %get3A_779 : vector<16xf32>
        %add3A_781 = arith.constant 480 : i32
        %add3A_782 = arith.addi %add3A_781, %scan3A_253 : i32
        %get3A_783 = arith.index_cast %add3A_782 : i32 to index
        %get3A_784 = arith.constant 48 : index
        %get3A_785 = tpu.vector_load %arg7[%get3A_783, %get3A_784] {strides = array<i32>} : memref<640x64xf32, #tpu.memory_space<vmem>>, vector<1x16xf32>,
        %get3A_786 = vector.shape_cast %get3A_785 : vector<1x16xf32> to vector<16xf32>
        %add3A_787 = arith.addf %add3A_780, %get3A_786 : vector<16xf32>
        %add3A_788 = arith.constant 512 : i32
        %add3A_789 = arith.addi %add3A_788, %scan3A_253 : i32
        %get3A_790 = arith.index_cast %add3A_789 : i32 to index
        %get3A_791 = arith.constant 48 : index
        %get3A_792 = tpu.vector_load %arg7[%get3A_790, %get3A_791] {strides = array<i32>} : memref<640x64xf32, #tpu.memory_space<vmem>>, vector<1x16xf32>,
        %get3A_793 = vector.shape_cast %get3A_792 : vector<1x16xf32> to vector<16xf32>
        %add3A_794 = arith.addf %add3A_787, %get3A_793 : vector<16xf32>
        %add3A_795 = arith.constant 544 : i32
        %add3A_796 = arith.addi %add3A_795, %scan3A_253 : i32
        %get3A_797 = arith.index_cast %add3A_796 : i32 to index
        %get3A_798 = arith.constant 48 : index
        %get3A_799 = tpu.vector_load %arg7[%get3A_797, %get3A_798] {strides = array<i32>} : memref<640x64xf32, #tpu.memory_space<vmem>>, vector<1x16xf32>,
        %get3A_800 = vector.shape_cast %get3A_799 : vector<1x16xf32> to vector<16xf32>
        %add3A_801 = arith.addf %add3A_794, %get3A_800 : vector<16xf32>
        %add3A_802 = arith.constant 576 : i32
        %add3A_803 = arith.addi %add3A_802, %scan3A_253 : i32
        %get3A_804 = arith.index_cast %add3A_803 : i32 to index
        %get3A_805 = arith.constant 48 : index
        %get3A_806 = tpu.vector_load %arg7[%get3A_804, %get3A_805] {strides = array<i32>} : memref<640x64xf32, #tpu.memory_space<vmem>>, vector<1x16xf32>,
        %get3A_807 = vector.shape_cast %get3A_806 : vector<1x16xf32> to vector<16xf32>
        %add3A_808 = arith.addf %add3A_801, %get3A_807 : vector<16xf32>
        %add3A_809 = arith.constant 608 : i32
        %add3A_810 = arith.addi %add3A_809, %scan3A_253 : i32
        %get3A_811 = arith.index_cast %add3A_810 : i32 to index
        %get3A_812 = arith.constant 48 : index
        %get3A_813 = tpu.vector_load %arg7[%get3A_811, %get3A_812] {strides = array<i32>} : memref<640x64xf32, #tpu.memory_space<vmem>>, vector<1x16xf32>,
        %get3A_814 = vector.shape_cast %get3A_813 : vector<1x16xf32> to vector<16xf32>
        %add3A_815 = arith.addf %add3A_808, %get3A_814 : vector<16xf32>
        %swap3A_816 = arith.index_cast %scan3A_253 : i32 to index
        %swap3A_817 = arith.constant 48 : index
        %swap3A_818 = tpu.vector_load %arg9[%swap3A_816, %swap3A_817] {strides = array<i32>} : memref<32x64xf32, #tpu.memory_space<vmem>>, vector<1x16xf32>,
        %swap3A_819 = vector.shape_cast %swap3A_818 : vector<1x16xf32> to vector<16xf32>
        %swap3A_820 = vector.shape_cast %add3A_815 : vector<16xf32> to vector<1x16xf32>
        tpu.vector_store %arg9[%swap3A_816, %swap3A_817], %swap3A_820 {strides = array<i32>} : memref<32x64xf32, #tpu.memory_space<vmem>>, vector<1x16xf32>,
        %scan3A_821 = arith.constant 0 : i32
        scf.yield %scan3A_821 : i32
      }
      %scan3A_251 = arith.constant 32 : i32
      "tpu.region"() ({
        %run_scoped3A = tpu.sem_alloc : memref<!tpu.dma_semaphore, #tpu.memory_space<semaphore_mem>>
        %dma_start3A_253 = arith.constant 0 : i32
        %dma_start3A_254 = tpu.memref_slice %arg4[%add3A_231, %mul3A_2, %dma_start3A_253] : memref<50x1024x64xf32, #tpu.memory_space<hbm>> -> memref<1x32x64xf32, #tpu.memory_space<hbm>>
        %dma_start3A_255 = tpu.memref_squeeze %dma_start3A_254 : memref<1x32x64xf32, #tpu.memory_space<hbm>> -> memref<32x64xf32, #tpu.memory_space<hbm>>
        %dma_start3A_256 = arith.constant 0 : i32
        %dma_start3A_257 = tpu.memref_slice %arg4[%add3A_231, %mul3A_2, %dma_start3A_256] : memref<50x1024x64xf32, #tpu.memory_space<hbm>> -> memref<1x32x64xf32, #tpu.memory_space<hbm>>
        %dma_start3A_258 = tpu.memref_squeeze %dma_start3A_257 : memref<1x32x64xf32, #tpu.memory_space<hbm>> -> memref<32x64xf32, #tpu.memory_space<hbm>>
        tpu.enqueue_dma source(%arg9 : memref<32x64xf32, #tpu.memory_space<vmem>>) target(%dma_start3A_258 : memref<32x64xf32, #tpu.memory_space<hbm>>) target_semaphore(%run_scoped3A : memref<!tpu.dma_semaphore, #tpu.memory_space<semaphore_mem>>)
        %dma_wait3A_259 = arith.constant 0 : i32
        %dma_wait3A_260 = tpu.memref_slice %arg4[%add3A_231, %mul3A_2, %dma_wait3A_259] : memref<50x1024x64xf32, #tpu.memory_space<hbm>> -> memref<1x32x64xf32, #tpu.memory_space<hbm>>
        %dma_wait3A_261 = tpu.memref_squeeze %dma_wait3A_260 : memref<1x32x64xf32, #tpu.memory_space<hbm>> -> memref<32x64xf32, #tpu.memory_space<hbm>>
        %dma_wait3A_262 = arith.constant 0 : i32
        %dma_wait3A_263 = tpu.memref_slice %arg4[%add3A_231, %mul3A_2, %dma_wait3A_262] : memref<50x1024x64xf32, #tpu.memory_space<hbm>> -> memref<1x32x64xf32, #tpu.memory_space<hbm>>
        %dma_wait3A_264 = tpu.memref_squeeze %dma_wait3A_263 : memref<1x32x64xf32, #tpu.memory_space<hbm>> -> memref<32x64xf32, #tpu.memory_space<hbm>>
        tpu.wait_dma2 semaphore(%run_scoped3A : memref<!tpu.dma_semaphore, #tpu.memory_space<semaphore_mem>>) src(%arg9 : memref<32x64xf32, #tpu.memory_space<vmem>>) dst(%dma_wait3A_264 : memref<32x64xf32, #tpu.memory_space<hbm>>)
        tpu.yield
      }) : () -> ()
      %scan3A_252 = arith.constant 0 : i32
      scf.yield %scan3A_252 : i32
    }
    %scan3A_207 = arith.constant 25 : i32
    return
  }
}

</mosaic_0001>

<sc_bundles>
// kernel: kernel.3.cloned.1.call-start
scs
__scs_entry_jumppad:
0x0: {  	(pc) =	sbr.rel $0x88, $3  }
0x1: {  	(tag) =	ssettag $0x0;
	lr =	simm.s32 $0x1  }
0x2: {  	[smem:$0x3F9F] =	sst lr;
	_ =	strace $0xD0000000  }
0x3: {  	_ = 	snop  }
0x4: {  	_ = 	snop  }
0x5: {  	_ = 	snop  }
0x6: {  	_ = 	snop  }
0x7: {  	_ = 	snop  }
__scs_overlays_trampoline_lowered:
0x8: {  	[smem:$0x3FAE] =	sst s0  }
0x9: {  	[smem:$0x3FAF] =	sst s1  }
0xa: {  	[smem:$0x3FB0] =	sst s2  }
0xb: {  	[smem:$0x3FB1] =	sst s3  }
0xc: {  	[smem:$0x3FB2] =	sst s4  }
0xd: {  	[smem:$0x3FB3] =	sst s5  }
0xe: {  	[smem:$0x3FB4] =	sst s6  }
0xf: {  	[smem:$0x3FB5] =	sst s7  }
0x10: {  	[smem:$0x3FB6] =	sst s8  }
0x11: {  	[smem:$0x3FB7] =	sst s9;
	s0 =	simm.s32 @!p0 $0x0  }
0x12: {  	s1 =	sld [smem:$0x3F9D];
	s0 =	simm.s32 @p0 $0x1  }
0x13: {  	[smem:$0x3FB8] =	sst s0;
	s0 =	simm.s32 @!p1 $0x0  }
0x14: {  	s2 =	sld [smem:$0x3F9C];
	s0 =	simm.s32 @p1 $0x1  }
0x15: {  	[smem:$0x3FB9] =	sst s0;
	s0 =	simm.s32 @!p2 $0x0  }
0x16: {  	s3 =	sld [smem:$0x3FDB];
	s0 =	simm.s32 @p2 $0x1  }
0x17: {  	s4 =	simm.s32 $0x1BF5;
	[smem:$0x3FBB] =	sst s0  }
0x18: {  	s0 =	sld [smem:$0x3F9E];
	_ =	swait.ge [sflag:s4], $0x0  }
0x19: {  	s7 =	sld [smem:$0x3F9F]  }
0x1a: {  	s8 =	sadd.s32 $0xFFFFE003, lr  }
0x1b: {  	s9 =	sadd.s32 $0xFFFFFEF7, lr;
	s5 =	simm.s32 $0xFFFFFFFF;
	p2 =	slt.u32 s8, $0xFFFFF086  }
0x1c: {  	p1 =	slt.u32 s9, $0xF7A;
	s5 =	simm.s32 @!p2 $0x0  }
0x1d: {  	s5 =	simm.s32 @p1 $0x1;
	p0 =	seq.s32 s7, s2  }
0x1e: {  	s7 =	smul.u32 @!p0 $0xF7A, s2;
	p2 =	seq.s32 @!p0 s5, $0x0  }
0x1f: {  	s9 =	smul.u32 $0xF7A, s1;
	s8 =	simm.s32 @!p0 $0x1BF5;
	p2 =	por !p2, p0  }
0x20: {  	[sflag:s8] =	ssyncset.s32 @!p0 $0xFFFFF086;
	s6 =	sadd.s32 @!p0 s3, s7;
	s7 =	simm.s32 @!p0 $0x108  }
0x21: {  	s3 =	sadd.s32 s3, s9;
	s6 =	sadd.s32 @!p0 $0x88, s6;
	s7 =	simm.s32 @p2 $0x1082  }
0x22: {  	[simem:s7], [sflag:s8] =	dma.local @!p0 [hbm:s6], $0xF7A  }
0x23: {  	s9 =	sor.u32 $0xD0000000, s2;
	s6 =	simm.s32 $0x108;
	_ =	swait.ge @!p0 [sflag:s8], $0x0  }
0x24: {  	s3 =	sadd.s32 $0x88, s3;
	s6 =	simm.s32 @!p1 $0x1082;
	[sflag:s4] =	ssyncset.s32 $0xFFFFF086  }
0x25: {  	[simem:s6], [sflag:s4] =	dma.local [hbm:s3], $0xF7A  }
0x26: {  	[smem:$0x3F9F] =	sst s1;
	(tag) =	ssettag s2;
	_ =	strace s9  }
0x27: {  	s1 =	sld [smem:$0x3FAF]  }
0x28: {  	s2 =	sld [smem:$0x3FB0]  }
0x29: {  	s4 =	sld [smem:$0x3FB2]  }
0x2a: {  	p0 =	seq.s32 s5, $0x0;
	s5 =	sld [smem:$0x3FB3]  }
0x2b: {  	s6 =	sld [smem:$0x3FB4]  }
0x2c: {  	s7 =	sld [smem:$0x3FB5]  }
0x2d: {  	s3 =	simm.s32 $0x108;
	s8 =	sld [smem:$0x3FB6]  }
0x2e: {  	s3 =	simm.s32 @!p0 $0x1082;
	s9 =	sld [smem:$0x3FB7]  }
0x2f: {  	lr =	sadd.s32 s0, s3;
	s0 =	sld [smem:$0x3FAE]  }
0x30: {  	s3 =	sld [smem:$0x3FB1]  }
0x31: {  	[smem:$0x3FBA] =	sst s10  }
0x32: {  	s10 =	sld [smem:$0x3FB8];
	_ =	sdelay $0x3  }
0x33: {  	p0 =	seq.s32 s10, $0x1;
	s10 =	sld [smem:$0x3FBA];
	_ =	sdelay $0x3  }
0x34: {  	[smem:$0x3FBA] =	sst s10  }
0x35: {  	s10 =	sld [smem:$0x3FB9];
	_ =	sdelay $0x3  }
0x36: {  	p1 =	seq.s32 s10, $0x1;
	s10 =	sld [smem:$0x3FBA];
	_ =	sdelay $0x3  }
0x37: {  	[smem:$0x3FBA] =	sst s10  }
0x38: {  	s10 =	sld [smem:$0x3FBB]  }
0x39: {  	_ = 	snop;
	(pc) =	sbr.ind lr, $3  }
0x3a: {  	_ = 	snop  }
0x3b: {  	_ = 	snop  }
0x3c: {  	p2 =	seq.s32 s10, $0x1;
	s10 =	sld [smem:$0x3FBA]  }
0x3d: {  	_ =	shalt  }
0x3e: {  	_ =	shalt  }
0x3f: {  	_ =	shalt  }
0x40: {  	_ =	shalt  }
0x41: {  	_ =	shalt  }
0x42: {  	_ =	shalt  }
0x43: {  	_ =	shalt  }
0x44: {  	_ =	shalt  }
0x45: {  	_ =	shalt  }
0x46: {  	_ =	shalt  }
0x47: {  	_ =	shalt  }
0x48: {  	_ =	shalt  }
0x49: {  	_ =	shalt  }
0x4a: {  	_ =	shalt  }
0x4b: {  	_ =	shalt  }
0x4c: {  	_ =	shalt  }
0x4d: {  	_ =	shalt  }
0x4e: {  	_ =	shalt  }
0x4f: {  	_ =	shalt  }
0x50: {  	_ =	shalt  }
0x51: {  	_ =	shalt  }
0x52: {  	_ =	shalt  }
0x53: {  	_ =	shalt  }
0x54: {  	_ =	shalt  }
0x55: {  	_ =	shalt  }
0x56: {  	_ =	shalt  }
0x57: {  	_ =	shalt  }
0x58: {  	_ =	shalt  }
0x59: {  	_ =	shalt  }
0x5a: {  	_ =	shalt  }
0x5b: {  	_ =	shalt  }
0x5c: {  	_ =	shalt  }
0x5d: {  	_ =	shalt  }
0x5e: {  	_ =	shalt  }
0x5f: {  	_ =	shalt  }
0x60: {  	_ =	shalt  }
0x61: {  	_ =	shalt  }
0x62: {  	_ =	shalt  }
0x63: {  	_ =	shalt  }
0x64: {  	_ =	shalt  }
0x65: {  	_ =	shalt  }
0x66: {  	_ =	shalt  }
0x67: {  	_ =	shalt  }
0x68: {  	_ =	shalt  }
0x69: {  	_ =	shalt  }
0x6a: {  	_ =	shalt  }
0x6b: {  	_ =	shalt  }
0x6c: {  	_ =	shalt  }
0x6d: {  	_ =	shalt  }
0x6e: {  	_ =	shalt  }
0x6f: {  	_ =	shalt  }
0x70: {  	_ =	shalt  }
0x71: {  	_ =	shalt  }
0x72: {  	_ =	shalt  }
0x73: {  	_ =	shalt  }
0x74: {  	_ =	shalt  }
0x75: {  	_ =	shalt  }
0x76: {  	_ =	shalt  }
0x77: {  	_ =	shalt  }
0x78: {  	_ =	shalt  }
0x79: {  	_ =	shalt  }
0x7a: {  	_ =	shalt  }
0x7b: {  	_ =	shalt  }
0x7c: {  	_ =	shalt  }
0x7d: {  	_ =	shalt  }
0x7e: {  	_ =	shalt  }
0x7f: {  	_ =	shalt  }
0x80: {  	_ =	shalt  }
0x81: {  	_ =	shalt  }
0x82: {  	_ =	shalt  }
0x83: {  	_ =	shalt  }
0x84: {  	_ =	shalt  }
0x85: {  	_ =	shalt  }
0x86: {  	_ =	shalt  }
0x87: {  	_ =	shalt  }
.Lfunc_end0:
.L_simem_size_0:
called_computation_lowered:
.L_overlay_start_0:
0x88: {  	s2 =	sld [smem:$0x3FD9]  }
0x89: {  	s3 =	sld [smem:$0x3FFE];
	_ =	sdelay $0x1  }
0x8a: {  	s1 =	srdreg.scid  }
0x8b: {  	s0 =	sand.u32 $0x1, s1  }
0x8c: {  	s17 =	sshll.u32 s0, $0xA;
	s2 =	sadd.s32 s3, s2  }
0x8d: {  	s2 =	sadd.s32 s2, s17  }
0x8e: {  	[smem:$0x3FC6] =	sst s2  }
0x8f: {  	_ = 	snop  }
0x90: {  	s2 =	sld [smem:$0x3FD0];
	(tm) =	ssettm $0x1  }
0x91: {  	s18 =	sld [smem:$0x3FFB];
	_ =	sdelay $0x3  }
0x92: {  	_ =	strace s18  }
0x93: {  	s3 =	sld [smem:$0x3FFC];
	_ =	sdelay $0x3  }
0x94: {  	_ =	strace s3  }
0x95: {  	s3 =	sld [smem:$0x3FFD];
	_ =	sdelay $0x3  }
0x96: {  	_ =	strace s3  }
0x97: {  	_ =	strace $0x8FFFFFFF  }
0x98: {  	s19 =	sld [smem:$0x3FDB];
	_ =	sdelay $0x1  }
0x99: {  	s4 =	simm.s32 $_scs_section_size  }
0x9a: {  	s5 =	simm.s32 $_size__tile_overlayer_lowered;
	s6 =	simm.s32 $_tile_overlayer_lowered  }
0x9b: {  	s22 =	simm.s32 $0x1BFF;
	s21 =	sshll.u32 s6, $0x1;
	s3 =	sadd.s32 s4, s19  }
0x9c: {  	s7 =	simm.s32 $0x0;
	s20 =	sshll.u32 s5, $0x1;
	s5 =	sadd.s32 s21, s3  }
0x9d: {  	[timem:s7], [sflag:s22] =	dma.local [hbm:s5], s20  }
0x9e: {  	_ =	swait.ge [sflag:s22], s20  }
0x9f: {  	s4 =	ssub.s32 $0x0, s20;
	[sflag:s22] =	ssyncset.done $0x0  }
0xa0: {  	[sflag:s22] =	ssyncadd.s32 s4;
	_ =	sdelay $0x1  }
0xa1: {  	s23 =	simm.s32 $0x1B8B  }
0xa2: {  	_ =	swait.ge [sflag:s23], $0x1  }
0xa3: {  	[sflag:s23] =	ssyncset.done $0x0  }
0xa4: {  	s25 =	simm.s32 $0x1B8E;
	s24 =	sld [smem:$0x3FFE];
	[sflag:s23] =	ssyncadd.s32 $0xFFFFFFFF  }
0xa5: {  	s26 =	simm.s32 $execute0_lowered;
	[smem:$0x3FD2] =	sst s25  }
0xa6: {  	s5 =	sshll.u32 s26, $0x1;
	_ =	strace $0x80000046;
	[dreg:$0x1] =	wrdreg $0xFFFFFFFF  }
0xa7: {  	s28 =	simm.s32 $_size_execute0_lowered;
	s3 =	sadd.s32 s3, s5;
	[dreg:$0x0] =	wrdreg $0x0  }
0xa8: {  	s5 =	sshll.u32 s28, $0x1;
	[dreg:$0x2] =	wrdreg s3  }
0xa9: {  	[dreg:$0x3] =	wrdreg s5  }
0xaa: {  	[dreg:$0x4] =	wrdreg $0xC0  }
0xab: {  	_ =	task [dreg:s7], $0x5FFFF  }
0xac: {  	[dreg:$0x1] =	wrdreg $0xFFFFFFFF  }
0xad: {  	[dreg:$0x0] =	wrdreg $0x60  }
0xae: {  	[dreg:$0x2] =	wrdreg s24  }
0xaf: {  	[dreg:$0x3] =	wrdreg s2  }
0xb0: {  	[dreg:$0x4] =	wrdreg $0x9  }
0xb1: {  	_ =	task.clear_ibuf [dreg:s7], $0x5FFFF;
	_ =	strace $0x90000046  }
0xb2: {  	s29 =	simm.s32 $0x9;
	_ =	strace $0x80000048  }
0xb3: {  	_ =	swait.ge [sflag:s29], $0x1  }
0xb4: {  	[sflag:s29] =	ssyncadd.s32 $0xFFFFFFFF  }
0xb5: {  	_ =	strace $0x90000048  }
0xb6: {  	_ =	sfence  }
0xb7: {  	s30 =	sld [smem:$0x0];
	_ =	sdelay $0x2  }
0xb8: {  	s31 =	sshll.u32 s1, $0xD;
	s1 =	sshrl.u32 s1, $0x2  }
0xb9: {  	s3 =	sand.u32 $0x4000, s31;
	s1 =	sadd.s32 s1, s30  }
0xba: {  	s0 =	sor.u32 s3, s0;
	s1 =	sshll.u32 s1, $0x11  }
0xbb: {  	s0 =	sor.u32 s1, s0  }
0xbc: {  	s0 =	sadd.s32 $0x8F2B, s0  }
0xbd: {  	[sflag:s0] =	ssyncadd.remote.s32 $0x1  }
0xbe: {  	_ =	sfence.sel $0xFFFF  }
0xbf: {  	[dreg:$0x0] =	wrdreg $0xFFFFFFFF;
	(pc) =	sbr.abs _section_cstart, $3  }
0xc0: {  	[dreg:$0x1] =	wrdreg $0xFFFFFFFF  }
0xc1: {  	_ =	task.clear_ibuf [dreg:s7], $0x2FFFF;
	_ =	strace $0x9FFFFFFF  }
0xc2: {  	(tm) =	ssettm $0x7FFFFFFF  }
0xc3: {  	_ =	shalt  }
tec
execute0_lowered:
.L_overlay_start_1:
0x0: {  	(tag) =	ssettag $0x1  }
0x1: {  	s0 =	srdreg.scid;
	s1 =	rddreg [dreg:$0x0]  }
0x2: {  	s3 =	stileid.u32;
	s2 =	rddreg [dreg:$0x1];
	s8 =	simm.s32 $0x20  }
0x3: {  	s10 =	simm.s32 $0x3;
	s9 =	simm.s32 $0x14D00;
	s11 =	simm.s32 $0x15500  }
0x4: {  	s12 =	simm.s32 $0x15D00;
	s13 =	simm.s32 $0x16500;
	s14 =	simm.s32 $0x16D00  }
0x5: {  	s15 =	simm.s32 $0x17500;
	s16 =	simm.s32 $0x17D00;
	s17 =	simm.s32 $0x18500  }
0x6: {  	s18 =	simm.s32 $0x18D00;
	s19 =	simm.s32 $0x19500;
	s20 =	simm.s32 $0x19D00  }
0x7: {  	s21 =	simm.s32 $0x1A500;
	s22 =	simm.s32 $0x1AD00;
	s23 =	simm.s32 $0x1B500  }
0x8: {  	s24 =	simm.s32 $0x1;
	s25 =	simm.s32 $0x1BD00;
	s26 =	simm.s32 $0x2  }
0x9: {  	s0 =	sand.u32 $0x1, s0;
	s4 =	sshll.u32 s3, $0x6;
	s3 =	simm.s32 $0x0  }
0xa: {  	s5 =	sshll.u32 s0, $0x5;
	[smem:$0x7FF] =	sst s3;
	s0 =	ssub.s32 $0x2, s0  }
0xb: {  	s5 =	sor.u32 s5, s4;
	_ =	strace $0x80000047;
	s7 =	sshrl.u32 s0, $0x1  }
0xc: {  	s4 =	sshrl.u32 s5, $0x3;
	s0 =	ssub.s32 s0, s7;
	s7 =	simm.s32 $0x0  }
0xd: {  	s6 =	sadd.s32 s4, s1;
	s4 =	sadd.s32 $0x1A6600, s1;
	s0 =	smax.u32 s0, $0x1  }
0xe: {  	s31 =	sadd.s32 $0x187200, s6;
	s6 =	sshll.u32 s5, $0x6;
	[dreg:$0x4] =	wrdreg s0  }
0xf: {  	s0 =	simm.s32 $0x14500;
	s5 =	simm.s32 $0x1C500;
	[dreg:$0x3] =	wrdreg s31  }
.LBB2_1:
0x10: {  	[dreg:$0x5] =	wrdreg s7  }
0x11: {  	s1 =	rddreg [dreg:$0x3];
	s28 =	simm.s32 $0x400  }
0x12: {  	[tilespmem:s3], [sflag:$0x3] =	stream.strided.gather [hbm4b:s1+s8], $0x7D00, s28, s8, $0x38;
	[tilespmem:$0x1CD00] =	vst v63  }
0x13: {  	_ =	swait.ge [sflag:s10], $0x7D00  }
0x14: {  	[sflag:s10] =	ssyncset.done $0x0  }
0x15: {  	s29 =	simm.s32 $0x7D00;
	[sflag:s10] =	ssyncadd.s32 $0xFFFF8300  }
0x16: {  	[tilespmem:s29], [sflag:$0x1] =	stream.indirect.gather [hbm4b:s4+s8], $0x40, s3, s8, $0xb8;
	[tilespmem:$0x1CD00] =	vst v63  }
0x17: {  	s30 =	simm.s32 $0x640;
	s31 =	simm.s32 $0x8500  }
0x18: {  	[tilespmem:s31], [sflag:$0x1] =	stream.indirect.gather [hbm4b:s4+s8], $0x40, s30, s8, $0xb8;
	[tilespmem:$0x1CD00] =	vst v63  }
0x19: {  	s28 =	simm.s32 $0xC80;
	s29 =	simm.s32 $0x8D00  }
0x1a: {  	[tilespmem:s29], [sflag:$0x1] =	stream.indirect.gather [hbm4b:s4+s8], $0x40, s28, s8, $0xb8;
	[tilespmem:$0x1CD00] =	vst v63  }
0x1b: {  	s30 =	simm.s32 $0x12C0;
	s31 =	simm.s32 $0x9500  }
0x1c: {  	[tilespmem:s31], [sflag:$0x1] =	stream.indirect.gather [hbm4b:s4+s8], $0x40, s30, s8, $0xb8;
	[tilespmem:$0x1CD00] =	vst v63  }
0x1d: {  	s28 =	simm.s32 $0x1900;
	s29 =	simm.s32 $0x9D00  }
0x1e: {  	[tilespmem:s29], [sflag:$0x1] =	stream.indirect.gather [hbm4b:s4+s8], $0x40, s28, s8, $0xb8;
	[tilespmem:$0x1CD00] =	vst v63  }
0x1f: {  	s30 =	simm.s32 $0x1F40;
	s31 =	simm.s32 $0xA500  }
0x20: {  	[tilespmem:s31], [sflag:$0x1] =	stream.indirect.gather [hbm4b:s4+s8], $0x40, s30, s8, $0xb8;
	[tilespmem:$0x1CD00] =	vst v63  }
0x21: {  	s28 =	simm.s32 $0x2580;
	s29 =	simm.s32 $0xAD00  }
0x22: {  	[tilespmem:s29], [sflag:$0x1] =	stream.indirect.gather [hbm4b:s4+s8], $0x40, s28, s8, $0xb8;
	[tilespmem:$0x1CD00] =	vst v63  }
0x23: {  	s30 =	simm.s32 $0x2BC0;
	s31 =	simm.s32 $0xB500  }
0x24: {  	[tilespmem:s31], [sflag:$0x1] =	stream.indirect.gather [hbm4b:s4+s8], $0x40, s30, s8, $0xb8;
	[tilespmem:$0x1CD00] =	vst v63  }
0x25: {  	s28 =	simm.s32 $0x3200;
	s29 =	simm.s32 $0xBD00  }
0x26: {  	[tilespmem:s29], [sflag:$0x1] =	stream.indirect.gather [hbm4b:s4+s8], $0x40, s28, s8, $0xb8;
	[tilespmem:$0x1CD00] =	vst v63  }
0x27: {  	s30 =	simm.s32 $0x3840;
	s31 =	simm.s32 $0xC500  }
0x28: {  	[tilespmem:s31], [sflag:$0x1] =	stream.indirect.gather [hbm4b:s4+s8], $0x40, s30, s8, $0xb8;
	[tilespmem:$0x1CD00] =	vst v63  }
0x29: {  	s28 =	simm.s32 $0x3E80;
	s29 =	simm.s32 $0xCD00  }
0x2a: {  	[tilespmem:s29], [sflag:$0x1] =	stream.indirect.gather [hbm4b:s4+s8], $0x40, s28, s8, $0xb8;
	[tilespmem:$0x1CD00] =	vst v63  }
0x2b: {  	s30 =	simm.s32 $0x44C0;
	s31 =	simm.s32 $0xD500  }
0x2c: {  	[tilespmem:s31], [sflag:$0x1] =	stream.indirect.gather [hbm4b:s4+s8], $0x40, s30, s8, $0xb8;
	[tilespmem:$0x1CD00] =	vst v63  }
0x2d: {  	s28 =	simm.s32 $0x4B00;
	s29 =	simm.s32 $0xDD00  }
0x2e: {  	[tilespmem:s29], [sflag:$0x1] =	stream.indirect.gather [hbm4b:s4+s8], $0x40, s28, s8, $0xb8;
	[tilespmem:$0x1CD00] =	vst v63  }
0x2f: {  	s30 =	simm.s32 $0x5140;
	s31 =	simm.s32 $0xE500  }
0x30: {  	[tilespmem:s31], [sflag:$0x1] =	stream.indirect.gather [hbm4b:s4+s8], $0x40, s30, s8, $0xb8;
	[tilespmem:$0x1CD00] =	vst v63  }
0x31: {  	s28 =	simm.s32 $0x5780;
	s29 =	simm.s32 $0xED00  }
0x32: {  	[tilespmem:s29], [sflag:$0x1] =	stream.indirect.gather [hbm4b:s4+s8], $0x40, s28, s8, $0xb8;
	[tilespmem:$0x1CD00] =	vst v63  }
0x33: {  	s30 =	simm.s32 $0x5DC0;
	s31 =	simm.s32 $0xF500  }
0x34: {  	[tilespmem:s31], [sflag:$0x1] =	stream.indirect.gather [hbm4b:s4+s8], $0x40, s30, s8, $0xb8;
	[tilespmem:$0x1CD00] =	vst v63  }
0x35: {  	s28 =	simm.s32 $0x6400;
	s29 =	simm.s32 $0xFD00  }
0x36: {  	[tilespmem:s29], [sflag:$0x1] =	stream.indirect.gather [hbm4b:s4+s8], $0x40, s28, s8, $0xb8;
	[tilespmem:$0x1CD00] =	vst v63  }
0x37: {  	s30 =	simm.s32 $0x6A40;
	s31 =	simm.s32 $0x10500  }
0x38: {  	[tilespmem:s31], [sflag:$0x1] =	stream.indirect.gather [hbm4b:s4+s8], $0x40, s30, s8, $0xb8;
	[tilespmem:$0x1CD00] =	vst v63  }
0x39: {  	s28 =	simm.s32 $0x7080;
	s29 =	simm.s32 $0x10D00  }
0x3a: {  	[tilespmem:s29], [sflag:$0x1] =	stream.indirect.gather [hbm4b:s4+s8], $0x40, s28, s8, $0xb8;
	[tilespmem:$0x1CD00] =	vst v63  }
0x3b: {  	s7 =	simm.s32 $0x0;
	s30 =	simm.s32 $0x76C0;
	s31 =	simm.s32 $0x11500  }
0x3c: {  	[tilespmem:s31], [sflag:$0x1] =	stream.indirect.gather [hbm4b:s4+s8], $0x40, s30, s8, $0xb8;
	[tilespmem:$0x1CD00] =	vst v63  }
.LBB2_2:
0x3d: {  	s28 =	sshllo.u32 s7, $0x1  }
0x3e: {  	s1 =	sshll.u32 s28, $0x5  }
0x3f: {  	s29 =	simm.s32 $0x11D00;
	s1 =	sand.u32 $0x3FFFFFE0, s1  }
0x40: {  	[tilespmem:s29], [sflag:$0x2] =	stream.indirect.gather [hbm4b:s4+s8], $0x40, s1, s8, $0xb8;
	[tilespmem:$0x1CD00] =	vst v63  }
0x41: {  	s1 =	sshll.u32 s7, $0x6  }
0x42: {  	s29 =	sand.u32 $0x3FFFFFC0, s1  }
0x43: {  	s30 =	simm.s32 $0x12500;
	s1 =	sadd.s32 $0x660, s29  }
0x44: {  	[tilespmem:s30], [sflag:$0x2] =	stream.indirect.gather [hbm4b:s4+s8], $0x40, s1, s8, $0xb8;
	[tilespmem:$0x1CD00] =	vst v63  }
0x45: {  	s1 =	sadd.s32 $0xCA0, s29;
	s30 =	simm.s32 $0x12D00  }
0x46: {  	[tilespmem:s30], [sflag:$0x2] =	stream.indirect.gather [hbm4b:s4+s8], $0x40, s1, s8, $0xb8;
	[tilespmem:$0x1CD00] =	vst v63  }
0x47: {  	s1 =	sadd.s32 $0x12E0, s29;
	s30 =	simm.s32 $0x13500  }
0x48: {  	[tilespmem:s30], [sflag:$0x2] =	stream.indirect.gather [hbm4b:s4+s8], $0x40, s1, s8, $0xb8;
	[tilespmem:$0x1CD00] =	vst v63  }
0x49: {  	s1 =	sadd.s32 $0x1920, s29;
	s30 =	simm.s32 $0x13D00  }
0x4a: {  	[tilespmem:s30], [sflag:$0x2] =	stream.indirect.gather [hbm4b:s4+s8], $0x40, s1, s8, $0xb8;
	[tilespmem:$0x1CD00] =	vst v63  }
0x4b: {  	s1 =	sadd.s32 $0x1F60, s29  }
0x4c: {  	[tilespmem:s0], [sflag:$0x2] =	stream.indirect.gather [hbm4b:s4+s8], $0x40, s1, s8, $0xb8;
	[tilespmem:$0x1CD00] =	vst v63  }
0x4d: {  	s1 =	sadd.s32 $0x25A0, s29  }
0x4e: {  	[tilespmem:s9], [sflag:$0x2] =	stream.indirect.gather [hbm4b:s4+s8], $0x40, s1, s8, $0xb8;
	[tilespmem:$0x1CD00] =	vst v63  }
0x4f: {  	s1 =	sadd.s32 $0x2BE0, s29  }
0x50: {  	[tilespmem:s11], [sflag:$0x2] =	stream.indirect.gather [hbm4b:s4+s8], $0x40, s1, s8, $0xb8;
	[tilespmem:$0x1CD00] =	vst v63  }
0x51: {  	s1 =	sadd.s32 $0x3220, s29  }
0x52: {  	[tilespmem:s12], [sflag:$0x2] =	stream.indirect.gather [hbm4b:s4+s8], $0x40, s1, s8, $0xb8;
	[tilespmem:$0x1CD00] =	vst v63  }
0x53: {  	s1 =	sadd.s32 $0x3860, s29  }
0x54: {  	[tilespmem:s13], [sflag:$0x2] =	stream.indirect.gather [hbm4b:s4+s8], $0x40, s1, s8, $0xb8;
	[tilespmem:$0x1CD00] =	vst v63  }
0x55: {  	s1 =	sadd.s32 $0x3EA0, s29  }
0x56: {  	[tilespmem:s14], [sflag:$0x2] =	stream.indirect.gather [hbm4b:s4+s8], $0x40, s1, s8, $0xb8;
	[tilespmem:$0x1CD00] =	vst v63  }
0x57: {  	s1 =	sadd.s32 $0x44E0, s29  }
0x58: {  	[tilespmem:s15], [sflag:$0x2] =	stream.indirect.gather [hbm4b:s4+s8], $0x40, s1, s8, $0xb8;
	[tilespmem:$0x1CD00] =	vst v63  }
0x59: {  	s1 =	sadd.s32 $0x4B20, s29  }
0x5a: {  	[tilespmem:s16], [sflag:$0x2] =	stream.indirect.gather [hbm4b:s4+s8], $0x40, s1, s8, $0xb8;
	[tilespmem:$0x1CD00] =	vst v63  }
0x5b: {  	s1 =	sadd.s32 $0x5160, s29  }
0x5c: {  	[tilespmem:s17], [sflag:$0x2] =	stream.indirect.gather [hbm4b:s4+s8], $0x40, s1, s8, $0xb8;
	[tilespmem:$0x1CD00] =	vst v63  }
0x5d: {  	s1 =	sadd.s32 $0x57A0, s29  }
0x5e: {  	[tilespmem:s18], [sflag:$0x2] =	stream.indirect.gather [hbm4b:s4+s8], $0x40, s1, s8, $0xb8;
	[tilespmem:$0x1CD00] =	vst v63  }
0x5f: {  	s1 =	sadd.s32 $0x5DE0, s29  }
0x60: {  	[tilespmem:s19], [sflag:$0x2] =	stream.indirect.gather [hbm4b:s4+s8], $0x40, s1, s8, $0xb8;
	[tilespmem:$0x1CD00] =	vst v63  }
0x61: {  	s1 =	sadd.s32 $0x6420, s29  }
0x62: {  	[tilespmem:s20], [sflag:$0x2] =	stream.indirect.gather [hbm4b:s4+s8], $0x40, s1, s8, $0xb8;
	[tilespmem:$0x1CD00] =	vst v63  }
0x63: {  	s1 =	sadd.s32 $0x6A60, s29  }
0x64: {  	[tilespmem:s21], [sflag:$0x2] =	stream.indirect.gather [hbm4b:s4+s8], $0x40, s1, s8, $0xb8;
	[tilespmem:$0x1CD00] =	vst v63  }
0x65: {  	s1 =	sadd.s32 $0x70A0, s29  }
0x66: {  	[tilespmem:s22], [sflag:$0x2] =	stream.indirect.gather [hbm4b:s4+s8], $0x40, s1, s8, $0xb8;
	[tilespmem:$0x1CD00] =	vst v63  }
0x67: {  	s1 =	sadd.s32 $0x76E0, s29  }
0x68: {  	[tilespmem:s23], [sflag:$0x2] =	stream.indirect.gather [hbm4b:s4+s8], $0x40, s1, s8, $0xb8;
	[tilespmem:$0x1CD00] =	vst v63  }
0x69: {  	_ =	swait.ge [sflag:s24], $0xA000  }
0x6a: {  	[sflag:s24] =	ssyncset.done $0x0  }
0x6b: {  	s30 =	simm.s32 $0x0;
	[sflag:s24] =	ssyncadd.s32 $0xFFFF6000  }
0x6c: {  	v0 =	vld [tilespmem:s30+$0x7D30]  }
0x6d: {  	v1 =	vld [tilespmem:s30+$0x8530]  }
0x6e: {  	v2 =	vld [tilespmem:s30+$0x7D00]  }
0x6f: {  	v3 =	vld [tilespmem:s30+$0x8D30]  }
0x70: {  	v4 =	vld [tilespmem:s30+$0x8500]  }
0x71: {  	v5 =	vld [tilespmem:s30+$0x9530]  }
0x72: {  	v6 =	vld [tilespmem:s30+$0x7D10]  }
0x73: {  	v7 =	vld [tilespmem:s30+$0x8510]  }
0x74: {  	v8 =	vld [tilespmem:s30+$0x7D20]  }
0x75: {  	v9 =	vld [tilespmem:s30+$0x8520]  }
0x76: {  	v10 =	vld [tilespmem:s30+$0x8D00]  }
0x77: {  	v11 =	vld [tilespmem:s30+$0x8D10]  }
0x78: {  	v12 =	vld [tilespmem:s30+$0x8D20]  }
0x79: {  	v13 =	vld [tilespmem:s30+$0x9500]  }
0x7a: {  	v14 =	vld [tilespmem:s30+$0x9510]  }
0x7b: {  	v15 =	vld [tilespmem:s30+$0x9520]  }
0x7c: {  	v16 =	vld [tilespmem:s30+$0x9D00]  }
0x7d: {  	v17 =	vld [tilespmem:s30+$0x9D10];
	v0 =	vadd.f32 v1, v0  }
0x7e: {  	v1 =	vld [tilespmem:s30+$0x9D30]  }
0x7f: {  	v18 =	vld [tilespmem:s30+$0x9D20];
	v0 =	vadd.f32 v3, v0  }
0x80: {  	v3 =	vld [tilespmem:s30+$0xA530]  }
0x81: {  	v19 =	vld [tilespmem:s30+$0xA500];
	v0 =	vadd.f32 v5, v0  }
0x82: {  	v5 =	vld [tilespmem:s30+$0xAD30]  }
0x83: {  	v20 =	vld [tilespmem:s30+$0xA510];
	v0 =	vadd.f32 v1, v0  }
0x84: {  	v1 =	vld [tilespmem:s30+$0xB530]  }
0x85: {  	v21 =	vld [tilespmem:s30+$0xA520];
	v0 =	vadd.f32 v3, v0  }
0x86: {  	v3 =	vld [tilespmem:s30+$0xBD30]  }
0x87: {  	v22 =	vld [tilespmem:s30+$0xAD00];
	v0 =	vadd.f32 v5, v0  }
0x88: {  	v5 =	vld [tilespmem:s30+$0xC530]  }
0x89: {  	v23 =	vld [tilespmem:s30+$0xAD20];
	v0 =	vadd.f32 v1, v0  }
0x8a: {  	v1 =	vld [tilespmem:s30+$0xCD30]  }
0x8b: {  	v24 =	vld [tilespmem:s30+$0xB510];
	v0 =	vadd.f32 v3, v0  }
0x8c: {  	v3 =	vld [tilespmem:s30+$0xD530]  }
0x8d: {  	v25 =	vld [tilespmem:s30+$0xBD00];
	v0 =	vadd.f32 v5, v0  }
0x8e: {  	v5 =	vld [tilespmem:s30+$0xDD30]  }
0x8f: {  	v48 =	vld [tilespmem:s30+$0xC510];
	v0 =	vadd.f32 v1, v0  }
0x90: {  	v1 =	vld [tilespmem:s30+$0xE530]  }
0x91: {  	v49 =	vld [tilespmem:s30+$0xC520];
	v0 =	vadd.f32 v3, v0  }
0x92: {  	v3 =	vld [tilespmem:s30+$0xED30]  }
0x93: {  	v50 =	vld [tilespmem:s30+$0xCD00];
	v0 =	vadd.f32 v5, v0  }
0x94: {  	v5 =	vld [tilespmem:s30+$0xF530]  }
0x95: {  	v51 =	vld [tilespmem:s30+$0xCD10];
	v0 =	vadd.f32 v1, v0  }
0x96: {  	v1 =	vld [tilespmem:s30+$0xFD30]  }
0x97: {  	v52 =	vld [tilespmem:s30+$0xCD20];
	v0 =	vadd.f32 v3, v0  }
0x98: {  	v3 =	vld [tilespmem:s30+$0x10530]  }
0x99: {  	v53 =	vld [tilespmem:s30+$0xD500];
	v0 =	vadd.f32 v5, v0  }
0x9a: {  	v2 =	vadd.f32 v4, v2;
	v4 =	vadd.f32 v7, v6;
	v5 =	vld [tilespmem:s30+$0x10D30]  }
0x9b: {  	v54 =	vld [tilespmem:s30+$0xD510];
	v7 =	vadd.f32 v9, v8;
	v0 =	vadd.f32 v1, v0  }
0x9c: {  	v2 =	vadd.f32 v10, v2;
	v4 =	vadd.f32 v11, v4;
	v1 =	vld [tilespmem:s30+$0x11530]  }
0x9d: {  	v55 =	vld [tilespmem:s30+$0xD520];
	v7 =	vadd.f32 v12, v7;
	v0 =	vadd.f32 v3, v0  }
0x9e: {  	v56 =	vld [tilespmem:s30+$0xDD10];
	v2 =	vadd.f32 v13, v2;
	v4 =	vadd.f32 v14, v4  }
0x9f: {  	v7 =	vadd.f32 v15, v7;
	v3 =	vld [tilespmem:s30+$0xAD10];
	v0 =	vadd.f32 v5, v0  }
0xa0: {  	v57 =	vld [tilespmem:s30+$0xED10];
	v2 =	vadd.f32 v16, v2;
	v4 =	vadd.f32 v17, v4  }
0xa1: {  	v7 =	vadd.f32 v18, v7;
	v5 =	vld [tilespmem:s30+$0xB500];
	v0 =	vadd.f32 v1, v0  }
0xa2: {  	v2 =	vadd.f32 v19, v2;
	v4 =	vadd.f32 v20, v4;
	v1 =	vld [tilespmem:s30+$0xB520]  }
0xa3: {  	v7 =	vadd.f32 v21, v7;
	[tilespmem:s30+$0x1BD30] =	vst v0;
	v0 =	vld [tilespmem:s30+$0xBD10]  }
0xa4: {  	v6 =	vld [tilespmem:s30+$0xBD20];
	v2 =	vadd.f32 v22, v2;
	v3 =	vadd.f32 v3, v4  }
0xa5: {  	v8 =	vld [tilespmem:s30+$0xC500];
	v7 =	vadd.f32 v23, v7  }
0xa6: {  	v58 =	vld [tilespmem:s30+$0xED20];
	v2 =	vadd.f32 v5, v2;
	v3 =	vadd.f32 v24, v3  }
0xa7: {  	v59 =	vld [tilespmem:s30+$0xF500];
	v1 =	vadd.f32 v1, v7  }
0xa8: {  	v60 =	vld [tilespmem:s30+$0xF510];
	v2 =	vadd.f32 v25, v2;
	v0 =	vadd.f32 v0, v3  }
0xa9: {  	v61 =	vld [tilespmem:s30+$0xF520];
	v1 =	vadd.f32 v6, v1  }
0xaa: {  	v4 =	vld [tilespmem:s30+$0xDD00];
	v2 =	vadd.f32 v8, v2;
	v0 =	vadd.f32 v48, v0  }
0xab: {  	v5 =	vld [tilespmem:s30+$0xDD20];
	v1 =	vadd.f32 v49, v1  }
0xac: {  	v7 =	vld [tilespmem:s30+$0xE500];
	v2 =	vadd.f32 v50, v2;
	v0 =	vadd.f32 v51, v0  }
0xad: {  	v3 =	vld [tilespmem:s30+$0xE510];
	v1 =	vadd.f32 v52, v1  }
0xae: {  	v6 =	vld [tilespmem:s30+$0xE520];
	v2 =	vadd.f32 v53, v2;
	v0 =	vadd.f32 v54, v0  }
0xaf: {  	v8 =	vld [tilespmem:s30+$0xED00];
	v1 =	vadd.f32 v55, v1  }
0xb0: {  	v62 =	vld [tilespmem:s30+$0x10D00];
	v2 =	vadd.f32 v4, v2;
	v0 =	vadd.f32 v56, v0  }
0xb1: {  	v4 =	vld [tilespmem:s30+$0xFD00];
	v1 =	vadd.f32 v5, v1  }
0xb2: {  	v5 =	vld [tilespmem:s30+$0xFD10];
	v2 =	vadd.f32 v7, v2;
	v0 =	vadd.f32 v3, v0  }
0xb3: {  	v7 =	vld [tilespmem:s30+$0x10510];
	v1 =	vadd.f32 v6, v1  }
0xb4: {  	v3 =	vld [tilespmem:s30+$0xFD20];
	v2 =	vadd.f32 v8, v2;
	v0 =	vadd.f32 v57, v0  }
0xb5: {  	v6 =	vld [tilespmem:s30+$0x10500];
	v1 =	vadd.f32 v58, v1  }
0xb6: {  	v8 =	vld [tilespmem:s30+$0x10520];
	v2 =	vadd.f32 v59, v2;
	v0 =	vadd.f32 v60, v0  }
0xb7: {  	v63 =	vld [tilespmem:s30+$0x10D10];
	v10 =	vadd.f32 v61, v1  }
0xb8: {  	v2 =	vadd.f32 v4, v2;
	v1 =	vld [tilespmem:s30+$0x10D20];
	v0 =	vadd.f32 v5, v0  }
0xb9: {  	v4 =	vadd.f32 v3, v10;
	v3 =	vld [tilespmem:s30+$0x11500]  }
0xba: {  	v6 =	vadd.f32 v6, v2;
	v2 =	vld [tilespmem:s30+$0x11510];
	v7 =	vadd.f32 v7, v0  }
0xbb: {  	s1 =	simm.s32 $0x40;
	v5 =	vadd.f32 v8, v4;
	v4 =	vld [tilespmem:s30+$0x11520]  }
0xbc: {  	s31 =	simm.s32 $0x200;
	v6 =	vadd.f32 v62, v6;
	v0 =	vld [tilespmem:s1+$0x7D30];
	v7 =	vadd.f32 v63, v7  }
.LBB2_3:
0xbd: {  	p0 =	sne.s32 s31, $0x1F00;
	v8 =	vld [tilespmem:s1+$0x8530];
	v1 =	vadd.f32 v1, v5  }
0xbe: {  	v5 =	vld [tilespmem:s1+$0x7D00];
	v3 =	vadd.f32 v3, v6  }
0xbf: {  	v6 =	vld [tilespmem:s1+$0x8D30];
	v2 =	vadd.f32 v2, v7  }
0xc0: {  	v7 =	vld [tilespmem:s1+$0x8500];
	[tilespmem:s30+$0x1BD00] =	vst v3;
	v1 =	vadd.f32 v4, v1  }
0xc1: {  	v3 =	vld [tilespmem:s1+$0x9530];
	[tilespmem:s30+$0x1BD10] =	vst v2  }
0xc2: {  	v2 =	vld [tilespmem:s1+$0x7D10];
	v0 =	vadd.f32 v8, v0;
	[tilespmem:s30+$0x1BD20] =	vst v1;
	s30 =	smov.u32 s1  }
0xc3: {  	v1 =	vld [tilespmem:s30+$0x9D30]  }
0xc4: {  	v4 =	vld [tilespmem:s30+$0x8510];
	v0 =	vadd.f32 v6, v0  }
0xc5: {  	v5 =	vadd.f32 v7, v5;
	v6 =	vld [tilespmem:s30+$0xA530]  }
0xc6: {  	v7 =	vld [tilespmem:s30+$0x7D20];
	v0 =	vadd.f32 v3, v0  }
0xc7: {  	v3 =	vld [tilespmem:s30+$0xAD30]  }
0xc8: {  	v8 =	vld [tilespmem:s30+$0x8520];
	v0 =	vadd.f32 v1, v0  }
0xc9: {  	v1 =	vadd.f32 v4, v2;
	v2 =	vld [tilespmem:s30+$0xB530]  }
0xca: {  	v4 =	vld [tilespmem:s30+$0x8D00];
	v0 =	vadd.f32 v6, v0  }
0xcb: {  	v6 =	vld [tilespmem:s30+$0xBD30]  }
0xcc: {  	v9 =	vld [tilespmem:s30+$0x8D10];
	v0 =	vadd.f32 v3, v0  }
0xcd: {  	v3 =	vadd.f32 v8, v7;
	v7 =	vld [tilespmem:s30+$0xC530]  }
0xce: {  	v8 =	vld [tilespmem:s30+$0x8D20];
	v0 =	vadd.f32 v2, v0  }
0xcf: {  	v2 =	vadd.f32 v4, v5;
	v4 =	vld [tilespmem:s30+$0xCD30]  }
0xd0: {  	v5 =	vld [tilespmem:s30+$0x9500];
	v0 =	vadd.f32 v6, v0  }
0xd1: {  	v1 =	vadd.f32 v9, v1;
	v6 =	vld [tilespmem:s30+$0xD530]  }
0xd2: {  	v9 =	vld [tilespmem:s30+$0x9510];
	v0 =	vadd.f32 v7, v0  }
0xd3: {  	v3 =	vadd.f32 v8, v3;
	v7 =	vld [tilespmem:s30+$0xDD30]  }
0xd4: {  	v8 =	vld [tilespmem:s30+$0x9520];
	v0 =	vadd.f32 v4, v0  }
0xd5: {  	v2 =	vadd.f32 v5, v2;
	v4 =	vld [tilespmem:s30+$0xE530]  }
0xd6: {  	v5 =	vld [tilespmem:s30+$0x9D00];
	v0 =	vadd.f32 v6, v0  }
0xd7: {  	v1 =	vadd.f32 v9, v1;
	v6 =	vld [tilespmem:s30+$0xED30]  }
0xd8: {  	v9 =	vld [tilespmem:s30+$0x9D10];
	v0 =	vadd.f32 v7, v0  }
0xd9: {  	v3 =	vadd.f32 v8, v3;
	v7 =	vld [tilespmem:s30+$0xF530]  }
0xda: {  	v8 =	vld [tilespmem:s30+$0x9D20];
	v0 =	vadd.f32 v4, v0  }
0xdb: {  	v2 =	vadd.f32 v5, v2;
	v4 =	vld [tilespmem:s30+$0xFD30]  }
0xdc: {  	v5 =	vld [tilespmem:s30+$0xA500];
	v0 =	vadd.f32 v6, v0  }
0xdd: {  	v1 =	vadd.f32 v9, v1;
	v6 =	vld [tilespmem:s30+$0x10530]  }
0xde: {  	v9 =	vld [tilespmem:s30+$0xA510];
	v0 =	vadd.f32 v7, v0  }
0xdf: {  	v3 =	vadd.f32 v8, v3;
	v7 =	vld [tilespmem:s30+$0x10D30]  }
0xe0: {  	v8 =	vld [tilespmem:s30+$0xA520];
	v0 =	vadd.f32 v4, v0  }
0xe1: {  	v2 =	vadd.f32 v5, v2;
	v4 =	vld [tilespmem:s30+$0x11530]  }
0xe2: {  	v5 =	vld [tilespmem:s30+$0xAD00];
	v0 =	vadd.f32 v6, v0  }
0xe3: {  	v1 =	vadd.f32 v9, v1;
	v6 =	vld [tilespmem:s30+$0xAD10]  }
0xe4: {  	v9 =	vld [tilespmem:s30+$0xAD20];
	v0 =	vadd.f32 v7, v0  }
0xe5: {  	v7 =	vld [tilespmem:s30+$0xB500];
	v3 =	vadd.f32 v8, v3  }
0xe6: {  	v8 =	vld [tilespmem:s30+$0xB510];
	v0 =	vadd.f32 v4, v0  }
0xe7: {  	v2 =	vadd.f32 v5, v2;
	v4 =	vld [tilespmem:s30+$0xB520]  }
0xe8: {  	v5 =	vld [tilespmem:s30+$0xBD00];
	v1 =	vadd.f32 v6, v1;
	[tilespmem:s30+$0x1BD30] =	vst v0  }
0xe9: {  	v0 =	vld [tilespmem:s30+$0xBD10];
	v3 =	vadd.f32 v9, v3  }
0xea: {  	v2 =	vadd.f32 v7, v2;
	v6 =	vld [tilespmem:s30+$0xBD20]  }
0xeb: {  	v7 =	vld [tilespmem:s30+$0xC500];
	v1 =	vadd.f32 v8, v1  }
0xec: {  	v8 =	vld [tilespmem:s30+$0xC510];
	v3 =	vadd.f32 v4, v3  }
0xed: {  	v2 =	vadd.f32 v5, v2;
	v4 =	vld [tilespmem:s30+$0xC520]  }
0xee: {  	v5 =	vld [tilespmem:s30+$0xCD00];
	v0 =	vadd.f32 v0, v1  }
0xef: {  	v1 =	vld [tilespmem:s30+$0xCD10];
	v3 =	vadd.f32 v6, v3  }
0xf0: {  	v2 =	vadd.f32 v7, v2;
	v6 =	vld [tilespmem:s30+$0xCD20]  }
0xf1: {  	v7 =	vld [tilespmem:s30+$0xD500];
	v0 =	vadd.f32 v8, v0  }
0xf2: {  	v8 =	vld [tilespmem:s30+$0xD510];
	v3 =	vadd.f32 v4, v3  }
0xf3: {  	v2 =	vadd.f32 v5, v2;
	v4 =	vld [tilespmem:s30+$0xD520]  }
0xf4: {  	v5 =	vld [tilespmem:s30+$0xDD00];
	v0 =	vadd.f32 v1, v0  }
0xf5: {  	v1 =	vld [tilespmem:s30+$0xDD10];
	v3 =	vadd.f32 v6, v3  }
0xf6: {  	v2 =	vadd.f32 v7, v2;
	v6 =	vld [tilespmem:s30+$0xDD20]  }
0xf7: {  	v7 =	vld [tilespmem:s30+$0xE500];
	v0 =	vadd.f32 v8, v0  }
0xf8: {  	v8 =	vld [tilespmem:s30+$0xE510];
	v3 =	vadd.f32 v4, v3  }
0xf9: {  	v2 =	vadd.f32 v5, v2;
	v4 =	vld [tilespmem:s30+$0xE520]  }
0xfa: {  	v5 =	vld [tilespmem:s30+$0xED00];
	v0 =	vadd.f32 v1, v0  }
0xfb: {  	v1 =	vld [tilespmem:s30+$0xED10];
	v3 =	vadd.f32 v6, v3  }
0xfc: {  	v2 =	vadd.f32 v7, v2;
	v6 =	vld [tilespmem:s30+$0xED20]  }
0xfd: {  	v7 =	vld [tilespmem:s30+$0xF500];
	v0 =	vadd.f32 v8, v0  }
0xfe: {  	v8 =	vld [tilespmem:s30+$0xF510];
	v3 =	vadd.f32 v4, v3  }
0xff: {  	v2 =	vadd.f32 v5, v2;
	v4 =	vld [tilespmem:s30+$0xF520]  }
0x100: {  	v5 =	vld [tilespmem:s30+$0xFD00];
	v0 =	vadd.f32 v1, v0  }
0x101: {  	v1 =	vld [tilespmem:s30+$0xFD10];
	v3 =	vadd.f32 v6, v3  }
0x102: {  	v2 =	vadd.f32 v7, v2;
	v6 =	vld [tilespmem:s30+$0xFD20]  }
0x103: {  	v7 =	vld [tilespmem:s30+$0x10500];
	v0 =	vadd.f32 v8, v0  }
0x104: {  	v8 =	vld [tilespmem:s30+$0x10510];
	v3 =	vadd.f32 v4, v3  }
0x105: {  	v2 =	vadd.f32 v5, v2;
	v4 =	vld [tilespmem:s30+$0x10520]  }
0x106: {  	v9 =	vld [tilespmem:s30+$0x10D00];
	v0 =	vadd.f32 v1, v0  }
0x107: {  	v10 =	vld [tilespmem:s30+$0x10D10];
	v5 =	vadd.f32 v6, v3  }
.Ltmp0:
0x108: {  	v6 =	vadd.f32 v7, v2;
	v1 =	vld [tilespmem:s30+$0x10D20];
	(pc) =	sbr.rel @p0 .LBB2_3-.Ltmp0, $4  }
0x109: {  	v3 =	vld [tilespmem:s30+$0x11500];
	v7 =	vadd.f32 v8, v0  }
0x10a: {  	v2 =	vld [tilespmem:s30+$0x11510];
	v5 =	vadd.f32 v4, v5  }
0x10b: {  	s1 =	sshra.s32 s31, $0x2;
	v6 =	vadd.f32 v9, v6;
	v4 =	vld [tilespmem:s30+$0x11520]  }
0x10c: {  	s31 =	sadd.s32 $0x100, s31;
	v0 =	vld [tilespmem:s1+$0x7D30];
	v7 =	vadd.f32 v10, v7  }
0x10d: {  	v8 =	vld [tilespmem:s1+$0x8530]  }
0x10e: {  	v9 =	vld [tilespmem:s1+$0x7D00];
	v1 =	vadd.f32 v1, v5;
	v3 =	vadd.f32 v3, v6  }
0x10f: {  	v10 =	vld [tilespmem:s1+$0x8500];
	v2 =	vadd.f32 v2, v7  }
0x110: {  	v6 =	vld [tilespmem:s1+$0x8D30];
	[tilespmem:s30+$0x1BD00] =	vst v3;
	v1 =	vadd.f32 v4, v1  }
0x111: {  	v3 =	vld [tilespmem:s1+$0x9530];
	[tilespmem:s30+$0x1BD10] =	vst v2  }
0x112: {  	v2 =	vld [tilespmem:s1+$0x7D10];
	[tilespmem:s30+$0x1BD20] =	vst v1  }
0x113: {  	v1 =	vld [tilespmem:s1+$0x9D30]  }
0x114: {  	v4 =	vld [tilespmem:s1+$0x8510]  }
0x115: {  	v5 =	vld [tilespmem:s1+$0xA530]  }
0x116: {  	v7 =	vld [tilespmem:s1+$0x8520]  }
0x117: {  	v0 =	vadd.f32 v8, v0;
	v8 =	vld [tilespmem:s1+$0x8D00]  }
0x118: {  	v11 =	vld [tilespmem:s1+$0x8D10]  }
0x119: {  	v12 =	vld [tilespmem:s1+$0x8D20]  }
0x11a: {  	v13 =	vld [tilespmem:s1+$0x9500]  }
0x11b: {  	v14 =	vld [tilespmem:s1+$0x9510]  }
0x11c: {  	v15 =	vld [tilespmem:s1+$0x9520]  }
0x11d: {  	v16 =	vld [tilespmem:s1+$0x9D00]  }
0x11e: {  	v17 =	vld [tilespmem:s1+$0x9D10]  }
0x11f: {  	v18 =	vld [tilespmem:s1+$0x9D20]  }
0x120: {  	v19 =	vld [tilespmem:s1+$0xA500];
	v0 =	vadd.f32 v6, v0  }
0x121: {  	v20 =	vld [tilespmem:s1+$0xA510]  }
0x122: {  	v21 =	vld [tilespmem:s1+$0xA520];
	v0 =	vadd.f32 v3, v0  }
0x123: {  	v3 =	vld [tilespmem:s1+$0xAD30]  }
0x124: {  	v22 =	vld [tilespmem:s1+$0xAD00];
	v0 =	vadd.f32 v1, v0  }
0x125: {  	v1 =	vld [tilespmem:s1+$0xB530]  }
0x126: {  	v23 =	vld [tilespmem:s1+$0xAD20];
	v0 =	vadd.f32 v5, v0  }
0x127: {  	v5 =	vld [tilespmem:s1+$0xBD30]  }
0x128: {  	v24 =	vld [tilespmem:s1+$0xB510];
	v0 =	vadd.f32 v3, v0  }
0x129: {  	v3 =	vld [tilespmem:s1+$0xC530]  }
0x12a: {  	v25 =	vld [tilespmem:s1+$0xBD00];
	v0 =	vadd.f32 v1, v0  }
0x12b: {  	v1 =	vld [tilespmem:s1+$0xCD30]  }
0x12c: {  	v56 =	vld [tilespmem:s1+$0xBD20];
	v0 =	vadd.f32 v5, v0  }
0x12d: {  	v5 =	vld [tilespmem:s1+$0xD530]  }
0x12e: {  	v57 =	vld [tilespmem:s1+$0xC520];
	v0 =	vadd.f32 v3, v0  }
0x12f: {  	v3 =	vld [tilespmem:s1+$0xDD30]  }
0x130: {  	v58 =	vld [tilespmem:s1+$0xCD00];
	v0 =	vadd.f32 v1, v0  }
0x131: {  	v1 =	vld [tilespmem:s1+$0xE530]  }
0x132: {  	v59 =	vld [tilespmem:s1+$0xCD10];
	v0 =	vadd.f32 v5, v0  }
0x133: {  	v5 =	vld [tilespmem:s1+$0xED30]  }
0x134: {  	v60 =	vld [tilespmem:s1+$0xCD20];
	v0 =	vadd.f32 v3, v0  }
0x135: {  	v3 =	vld [tilespmem:s1+$0xF530]  }
0x136: {  	v6 =	vld [tilespmem:s1+$0x7D20];
	v0 =	vadd.f32 v1, v0  }
0x137: {  	v1 =	vld [tilespmem:s1+$0xFD30]  }
0x138: {  	v61 =	vld [tilespmem:s1+$0xD500];
	v0 =	vadd.f32 v5, v0  }
0x139: {  	v5 =	vld [tilespmem:s1+$0x10530]  }
0x13a: {  	v9 =	vadd.f32 v10, v9;
	v62 =	vld [tilespmem:s1+$0xD510];
	v0 =	vadd.f32 v3, v0  }
0x13b: {  	v2 =	vadd.f32 v4, v2;
	v6 =	vadd.f32 v7, v6;
	v3 =	vld [tilespmem:s1+$0x10D30]  }
0x13c: {  	v63 =	vld [tilespmem:s1+$0xD520];
	v7 =	vadd.f32 v8, v9;
	v0 =	vadd.f32 v1, v0  }
0x13d: {  	v2 =	vadd.f32 v11, v2;
	v6 =	vadd.f32 v12, v6;
	v1 =	vld [tilespmem:s1+$0x11530]  }
0x13e: {  	v26 =	vld [tilespmem:s1+$0xF510];
	v7 =	vadd.f32 v13, v7;
	v0 =	vadd.f32 v5, v0  }
0x13f: {  	v27 =	vld [tilespmem:s1+$0xF520];
	v2 =	vadd.f32 v14, v2;
	v6 =	vadd.f32 v15, v6  }
0x140: {  	v7 =	vadd.f32 v16, v7;
	v5 =	vld [tilespmem:s1+$0xAD10];
	v0 =	vadd.f32 v3, v0  }
0x141: {  	v2 =	vadd.f32 v17, v2;
	v6 =	vadd.f32 v18, v6;
	v3 =	vld [tilespmem:s1+$0xB500]  }
0x142: {  	v28 =	vld [tilespmem:s1+$0xFD00];
	v7 =	vadd.f32 v19, v7;
	v0 =	vadd.f32 v1, v0  }
0x143: {  	v2 =	vadd.f32 v20, v2;
	v1 =	vld [tilespmem:s1+$0xB520]  }
0x144: {  	v6 =	vadd.f32 v21, v6;
	v7 =	vadd.f32 v22, v7;
	[tilespmem:s1+$0x1BD30] =	vst v0;
	v0 =	vld [tilespmem:s1+$0xBD10]  }
0x145: {  	v4 =	vld [tilespmem:s1+$0xC500];
	v2 =	vadd.f32 v5, v2  }
0x146: {  	v8 =	vld [tilespmem:s1+$0xC510];
	v6 =	vadd.f32 v23, v6;
	v3 =	vadd.f32 v3, v7  }
0x147: {  	v29 =	vld [tilespmem:s1+$0x10D10];
	v2 =	vadd.f32 v24, v2  }
0x148: {  	v22 =	vld [tilespmem:s1+$0xDD00];
	v1 =	vadd.f32 v1, v6;
	v3 =	vadd.f32 v25, v3  }
0x149: {  	v23 =	vld [tilespmem:s1+$0xE500];
	v0 =	vadd.f32 v0, v2  }
0x14a: {  	v5 =	vld [tilespmem:s1+$0xDD10];
	v1 =	vadd.f32 v56, v1;
	v3 =	vadd.f32 v4, v3  }
0x14b: {  	v7 =	vld [tilespmem:s1+$0xDD20];
	v0 =	vadd.f32 v8, v0  }
0x14c: {  	v24 =	vld [tilespmem:s1+$0xED20];
	v1 =	vadd.f32 v57, v1;
	v3 =	vadd.f32 v58, v3  }
0x14d: {  	v6 =	vld [tilespmem:s1+$0xE510];
	v0 =	vadd.f32 v59, v0  }
0x14e: {  	v2 =	vld [tilespmem:s1+$0xE520];
	v1 =	vadd.f32 v60, v1;
	v3 =	vadd.f32 v61, v3  }
0x14f: {  	v4 =	vld [tilespmem:s1+$0xED00];
	v0 =	vadd.f32 v62, v0  }
0x150: {  	v8 =	vld [tilespmem:s1+$0xED10];
	v1 =	vadd.f32 v63, v1;
	v3 =	vadd.f32 v22, v3  }
0x151: {  	v25 =	vld [tilespmem:s1+$0xF500];
	v0 =	vadd.f32 v5, v0  }
0x152: {  	v5 =	vld [tilespmem:s1+$0xFD10];
	v1 =	vadd.f32 v7, v1;
	v3 =	vadd.f32 v23, v3  }
0x153: {  	v7 =	vld [tilespmem:s1+$0xFD20];
	v0 =	vadd.f32 v6, v0  }
0x154: {  	v6 =	vld [tilespmem:s1+$0x10500];
	v1 =	vadd.f32 v2, v1;
	v2 =	vadd.f32 v4, v3  }
0x155: {  	v3 =	vld [tilespmem:s1+$0x10510];
	v0 =	vadd.f32 v8, v0  }
0x156: {  	v4 =	vld [tilespmem:s1+$0x10520];
	v1 =	vadd.f32 v24, v1;
	v2 =	vadd.f32 v25, v2  }
0x157: {  	v8 =	vld [tilespmem:s1+$0x10D00];
	v0 =	vadd.f32 v26, v0  }
0x158: {  	v30 =	vld [tilespmem:s1+$0x10D20];
	v1 =	vadd.f32 v27, v1;
	v2 =	vadd.f32 v28, v2  }
0x159: {  	v0 =	vadd.f32 v5, v0;
	v5 =	vld [tilespmem:s1+$0x11500]  }
0x15a: {  	v1 =	vadd.f32 v7, v1;
	v2 =	vadd.f32 v6, v2;
	v6 =	vld [tilespmem:s1+$0x11510]  }
0x15b: {  	v0 =	vadd.f32 v3, v0;
	v3 =	vld [tilespmem:s1+$0x11520]  }
0x15c: {  	v1 =	vadd.f32 v4, v1;
	v2 =	vadd.f32 v8, v2  }
0x15d: {  	v0 =	vadd.f32 v29, v0  }
0x15e: {  	v1 =	vadd.f32 v30, v1;
	v2 =	vadd.f32 v5, v2  }
0x15f: {  	s30 =	sshll.u32 s7, $0x11;
	v0 =	vadd.f32 v6, v0  }
0x160: {  	s30 =	sor.u32 s6, s30;
	[tilespmem:s1+$0x1BD00] =	vst v2;
	v1 =	vadd.f32 v3, v1  }
0x161: {  	s30 =	sshrl.u32 s30, $0x3;
	[tilespmem:s1+$0x1BD10] =	vst v0  }
0x162: {  	s31 =	sadd.s32 s2, s30;
	[tilespmem:s1+$0x1BD20] =	vst v1  }
0x163: {  	[hbm4b:s31+s3] =	stream.linear.scatter [tilespmem:s25], [sflag:$0x3], $0x800, $0x38;
	[tilespmem:$0x1CD00] =	vst v63  }
0x164: {  	p0 =	seq.s32 s7, $0x18;
	_ =	swait.ge [sflag:s10], $0x800  }
0x165: {  	s30 =	simm.s32 @!p0 $0x20;
	[sflag:s10] =	ssyncset.done $0x0  }
0x166: {  	s1 =	sadd.s32 @!p0 $0x40, s29;
	s31 =	simm.s32 @!p0 $0x7D00;
	[sflag:s10] =	ssyncadd.s32 $0xFFFFF800  }
0x167: {  	[tilespmem:s31], [sflag:$0x1] =	stream.indirect.gather @!p0 [hbm4b:s4+s30], $0x40, s1, s30, $0xb8;
	[tilespmem:$0x1CD00] =	vst v63  }
0x168: {  	s1 =	sadd.s32 @!p0 $0x680, s29;
	s31 =	simm.s32 @!p0 $0x8500  }
0x169: {  	[tilespmem:s31], [sflag:$0x1] =	stream.indirect.gather @!p0 [hbm4b:s4+s30], $0x40, s1, s30, $0xb8;
	[tilespmem:$0x1CD00] =	vst v63  }
0x16a: {  	s1 =	sadd.s32 @!p0 $0xCC0, s29;
	s31 =	simm.s32 @!p0 $0x8D00  }
0x16b: {  	[tilespmem:s31], [sflag:$0x1] =	stream.indirect.gather @!p0 [hbm4b:s4+s30], $0x40, s1, s30, $0xb8;
	[tilespmem:$0x1CD00] =	vst v63  }
0x16c: {  	s1 =	sadd.s32 @!p0 $0x1300, s29;
	s31 =	simm.s32 @!p0 $0x9500  }
0x16d: {  	[tilespmem:s31], [sflag:$0x1] =	stream.indirect.gather @!p0 [hbm4b:s4+s30], $0x40, s1, s30, $0xb8;
	[tilespmem:$0x1CD00] =	vst v63  }
0x16e: {  	s1 =	sadd.s32 @!p0 $0x1940, s29;
	s31 =	simm.s32 @!p0 $0x9D00  }
0x16f: {  	[tilespmem:s31], [sflag:$0x1] =	stream.indirect.gather @!p0 [hbm4b:s4+s30], $0x40, s1, s30, $0xb8;
	[tilespmem:$0x1CD00] =	vst v63  }
0x170: {  	s1 =	sadd.s32 @!p0 $0x1F80, s29;
	s31 =	simm.s32 @!p0 $0xA500  }
0x171: {  	[tilespmem:s31], [sflag:$0x1] =	stream.indirect.gather @!p0 [hbm4b:s4+s30], $0x40, s1, s30, $0xb8;
	[tilespmem:$0x1CD00] =	vst v63  }
0x172: {  	s1 =	sadd.s32 @!p0 $0x25C0, s29;
	s31 =	simm.s32 @!p0 $0xAD00  }
0x173: {  	[tilespmem:s31], [sflag:$0x1] =	stream.indirect.gather @!p0 [hbm4b:s4+s30], $0x40, s1, s30, $0xb8;
	[tilespmem:$0x1CD00] =	vst v63  }
0x174: {  	s1 =	sadd.s32 @!p0 $0x2C00, s29;
	s31 =	simm.s32 @!p0 $0xB500  }
0x175: {  	[tilespmem:s31], [sflag:$0x1] =	stream.indirect.gather @!p0 [hbm4b:s4+s30], $0x40, s1, s30, $0xb8;
	[tilespmem:$0x1CD00] =	vst v63  }
0x176: {  	s1 =	sadd.s32 @!p0 $0x3240, s29;
	s31 =	simm.s32 @!p0 $0xBD00  }
0x177: {  	[tilespmem:s31], [sflag:$0x1] =	stream.indirect.gather @!p0 [hbm4b:s4+s30], $0x40, s1, s30, $0xb8;
	[tilespmem:$0x1CD00] =	vst v63  }
0x178: {  	s1 =	sadd.s32 @!p0 $0x3880, s29;
	s31 =	simm.s32 @!p0 $0xC500  }
0x179: {  	[tilespmem:s31], [sflag:$0x1] =	stream.indirect.gather @!p0 [hbm4b:s4+s30], $0x40, s1, s30, $0xb8;
	[tilespmem:$0x1CD00] =	vst v63  }
0x17a: {  	s1 =	sadd.s32 @!p0 $0x3EC0, s29;
	s31 =	simm.s32 @!p0 $0xCD00  }
0x17b: {  	[tilespmem:s31], [sflag:$0x1] =	stream.indirect.gather @!p0 [hbm4b:s4+s30], $0x40, s1, s30, $0xb8;
	[tilespmem:$0x1CD00] =	vst v63  }
0x17c: {  	s1 =	sadd.s32 @!p0 $0x4500, s29;
	s31 =	simm.s32 @!p0 $0xD500  }
0x17d: {  	[tilespmem:s31], [sflag:$0x1] =	stream.indirect.gather @!p0 [hbm4b:s4+s30], $0x40, s1, s30, $0xb8;
	[tilespmem:$0x1CD00] =	vst v63  }
0x17e: {  	s1 =	sadd.s32 @!p0 $0x4B40, s29;
	s31 =	simm.s32 @!p0 $0xDD00  }
0x17f: {  	[tilespmem:s31], [sflag:$0x1] =	stream.indirect.gather @!p0 [hbm4b:s4+s30], $0x40, s1, s30, $0xb8;
	[tilespmem:$0x1CD00] =	vst v63  }
0x180: {  	s1 =	sadd.s32 @!p0 $0x5180, s29;
	s31 =	simm.s32 @!p0 $0xE500  }
0x181: {  	[tilespmem:s31], [sflag:$0x1] =	stream.indirect.gather @!p0 [hbm4b:s4+s30], $0x40, s1, s30, $0xb8;
	[tilespmem:$0x1CD00] =	vst v63  }
0x182: {  	s1 =	sadd.s32 @!p0 $0x57C0, s29;
	s31 =	simm.s32 @!p0 $0xED00  }
0x183: {  	[tilespmem:s31], [sflag:$0x1] =	stream.indirect.gather @!p0 [hbm4b:s4+s30], $0x40, s1, s30, $0xb8;
	[tilespmem:$0x1CD00] =	vst v63  }
0x184: {  	s1 =	sadd.s32 @!p0 $0x5E00, s29;
	s31 =	simm.s32 @!p0 $0xF500  }
0x185: {  	[tilespmem:s31], [sflag:$0x1] =	stream.indirect.gather @!p0 [hbm4b:s4+s30], $0x40, s1, s30, $0xb8;
	[tilespmem:$0x1CD00] =	vst v63  }
0x186: {  	s1 =	sadd.s32 @!p0 $0x6440, s29;
	s31 =	simm.s32 @!p0 $0xFD00  }
0x187: {  	[tilespmem:s31], [sflag:$0x1] =	stream.indirect.gather @!p0 [hbm4b:s4+s30], $0x40, s1, s30, $0xb8;
	[tilespmem:$0x1CD00] =	vst v63  }
0x188: {  	s1 =	sadd.s32 @!p0 $0x6A80, s29;
	s31 =	simm.s32 @!p0 $0x10500  }
0x189: {  	[tilespmem:s31], [sflag:$0x1] =	stream.indirect.gather @!p0 [hbm4b:s4+s30], $0x40, s1, s30, $0xb8;
	[tilespmem:$0x1CD00] =	vst v63  }
0x18a: {  	s1 =	sadd.s32 @!p0 $0x70C0, s29;
	s31 =	simm.s32 @!p0 $0x10D00  }
0x18b: {  	[tilespmem:s31], [sflag:$0x1] =	stream.indirect.gather @!p0 [hbm4b:s4+s30], $0x40, s1, s30, $0xb8;
	[tilespmem:$0x1CD00] =	vst v63  }
0x18c: {  	s1 =	sadd.s32 @!p0 $0x7700, s29;
	s29 =	simm.s32 @!p0 $0x11500  }
0x18d: {  	[tilespmem:s29], [sflag:$0x1] =	stream.indirect.gather @!p0 [hbm4b:s4+s30], $0x40, s1, s30, $0xb8;
	[tilespmem:$0x1CD00] =	vst v63  }
0x18e: {  	_ =	swait.ge [sflag:s26], $0xA000  }
0x18f: {  	[sflag:s26] =	ssyncset.done $0x0  }
0x190: {  	s29 =	simm.s32 $0x0;
	[sflag:s26] =	ssyncadd.s32 $0xFFFF6000  }
0x191: {  	v0 =	vld [tilespmem:s29+$0x11D30]  }
0x192: {  	v1 =	vld [tilespmem:s29+$0x12530]  }
0x193: {  	v2 =	vld [tilespmem:s29+$0x11D00]  }
0x194: {  	v3 =	vld [tilespmem:s29+$0x12D30]  }
0x195: {  	v4 =	vld [tilespmem:s29+$0x12500]  }
0x196: {  	v5 =	vld [tilespmem:s29+$0x13530]  }
0x197: {  	v6 =	vld [tilespmem:s29+$0x11D10]  }
0x198: {  	v7 =	vld [tilespmem:s29+$0x12510]  }
0x199: {  	v8 =	vld [tilespmem:s29+$0x11D20]  }
0x19a: {  	v31 =	vld [tilespmem:s29+$0x12520]  }
0x19b: {  	v32 =	vld [tilespmem:s29+$0x12D00]  }
0x19c: {  	v33 =	vld [tilespmem:s29+$0x12D10]  }
0x19d: {  	v34 =	vld [tilespmem:s29+$0x12D20]  }
0x19e: {  	v35 =	vld [tilespmem:s29+$0x13500]  }
0x19f: {  	v36 =	vld [tilespmem:s29+$0x13510]  }
0x1a0: {  	v37 =	vld [tilespmem:s29+$0x13520]  }
0x1a1: {  	v38 =	vld [tilespmem:s29+$0x13D00]  }
0x1a2: {  	v39 =	vld [tilespmem:s29+$0x13D10];
	v0 =	vadd.f32 v1, v0  }
0x1a3: {  	v1 =	vld [tilespmem:s29+$0x13D30]  }
0x1a4: {  	v40 =	vld [tilespmem:s29+$0x13D20];
	v0 =	vadd.f32 v3, v0  }
0x1a5: {  	v3 =	vld [tilespmem:s29+$0x14530]  }
0x1a6: {  	v41 =	vld [tilespmem:s29+$0x14500];
	v0 =	vadd.f32 v5, v0  }
0x1a7: {  	v5 =	vld [tilespmem:s29+$0x14D30]  }
0x1a8: {  	v42 =	vld [tilespmem:s29+$0x14510];
	v0 =	vadd.f32 v1, v0  }
0x1a9: {  	v1 =	vld [tilespmem:s29+$0x15530]  }
0x1aa: {  	v43 =	vld [tilespmem:s29+$0x14520];
	v0 =	vadd.f32 v3, v0  }
0x1ab: {  	v3 =	vld [tilespmem:s29+$0x15D30]  }
0x1ac: {  	v44 =	vld [tilespmem:s29+$0x14D00];
	v0 =	vadd.f32 v5, v0  }
0x1ad: {  	v5 =	vld [tilespmem:s29+$0x16530]  }
0x1ae: {  	v45 =	vld [tilespmem:s29+$0x14D20];
	v0 =	vadd.f32 v1, v0  }
0x1af: {  	v1 =	vld [tilespmem:s29+$0x16D30]  }
0x1b0: {  	v46 =	vld [tilespmem:s29+$0x15510];
	v0 =	vadd.f32 v3, v0  }
0x1b1: {  	v3 =	vld [tilespmem:s29+$0x17530]  }
0x1b2: {  	v47 =	vld [tilespmem:s29+$0x15D00];
	v0 =	vadd.f32 v5, v0  }
0x1b3: {  	v5 =	vld [tilespmem:s29+$0x17D30]  }
0x1b4: {  	v48 =	vld [tilespmem:s29+$0x16510];
	v0 =	vadd.f32 v1, v0  }
0x1b5: {  	v1 =	vld [tilespmem:s29+$0x18530]  }
0x1b6: {  	v49 =	vld [tilespmem:s29+$0x16520];
	v0 =	vadd.f32 v3, v0  }
0x1b7: {  	v3 =	vld [tilespmem:s29+$0x18D30]  }
0x1b8: {  	v50 =	vld [tilespmem:s29+$0x16D00];
	v0 =	vadd.f32 v5, v0  }
0x1b9: {  	v5 =	vld [tilespmem:s29+$0x19530]  }
0x1ba: {  	v51 =	vld [tilespmem:s29+$0x16D10];
	v0 =	vadd.f32 v1, v0  }
0x1bb: {  	v1 =	vld [tilespmem:s29+$0x19D30]  }
0x1bc: {  	v52 =	vld [tilespmem:s29+$0x16D20];
	v0 =	vadd.f32 v3, v0  }
0x1bd: {  	v3 =	vld [tilespmem:s29+$0x1A530]  }
0x1be: {  	v53 =	vld [tilespmem:s29+$0x17500];
	v0 =	vadd.f32 v5, v0  }
0x1bf: {  	v2 =	vadd.f32 v4, v2;
	v4 =	vadd.f32 v7, v6;
	v5 =	vld [tilespmem:s29+$0x1AD30]  }
0x1c0: {  	v54 =	vld [tilespmem:s29+$0x17510];
	v7 =	vadd.f32 v31, v8;
	v0 =	vadd.f32 v1, v0  }
0x1c1: {  	v2 =	vadd.f32 v32, v2;
	v4 =	vadd.f32 v33, v4;
	v1 =	vld [tilespmem:s29+$0x1B530]  }
0x1c2: {  	v55 =	vld [tilespmem:s29+$0x17520];
	v7 =	vadd.f32 v34, v7;
	v0 =	vadd.f32 v3, v0  }
0x1c3: {  	v56 =	vld [tilespmem:s29+$0x17D10];
	v2 =	vadd.f32 v35, v2;
	v4 =	vadd.f32 v36, v4  }
0x1c4: {  	v7 =	vadd.f32 v37, v7;
	v3 =	vld [tilespmem:s29+$0x14D10];
	v0 =	vadd.f32 v5, v0  }
0x1c5: {  	v57 =	vld [tilespmem:s29+$0x18D10];
	v2 =	vadd.f32 v38, v2;
	v4 =	vadd.f32 v39, v4  }
0x1c6: {  	v7 =	vadd.f32 v40, v7;
	v5 =	vld [tilespmem:s29+$0x15500];
	v0 =	vadd.f32 v1, v0  }
0x1c7: {  	v2 =	vadd.f32 v41, v2;
	v4 =	vadd.f32 v42, v4;
	v1 =	vld [tilespmem:s29+$0x15520]  }
0x1c8: {  	v7 =	vadd.f32 v43, v7;
	[tilespmem:s29+$0x1C530] =	vst v0;
	v0 =	vld [tilespmem:s29+$0x15D10]  }
0x1c9: {  	v6 =	vld [tilespmem:s29+$0x15D20];
	v2 =	vadd.f32 v44, v2;
	v3 =	vadd.f32 v3, v4  }
0x1ca: {  	v8 =	vld [tilespmem:s29+$0x16500];
	v7 =	vadd.f32 v45, v7  }
0x1cb: {  	v58 =	vld [tilespmem:s29+$0x18D20];
	v2 =	vadd.f32 v5, v2;
	v3 =	vadd.f32 v46, v3  }
0x1cc: {  	v59 =	vld [tilespmem:s29+$0x19500];
	v1 =	vadd.f32 v1, v7  }
0x1cd: {  	v60 =	vld [tilespmem:s29+$0x19510];
	v2 =	vadd.f32 v47, v2;
	v0 =	vadd.f32 v0, v3  }
0x1ce: {  	v61 =	vld [tilespmem:s29+$0x19520];
	v1 =	vadd.f32 v6, v1  }
0x1cf: {  	v4 =	vld [tilespmem:s29+$0x17D00];
	v2 =	vadd.f32 v8, v2;
	v0 =	vadd.f32 v48, v0  }
0x1d0: {  	v5 =	vld [tilespmem:s29+$0x17D20];
	v1 =	vadd.f32 v49, v1  }
0x1d1: {  	v7 =	vld [tilespmem:s29+$0x18500];
	v2 =	vadd.f32 v50, v2;
	v0 =	vadd.f32 v51, v0  }
0x1d2: {  	v3 =	vld [tilespmem:s29+$0x18510];
	v1 =	vadd.f32 v52, v1  }
0x1d3: {  	v6 =	vld [tilespmem:s29+$0x18520];
	v2 =	vadd.f32 v53, v2;
	v0 =	vadd.f32 v54, v0  }
0x1d4: {  	v8 =	vld [tilespmem:s29+$0x18D00];
	v1 =	vadd.f32 v55, v1  }
0x1d5: {  	v62 =	vld [tilespmem:s29+$0x1AD00];
	v2 =	vadd.f32 v4, v2;
	v0 =	vadd.f32 v56, v0  }
0x1d6: {  	v4 =	vld [tilespmem:s29+$0x19D00];
	v1 =	vadd.f32 v5, v1  }
0x1d7: {  	v5 =	vld [tilespmem:s29+$0x19D10];
	v2 =	vadd.f32 v7, v2;
	v0 =	vadd.f32 v3, v0  }
0x1d8: {  	v7 =	vld [tilespmem:s29+$0x1A510];
	v1 =	vadd.f32 v6, v1  }
0x1d9: {  	v3 =	vld [tilespmem:s29+$0x19D20];
	v2 =	vadd.f32 v8, v2;
	v0 =	vadd.f32 v57, v0  }
0x1da: {  	v6 =	vld [tilespmem:s29+$0x1A500];
	v1 =	vadd.f32 v58, v1  }
0x1db: {  	v8 =	vld [tilespmem:s29+$0x1A520];
	v2 =	vadd.f32 v59, v2;
	v0 =	vadd.f32 v60, v0  }
0x1dc: {  	v63 =	vld [tilespmem:s29+$0x1AD10];
	v10 =	vadd.f32 v61, v1  }
0x1dd: {  	v2 =	vadd.f32 v4, v2;
	v1 =	vld [tilespmem:s29+$0x1AD20];
	v0 =	vadd.f32 v5, v0  }
0x1de: {  	v4 =	vadd.f32 v3, v10;
	v3 =	vld [tilespmem:s29+$0x1B500]  }
0x1df: {  	v6 =	vadd.f32 v6, v2;
	v2 =	vld [tilespmem:s29+$0x1B510];
	v7 =	vadd.f32 v7, v0  }
0x1e0: {  	s1 =	simm.s32 $0x40;
	v5 =	vadd.f32 v8, v4;
	v4 =	vld [tilespmem:s29+$0x1B520]  }
0x1e1: {  	s30 =	simm.s32 $0x200;
	v6 =	vadd.f32 v62, v6;
	v0 =	vld [tilespmem:s1+$0x11D30];
	v7 =	vadd.f32 v63, v7  }
.LBB2_5:
0x1e2: {  	p0 =	sne.s32 s30, $0x1F00;
	v8 =	vld [tilespmem:s1+$0x12530];
	v1 =	vadd.f32 v1, v5  }
0x1e3: {  	v5 =	vld [tilespmem:s1+$0x11D00];
	v3 =	vadd.f32 v3, v6  }
0x1e4: {  	v6 =	vld [tilespmem:s1+$0x12D30];
	v2 =	vadd.f32 v2, v7  }
0x1e5: {  	v7 =	vld [tilespmem:s1+$0x12500];
	[tilespmem:s29+$0x1C500] =	vst v3;
	v1 =	vadd.f32 v4, v1  }
0x1e6: {  	v3 =	vld [tilespmem:s1+$0x13530];
	[tilespmem:s29+$0x1C510] =	vst v2  }
0x1e7: {  	v2 =	vld [tilespmem:s1+$0x11D10];
	v0 =	vadd.f32 v8, v0;
	[tilespmem:s29+$0x1C520] =	vst v1;
	s29 =	smov.u32 s1  }
0x1e8: {  	v1 =	vld [tilespmem:s29+$0x13D30]  }
0x1e9: {  	v4 =	vld [tilespmem:s29+$0x12510];
	v0 =	vadd.f32 v6, v0  }
0x1ea: {  	v5 =	vadd.f32 v7, v5;
	v6 =	vld [tilespmem:s29+$0x14530]  }
0x1eb: {  	v7 =	vld [tilespmem:s29+$0x11D20];
	v0 =	vadd.f32 v3, v0  }
0x1ec: {  	v3 =	vld [tilespmem:s29+$0x14D30]  }
0x1ed: {  	v8 =	vld [tilespmem:s29+$0x12520];
	v0 =	vadd.f32 v1, v0  }
0x1ee: {  	v1 =	vadd.f32 v4, v2;
	v2 =	vld [tilespmem:s29+$0x15530]  }
0x1ef: {  	v4 =	vld [tilespmem:s29+$0x12D00];
	v0 =	vadd.f32 v6, v0  }
0x1f0: {  	v6 =	vld [tilespmem:s29+$0x15D30]  }
0x1f1: {  	v9 =	vld [tilespmem:s29+$0x12D10];
	v0 =	vadd.f32 v3, v0  }
0x1f2: {  	v3 =	vadd.f32 v8, v7;
	v7 =	vld [tilespmem:s29+$0x16530]  }
0x1f3: {  	v8 =	vld [tilespmem:s29+$0x12D20];
	v0 =	vadd.f32 v2, v0  }
0x1f4: {  	v2 =	vadd.f32 v4, v5;
	v4 =	vld [tilespmem:s29+$0x16D30]  }
0x1f5: {  	v5 =	vld [tilespmem:s29+$0x13500];
	v0 =	vadd.f32 v6, v0  }
0x1f6: {  	v1 =	vadd.f32 v9, v1;
	v6 =	vld [tilespmem:s29+$0x17530]  }
0x1f7: {  	v9 =	vld [tilespmem:s29+$0x13510];
	v0 =	vadd.f32 v7, v0  }
0x1f8: {  	v3 =	vadd.f32 v8, v3;
	v7 =	vld [tilespmem:s29+$0x17D30]  }
0x1f9: {  	v8 =	vld [tilespmem:s29+$0x13520];
	v0 =	vadd.f32 v4, v0  }
0x1fa: {  	v2 =	vadd.f32 v5, v2;
	v4 =	vld [tilespmem:s29+$0x18530]  }
0x1fb: {  	v5 =	vld [tilespmem:s29+$0x13D00];
	v0 =	vadd.f32 v6, v0  }
0x1fc: {  	v1 =	vadd.f32 v9, v1;
	v6 =	vld [tilespmem:s29+$0x18D30]  }
0x1fd: {  	v9 =	vld [tilespmem:s29+$0x13D10];
	v0 =	vadd.f32 v7, v0  }
0x1fe: {  	v3 =	vadd.f32 v8, v3;
	v7 =	vld [tilespmem:s29+$0x19530]  }
0x1ff: {  	v8 =	vld [tilespmem:s29+$0x13D20];
	v0 =	vadd.f32 v4, v0  }
0x200: {  	v2 =	vadd.f32 v5, v2;
	v4 =	vld [tilespmem:s29+$0x19D30]  }
0x201: {  	v5 =	vld [tilespmem:s29+$0x14500];
	v0 =	vadd.f32 v6, v0  }
0x202: {  	v1 =	vadd.f32 v9, v1;
	v6 =	vld [tilespmem:s29+$0x1A530]  }
0x203: {  	v9 =	vld [tilespmem:s29+$0x14510];
	v0 =	vadd.f32 v7, v0  }
0x204: {  	v3 =	vadd.f32 v8, v3;
	v7 =	vld [tilespmem:s29+$0x1AD30]  }
0x205: {  	v8 =	vld [tilespmem:s29+$0x14520];
	v0 =	vadd.f32 v4, v0  }
0x206: {  	v2 =	vadd.f32 v5, v2;
	v4 =	vld [tilespmem:s29+$0x1B530]  }
0x207: {  	v5 =	vld [tilespmem:s29+$0x14D00];
	v0 =	vadd.f32 v6, v0  }
0x208: {  	v1 =	vadd.f32 v9, v1;
	v6 =	vld [tilespmem:s29+$0x14D10]  }
0x209: {  	v9 =	vld [tilespmem:s29+$0x14D20];
	v0 =	vadd.f32 v7, v0  }
0x20a: {  	v7 =	vld [tilespmem:s29+$0x15500];
	v3 =	vadd.f32 v8, v3  }
0x20b: {  	v8 =	vld [tilespmem:s29+$0x15510];
	v0 =	vadd.f32 v4, v0  }
0x20c: {  	v2 =	vadd.f32 v5, v2;
	v4 =	vld [tilespmem:s29+$0x15520]  }
0x20d: {  	v5 =	vld [tilespmem:s29+$0x15D00];
	v1 =	vadd.f32 v6, v1;
	[tilespmem:s29+$0x1C530] =	vst v0  }
0x20e: {  	v0 =	vld [tilespmem:s29+$0x15D10];
	v3 =	vadd.f32 v9, v3  }
0x20f: {  	v2 =	vadd.f32 v7, v2;
	v6 =	vld [tilespmem:s29+$0x15D20]  }
0x210: {  	v7 =	vld [tilespmem:s29+$0x16500];
	v1 =	vadd.f32 v8, v1  }
0x211: {  	v8 =	vld [tilespmem:s29+$0x16510];
	v3 =	vadd.f32 v4, v3  }
0x212: {  	v2 =	vadd.f32 v5, v2;
	v4 =	vld [tilespmem:s29+$0x16520]  }
0x213: {  	v5 =	vld [tilespmem:s29+$0x16D00];
	v0 =	vadd.f32 v0, v1  }
0x214: {  	v1 =	vld [tilespmem:s29+$0x16D10];
	v3 =	vadd.f32 v6, v3  }
0x215: {  	v2 =	vadd.f32 v7, v2;
	v6 =	vld [tilespmem:s29+$0x16D20]  }
0x216: {  	v7 =	vld [tilespmem:s29+$0x17500];
	v0 =	vadd.f32 v8, v0  }
0x217: {  	v8 =	vld [tilespmem:s29+$0x17510];
	v3 =	vadd.f32 v4, v3  }
0x218: {  	v2 =	vadd.f32 v5, v2;
	v4 =	vld [tilespmem:s29+$0x17520]  }
0x219: {  	v5 =	vld [tilespmem:s29+$0x17D00];
	v0 =	vadd.f32 v1, v0  }
0x21a: {  	v1 =	vld [tilespmem:s29+$0x17D10];
	v3 =	vadd.f32 v6, v3  }
0x21b: {  	v2 =	vadd.f32 v7, v2;
	v6 =	vld [tilespmem:s29+$0x17D20]  }
0x21c: {  	v7 =	vld [tilespmem:s29+$0x18500];
	v0 =	vadd.f32 v8, v0  }
0x21d: {  	v8 =	vld [tilespmem:s29+$0x18510];
	v3 =	vadd.f32 v4, v3  }
0x21e: {  	v2 =	vadd.f32 v5, v2;
	v4 =	vld [tilespmem:s29+$0x18520]  }
0x21f: {  	v5 =	vld [tilespmem:s29+$0x18D00];
	v0 =	vadd.f32 v1, v0  }
0x220: {  	v1 =	vld [tilespmem:s29+$0x18D10];
	v3 =	vadd.f32 v6, v3  }
0x221: {  	v2 =	vadd.f32 v7, v2;
	v6 =	vld [tilespmem:s29+$0x18D20]  }
0x222: {  	v7 =	vld [tilespmem:s29+$0x19500];
	v0 =	vadd.f32 v8, v0  }
0x223: {  	v8 =	vld [tilespmem:s29+$0x19510];
	v3 =	vadd.f32 v4, v3  }
0x224: {  	v2 =	vadd.f32 v5, v2;
	v4 =	vld [tilespmem:s29+$0x19520]  }
0x225: {  	v5 =	vld [tilespmem:s29+$0x19D00];
	v0 =	vadd.f32 v1, v0  }
0x226: {  	v1 =	vld [tilespmem:s29+$0x19D10];
	v3 =	vadd.f32 v6, v3  }
0x227: {  	v2 =	vadd.f32 v7, v2;
	v6 =	vld [tilespmem:s29+$0x19D20]  }
0x228: {  	v7 =	vld [tilespmem:s29+$0x1A500];
	v0 =	vadd.f32 v8, v0  }
0x229: {  	v8 =	vld [tilespmem:s29+$0x1A510];
	v3 =	vadd.f32 v4, v3  }
0x22a: {  	v2 =	vadd.f32 v5, v2;
	v4 =	vld [tilespmem:s29+$0x1A520]  }
0x22b: {  	v9 =	vld [tilespmem:s29+$0x1AD00];
	v0 =	vadd.f32 v1, v0  }
0x22c: {  	v10 =	vld [tilespmem:s29+$0x1AD10];
	v5 =	vadd.f32 v6, v3  }
.Ltmp1:
0x22d: {  	v6 =	vadd.f32 v7, v2;
	v1 =	vld [tilespmem:s29+$0x1AD20];
	(pc) =	sbr.rel @p0 .LBB2_5-.Ltmp1, $4  }
0x22e: {  	v3 =	vld [tilespmem:s29+$0x1B500];
	v7 =	vadd.f32 v8, v0  }
0x22f: {  	v2 =	vld [tilespmem:s29+$0x1B510];
	v5 =	vadd.f32 v4, v5  }
0x230: {  	s1 =	sshra.s32 s30, $0x2;
	v6 =	vadd.f32 v9, v6;
	v4 =	vld [tilespmem:s29+$0x1B520]  }
0x231: {  	s30 =	sadd.s32 $0x100, s30;
	v0 =	vld [tilespmem:s1+$0x11D30];
	v7 =	vadd.f32 v10, v7  }
0x232: {  	v8 =	vld [tilespmem:s1+$0x12530]  }
0x233: {  	v9 =	vld [tilespmem:s1+$0x11D00];
	v1 =	vadd.f32 v1, v5;
	v3 =	vadd.f32 v3, v6  }
0x234: {  	v41 =	vld [tilespmem:s1+$0x12D30];
	v2 =	vadd.f32 v2, v7  }
0x235: {  	v10 =	vld [tilespmem:s1+$0x12500];
	[tilespmem:s29+$0x1C500] =	vst v3;
	v1 =	vadd.f32 v4, v1  }
0x236: {  	v3 =	vld [tilespmem:s1+$0x13530];
	[tilespmem:s29+$0x1C510] =	vst v2  }
0x237: {  	v2 =	vld [tilespmem:s1+$0x11D10];
	[tilespmem:s29+$0x1C520] =	vst v1  }
0x238: {  	v1 =	vld [tilespmem:s1+$0x13D30]  }
0x239: {  	v42 =	vld [tilespmem:s1+$0x12510]  }
0x23a: {  	v43 =	vld [tilespmem:s1+$0x14530]  }
0x23b: {  	v44 =	vld [tilespmem:s1+$0x11D20]  }
0x23c: {  	v45 =	vld [tilespmem:s1+$0x14D30]  }
0x23d: {  	v46 =	vld [tilespmem:s1+$0x12520]  }
0x23e: {  	v47 =	vld [tilespmem:s1+$0x15530]  }
0x23f: {  	v48 =	vld [tilespmem:s1+$0x12D00]  }
0x240: {  	v49 =	vld [tilespmem:s1+$0x15D30]  }
0x241: {  	v11 =	vld [tilespmem:s1+$0x12D10]  }
0x242: {  	v50 =	vld [tilespmem:s1+$0x16530]  }
0x243: {  	v12 =	vld [tilespmem:s1+$0x12D20]  }
0x244: {  	v51 =	vld [tilespmem:s1+$0x16D30]  }
0x245: {  	v13 =	vld [tilespmem:s1+$0x13500]  }
0x246: {  	v52 =	vld [tilespmem:s1+$0x17530]  }
0x247: {  	v14 =	vld [tilespmem:s1+$0x13510]  }
0x248: {  	v53 =	vld [tilespmem:s1+$0x17D30]  }
0x249: {  	v0 =	vadd.f32 v8, v0;
	v15 =	vld [tilespmem:s1+$0x13520]  }
0x24a: {  	v54 =	vld [tilespmem:s1+$0x18530]  }
0x24b: {  	v16 =	vld [tilespmem:s1+$0x13D00];
	v0 =	vadd.f32 v41, v0  }
0x24c: {  	v55 =	vld [tilespmem:s1+$0x18D30]  }
0x24d: {  	v17 =	vld [tilespmem:s1+$0x13D10];
	v0 =	vadd.f32 v3, v0  }
0x24e: {  	v56 =	vld [tilespmem:s1+$0x19530]  }
0x24f: {  	v18 =	vld [tilespmem:s1+$0x13D20];
	v0 =	vadd.f32 v1, v0  }
0x250: {  	v57 =	vld [tilespmem:s1+$0x19D30]  }
0x251: {  	v19 =	vld [tilespmem:s1+$0x14500];
	v0 =	vadd.f32 v43, v0  }
0x252: {  	v58 =	vld [tilespmem:s1+$0x1A530]  }
0x253: {  	v20 =	vld [tilespmem:s1+$0x14510];
	v0 =	vadd.f32 v45, v0  }
0x254: {  	v59 =	vld [tilespmem:s1+$0x1AD30]  }
0x255: {  	v21 =	vld [tilespmem:s1+$0x14520];
	v0 =	vadd.f32 v47, v0  }
0x256: {  	v60 =	vld [tilespmem:s1+$0x1B530]  }
0x257: {  	v22 =	vld [tilespmem:s1+$0x14D00];
	v0 =	vadd.f32 v49, v0  }
0x258: {  	v61 =	vld [tilespmem:s1+$0x14D10]  }
0x259: {  	v23 =	vld [tilespmem:s1+$0x14D20];
	v0 =	vadd.f32 v50, v0  }
0x25a: {  	v62 =	vld [tilespmem:s1+$0x15500]  }
0x25b: {  	v24 =	vld [tilespmem:s1+$0x15510];
	v0 =	vadd.f32 v51, v0  }
0x25c: {  	v63 =	vld [tilespmem:s1+$0x15520]  }
0x25d: {  	v25 =	vld [tilespmem:s1+$0x15D00];
	v0 =	vadd.f32 v52, v0  }
0x25e: {  	v27 =	vld [tilespmem:s1+$0x15D10]  }
0x25f: {  	v28 =	vld [tilespmem:s1+$0x15D20];
	v6 =	vadd.f32 v46, v44;
	v0 =	vadd.f32 v53, v0  }
0x260: {  	v9 =	vadd.f32 v10, v9;
	v29 =	vld [tilespmem:s1+$0x16500];
	v2 =	vadd.f32 v42, v2  }
0x261: {  	v31 =	vld [tilespmem:s1+$0x16510];
	v6 =	vadd.f32 v12, v6;
	v0 =	vadd.f32 v54, v0  }
0x262: {  	v32 =	vld [tilespmem:s1+$0x16520];
	v30 =	vadd.f32 v48, v9;
	v2 =	vadd.f32 v11, v2  }
0x263: {  	v33 =	vld [tilespmem:s1+$0x16D00];
	v6 =	vadd.f32 v15, v6;
	v0 =	vadd.f32 v55, v0  }
0x264: {  	v34 =	vld [tilespmem:s1+$0x16D10];
	v7 =	vadd.f32 v13, v30;
	v2 =	vadd.f32 v14, v2  }
0x265: {  	v35 =	vld [tilespmem:s1+$0x16D20];
	v6 =	vadd.f32 v18, v6;
	v0 =	vadd.f32 v56, v0  }
0x266: {  	v36 =	vld [tilespmem:s1+$0x17500];
	v7 =	vadd.f32 v16, v7;
	v2 =	vadd.f32 v17, v2  }
0x267: {  	v37 =	vld [tilespmem:s1+$0x17510];
	v6 =	vadd.f32 v21, v6;
	v0 =	vadd.f32 v57, v0  }
0x268: {  	v38 =	vld [tilespmem:s1+$0x17520];
	v7 =	vadd.f32 v19, v7;
	v2 =	vadd.f32 v20, v2  }
0x269: {  	v39 =	vld [tilespmem:s1+$0x17D00];
	v6 =	vadd.f32 v23, v6;
	v0 =	vadd.f32 v58, v0  }
0x26a: {  	v40 =	vld [tilespmem:s1+$0x17D10];
	v7 =	vadd.f32 v22, v7;
	v2 =	vadd.f32 v61, v2  }
0x26b: {  	v41 =	vld [tilespmem:s1+$0x17D20];
	v1 =	vadd.f32 v63, v6;
	v0 =	vadd.f32 v59, v0  }
0x26c: {  	v42 =	vld [tilespmem:s1+$0x18500];
	v3 =	vadd.f32 v62, v7;
	v2 =	vadd.f32 v24, v2  }
0x26d: {  	v44 =	vld [tilespmem:s1+$0x18520];
	v1 =	vadd.f32 v28, v1;
	v0 =	vadd.f32 v60, v0  }
0x26e: {  	v46 =	vld [tilespmem:s1+$0x18D10];
	v3 =	vadd.f32 v25, v3  }
0x26f: {  	v48 =	vld [tilespmem:s1+$0x19500];
	v1 =	vadd.f32 v32, v1;
	[tilespmem:s1+$0x1C530] =	vst v0;
	v0 =	vadd.f32 v27, v2  }
0x270: {  	v43 =	vld [tilespmem:s1+$0x18510];
	v3 =	vadd.f32 v29, v3  }
0x271: {  	v45 =	vld [tilespmem:s1+$0x18D00];
	v1 =	vadd.f32 v35, v1;
	v0 =	vadd.f32 v31, v0  }
0x272: {  	v47 =	vld [tilespmem:s1+$0x18D20];
	v3 =	vadd.f32 v33, v3  }
0x273: {  	v49 =	vld [tilespmem:s1+$0x19510];
	v1 =	vadd.f32 v38, v1;
	v0 =	vadd.f32 v34, v0  }
0x274: {  	v50 =	vld [tilespmem:s1+$0x19520];
	v3 =	vadd.f32 v36, v3  }
0x275: {  	v51 =	vld [tilespmem:s1+$0x19D00];
	v1 =	vadd.f32 v41, v1;
	v0 =	vadd.f32 v37, v0  }
0x276: {  	v63 =	vld [tilespmem:s1+$0x1B520];
	v3 =	vadd.f32 v39, v3  }
0x277: {  	v52 =	vld [tilespmem:s1+$0x19D10];
	v1 =	vadd.f32 v44, v1;
	v0 =	vadd.f32 v40, v0  }
0x278: {  	v53 =	vld [tilespmem:s1+$0x19D20];
	v3 =	vadd.f32 v42, v3  }
0x279: {  	v54 =	vld [tilespmem:s1+$0x1A500];
	v1 =	vadd.f32 v47, v1;
	v0 =	vadd.f32 v43, v0  }
0x27a: {  	v55 =	vadd.f32 v45, v3;
	v57 =	vld [tilespmem:s1+$0x1A520]  }
0x27b: {  	v56 =	vld [tilespmem:s1+$0x1A510];
	v1 =	vadd.f32 v50, v1;
	v0 =	vadd.f32 v46, v0  }
0x27c: {  	v60 =	vld [tilespmem:s1+$0x1AD20];
	v2 =	vadd.f32 v48, v55  }
0x27d: {  	v58 =	vld [tilespmem:s1+$0x1AD00];
	v1 =	vadd.f32 v53, v1;
	v0 =	vadd.f32 v49, v0  }
0x27e: {  	v59 =	vld [tilespmem:s1+$0x1AD10];
	v2 =	vadd.f32 v51, v2  }
0x27f: {  	v61 =	vld [tilespmem:s1+$0x1B500];
	v1 =	vadd.f32 v57, v1;
	v0 =	vadd.f32 v52, v0  }
0x280: {  	v62 =	vld [tilespmem:s1+$0x1B510];
	v2 =	vadd.f32 v54, v2  }
0x281: {  	v1 =	vadd.f32 v60, v1;
	v0 =	vadd.f32 v56, v0  }
0x282: {  	v2 =	vadd.f32 v58, v2  }
0x283: {  	v1 =	vadd.f32 v63, v1;
	v0 =	vadd.f32 v59, v0  }
0x284: {  	s28 =	sshll.u32 s28, $0x10;
	v2 =	vadd.f32 v61, v2  }
0x285: {  	s7 =	sadd.s32 $0x1, s7;
	s28 =	sor.u32 s6, s28;
	[tilespmem:s1+$0x1C520] =	vst v1;
	v0 =	vadd.f32 v62, v0  }
0x286: {  	p0 =	sne.s32 s7, $0x19;
	s28 =	sshrl.u32 s28, $0x3;
	[tilespmem:s1+$0x1C500] =	vst v2  }
.Ltmp2:
0x287: {  	s31 =	sadd.s32 s2, s28;
	[tilespmem:s1+$0x1C510] =	vst v0;
	(pc) =	sbr.rel @p0 .LBB2_2-.Ltmp2, $4  }
0x288: {  	[hbm4b:s31+s3] =	stream.linear.scatter [tilespmem:s5], [sflag:$0x3], $0x800, $0x38;
	[tilespmem:$0x1CD00] =	vst v63  }
0x289: {  	_ =	swait.ge [sflag:s10], $0x800  }
0x28a: {  	[sflag:s10] =	ssyncset.done $0x0  }
0x28b: {  	[sflag:s10] =	ssyncadd.s32 $0xFFFFF800  }
0x28c: {  	s7 =	rddreg [dreg:$0x5]  }
0x28d: {  	s1 =	rddreg [dreg:$0x4];
	s7 =	sadd.s32 $0x1, s7  }
0x28e: {  	p0 =	sne.s32 s7, s1  }
.Ltmp3:
0x28f: {  	_ = 	snop;
	(pc) =	sbr.rel @p0 .LBB2_1-.Ltmp3, $1  }
0x290: {  	_ =	sdelay $0x3  }
0x291: {  	_ =	sfence.sel $0x180000  }
0x292: {  	[bflag:$0x0] =	sbarrier.arrive $0xFFFF  }
0x293: {  	_ =	strace $0x90000047  }
0x294: {  	s0 =	stileid.u32;
	[bflag:$0x2] =	sbarrier.arrive $0xFFFF  }
0x295: {  	p0 =	sne.s32 s0, $0x0;
	s0 =	rddreg [dreg:$0x2]  }
0x296: {  	s0 =	sadd.s32 @!p0 $0x100000, s0  }
0x297: {  	[sflag:s0] =	ssyncadd.tile.s32 @!p0 $0x1;
	_ =	shalt  }
.Lfunc_end2:
_tile_overlayer_lowered:
.L_overlay_start_2:
0x298: {  	(tag) =	ssettag $0x2  }
0x299: {  	s0 =	rddreg [dreg:$0x0];
	s2 =	stileid.u32  }
0x29a: {  	s1 =	rddreg [dreg:$0x1];
	p0 =	sne.s32 s2, $0x0  }
0x29b: {  	s3 =	rddreg [dreg:$0x2];
	[bflag:$0x3] =	sbarrier.arrive $0xFFFF;
	s2 =	simm.s32 @!p0 $0x1C03  }
0x29c: {  	[timem:s3], [sflag:s2] =	dma.local @!p0 [hbm:s0], s1  }
0x29d: {  	s0 =	simm.s32 @!p0 $0x3  }
0x29e: {  	_ =	swait.ge @!p0 [sflag:s0], s1  }
0x29f: {  	s1 =	ssub.s32 @!p0 $0x0, s1;
	[sflag:s0] =	ssyncset.done @!p0 $0x0  }
0x2a0: {  	[sflag:s0] =	ssyncadd.s32 @!p0 s1  }
0x2a1: {  	[bflag:$0x3] =	sbarrier.arrive $0xFFFF  }
0x2a2: {  	_ =	shalt  }

</sc_bundles>
